<compile_context>
chip_gen: v7x
topology: tpu7x:2x2x1
jax: 0.10.2.dev20260603
libtpu: 0.0.44.dev20260713+nightly
codegen_flags: <defaults>
</compile_context>

<pallas_src>
import functools

import jax
import jax.numpy as jnp
from jax import lax
from jax.experimental import pallas as pl
from jax.experimental.pallas import tpu as pltpu
from jax.experimental.pallas import tpu_sc as plsc
from jax.experimental.layout import Format, Layout, with_layout_constraint

_B = 16384
_D = 64
_NEG = 20
_ITEMS = 1000000

_NC = 2
_NS = 16
_NW = _NC * _NS
_L = 16
_G = _D // _L

_BPW = _B // _NW
_CH = 32
_NCH = _BPW // _CH
_IDX_CH = 128


def _sc_body(ii_hbm, pi_hbm, ni_hbm, ev_hbm, eu_hbm,
             pos_out, neg_out,
             idx_in, idx_pos, idx_neg,
             v_buf0, p_buf0, n_buf0, v_buf1, p_buf1, n_buf1,
             pos_buf, neg_buf, sem0, sem1):
    w = lax.axis_index("s") * _NC + lax.axis_index("c")
    base = w * _BPW

    pltpu.sync_copy(ii_hbm.at[pl.ds(base, _BPW)], idx_in)
    pltpu.sync_copy(pi_hbm.at[pl.ds(base, _BPW)], idx_pos)
    pltpu.sync_copy(ni_hbm.at[pl.ds(base * _NEG, _BPW * _NEG)], idx_neg)

    bufs = ((v_buf0, p_buf0, n_buf0, sem0), (v_buf1, p_buf1, n_buf1, sem1))

    def copies(c, par):
        v_buf, p_buf, n_buf, sem = bufs[par]
        cb = pl.multiple_of(c * _CH, _CH)
        cps = [
            pltpu.make_async_copy(ev_hbm.at[idx_in.at[pl.ds(cb, _CH)]],
                                  v_buf, sem),
            pltpu.make_async_copy(eu_hbm.at[idx_pos.at[pl.ds(cb, _CH)]],
                                  p_buf, sem),
        ]
        nbase = pl.multiple_of(c * (_CH * _NEG), _CH * _NEG)
        for k in range(_CH * _NEG // _IDX_CH):
            cps.append(pltpu.make_async_copy(
                eu_hbm.at[idx_neg.at[pl.ds(nbase + k * _IDX_CH, _IDX_CH)]],
                n_buf.at[pl.ds(k * _IDX_CH, _IDX_CH)], sem))
        return cps

    def issue(c, par):
        for cp in copies(c, par):
            cp.start()

    def drain(c, par):
        for cp in copies(c, par):
            cp.wait()

    def compute(c, par):
        v_buf, p_buf, n_buf, _ = bufs[par]
        cb = pl.multiple_of(c * _CH, _CH)

        def b_body(b, _):
            nb = b * _NEG
            ob = cb + b
            pos_acc = None
            neg_acc = None
            for g in range(_G):
                sl = pl.ds(g * _L, _L)
                vv = v_buf[b, sl]
                t = n_buf[nb, sl]
                for j in range(1, _NEG):
                    t = t + n_buf[nb + j, sl]
                pa = vv * p_buf[b, sl]
                na = vv * t
                pos_acc = pa if g == 0 else pos_acc + pa
                neg_acc = na if g == 0 else neg_acc + na
            pos_buf[ob, :] = pos_acc
            neg_buf[ob, :] = neg_acc
            return 0

        lax.fori_loop(0, _CH, b_body, 0)

    issue(0, 0)

    def pair_body(s, _):
        c0 = s * 2
        c1 = c0 + 1
        drain(c0, 0)
        issue(c1, 1)
        compute(c0, 0)
        drain(c1, 1)

        @pl.when(c0 + 2 < _NCH)
        def _():
            issue(c0 + 2, 0)

        compute(c1, 1)
        return 0

    lax.fori_loop(0, _NCH // 2, pair_body, 0)
    pltpu.sync_copy(pos_buf, pos_out.at[pl.ds(base, _BPW)])
    pltpu.sync_copy(neg_buf, neg_out.at[pl.ds(base, _BPW)])


@functools.cache
def _sc_scores():
  return pl.kernel(
    _sc_body,
    out_type=(
        jax.ShapeDtypeStruct((_B, _L), jnp.float32),
        jax.ShapeDtypeStruct((_B, _L), jnp.float32),
    ),
    mesh=plsc.VectorSubcoreMesh(core_axis_name="c", subcore_axis_name="s",
                                num_cores=_NC, num_subcores=_NS),
    compiler_params=pltpu.CompilerParams(use_tc_tiling_on_sc=False),
    scratch_types=[
        pltpu.VMEM((_BPW,), jnp.int32),
        pltpu.VMEM((_BPW,), jnp.int32),
        pltpu.VMEM((_BPW * _NEG,), jnp.int32),
        pltpu.VMEM((_CH, _D), jnp.float32),
        pltpu.VMEM((_CH, _D), jnp.float32),
        pltpu.VMEM((_CH * _NEG, _D), jnp.float32),
        pltpu.VMEM((_CH, _D), jnp.float32),
        pltpu.VMEM((_CH, _D), jnp.float32),
        pltpu.VMEM((_CH * _NEG, _D), jnp.float32),
        pltpu.VMEM((_BPW, _L), jnp.float32),
        pltpu.VMEM((_BPW, _L), jnp.float32),
        pltpu.SemaphoreType.DMA,
        pltpu.SemaphoreType.DMA,
    ],
  )


def _log_sigmoid(x):
    return jnp.minimum(x, 0.0) - jnp.log1p(jnp.exp(-jnp.abs(x)))


def _loss_body(pos_ref, neg_ref, out_ref):
    pos = jnp.sum(pos_ref[...], axis=1, keepdims=True)
    neg = -jnp.sum(neg_ref[...], axis=1, keepdims=True)
    loss = _log_sigmoid(pos) + _log_sigmoid(neg)
    out_ref[...] = -jnp.sum(loss, axis=(0, 1), keepdims=True) / _B


_tc_loss = pl.pallas_call(
    _loss_body,
    out_shape=jax.ShapeDtypeStruct((1, 1), jnp.float32),
)


def kernel(input_items, pos_items, neg_items, embedding_v, embedding_u):
    ii = input_items.reshape(_B)
    pi = pos_items.reshape(_B)
    ni = neg_items.reshape(_B * _NEG)
    fmt = Layout(major_to_minor=(0, 1), tiling=((8,),))
    ev = with_layout_constraint(embedding_v, fmt)
    eu = with_layout_constraint(embedding_u, fmt)
    pos_part, neg_part = _sc_scores()(ii, pi, ni, ev, eu)
    return _tc_loss(pos_part, neg_part).reshape(())

# --- scband reference (transcript-rebuilt; emitter-appended) ---
"""Pipeline reference for scband-item2vec-16733192585641 (READ-ONLY COPY).

The authoritative reference and input builder live on the scoring server;
editing this copy changes nothing except your own understanding.
"""

import jax, jax.numpy as jnp
import numpy as np

ITEM_SIZE = 1000000
EMBED_DIM = 64
BATCH = 16384
NEG = 20

def setup_inputs(seed: int = 0) -> dict:
    key = jax.random.key(seed)
    k1, k2, k3, k4, k5 = jax.random.split(key, 5)
    input_items = jax.random.randint(k1, (BATCH, 1), 0, ITEM_SIZE, dtype=jnp.int64 if jax.config.jax_enable_x64 else jnp.int32).astype(jnp.int32)
    pos_items = jax.random.randint(k2, (BATCH, 1), 0, ITEM_SIZE).astype(jnp.int32)
    neg_items = jax.random.randint(k3, (BATCH, NEG), 0, ITEM_SIZE).astype(jnp.int32)
    init_range = (2.0 / (ITEM_SIZE + EMBED_DIM)) ** 0.5
    embedding_v = jax.random.uniform(k4, (ITEM_SIZE, EMBED_DIM), dtype=jnp.float32, minval=-init_range, maxval=init_range)
    embedding_u = jax.random.uniform(k5, (ITEM_SIZE, EMBED_DIM), dtype=jnp.float32, minval=-init_range, maxval=init_range)
    return {
        'input_items': input_items,
        'pos_items': pos_items,
        'neg_items': neg_items,
        'embedding_v': embedding_v,
        'embedding_u': embedding_u,
    }

def reference(input_items, pos_items, neg_items, embedding_v, embedding_u):
    # embedding lookups (gather)
    input_embeds = jnp.take(embedding_v, input_items, axis=0)   # [B, 1, D]
    pos_embeds = jnp.take(embedding_u, pos_items, axis=0)       # [B, 1, D]
    neg_embeds = -jnp.take(embedding_u, neg_items, axis=0)      # [B, NEG, D]
    # pos_score = pos_embeds.bmm(input_embeds.transpose(1,2)).squeeze(2) -> [B, 1]
    pos_score = jnp.squeeze(jnp.matmul(pos_embeds, jnp.swapaxes(input_embeds, 1, 2)), axis=2)
    # neg_score = sum over dim 1 of [B, NEG] then view(B, -1) -> [B, 1]
    neg_score = jnp.sum(
        jnp.squeeze(jnp.matmul(neg_embeds, jnp.swapaxes(input_embeds, 1, 2)), axis=2), axis=1
    ).reshape(input_items.shape[0], -1)
    loss = jax.nn.log_sigmoid(pos_score) + jax.nn.log_sigmoid(neg_score)
    return -jnp.mean(loss)

if __name__ == "__main__":
    import jax
    _d = setup_inputs()
    print(jax.jit(kernel)(*tuple(_d.values())))

</pallas_src>

<mosaic_0001>
#map = affine_map<(d0, d1) -> (0)>
#map1 = affine_map<(d0, d1) -> (0, 0)>
module attributes {stable_mosaic.version = 14 : i64} {
  func.func @_sc_body(%arg0: i32, %arg1: i32, %arg2: memref<16384xi32, #tpu.memory_space<hbm>>, %arg3: memref<16384xi32, #tpu.memory_space<hbm>>, %arg4: memref<327680xi32, #tpu.memory_space<hbm>>, %arg5: memref<1000000x64xf32, #tpu.memory_space<hbm>>, %arg6: memref<1000000x64xf32, #tpu.memory_space<hbm>>, %arg7: memref<16384x16xf32, #tpu.memory_space<hbm>>, %arg8: memref<16384x16xf32, #tpu.memory_space<hbm>>, %arg9: memref<512xi32, #tpu.memory_space<vmem>>, %arg10: memref<512xi32, #tpu.memory_space<vmem>>, %arg11: memref<10240xi32, #tpu.memory_space<vmem>>, %arg12: memref<32x64xf32, #tpu.memory_space<vmem>>, %arg13: memref<32x64xf32, #tpu.memory_space<vmem>>, %arg14: memref<640x64xf32, #tpu.memory_space<vmem>>, %arg15: memref<32x64xf32, #tpu.memory_space<vmem>>, %arg16: memref<32x64xf32, #tpu.memory_space<vmem>>, %arg17: memref<640x64xf32, #tpu.memory_space<vmem>>, %arg18: memref<512x16xf32, #tpu.memory_space<vmem>>, %arg19: memref<512x16xf32, #tpu.memory_space<vmem>>, %arg20: memref<!tpu.dma_semaphore, #tpu.memory_space<semaphore_mem>>, %arg21: memref<!tpu.dma_semaphore, #tpu.memory_space<semaphore_mem>>) attributes {dimension_semantics = [#tpu.dimension_semantics<core_parallel>, #tpu.dimension_semantics<subcore_parallel>], iteration_bounds = array<i64: 2, 16>, scalar_prefetch = 0 : i64, scratch_operands = 13 : i64, tpu.core_type = #tpu.core_type<sc_vector_subcore>, window_params = [{transform_indices = #map}, {transform_indices = #map}, {transform_indices = #map}, {transform_indices = #map1}, {transform_indices = #map1}, {transform_indices = #map1}, {transform_indices = #map1}]} {
    %mul3A = arith.constant 2 : i32
    %mul3A_0 = arith.muli %arg1, %mul3A : i32
    %add3A = arith.addi %mul3A_0, %arg0 : i32
    %mul3A_1 = arith.constant 512 : i32
    %mul3A_2 = arith.muli %add3A, %mul3A_1 : i32
    "tpu.region"() ({
      %run_scoped3A = tpu.sem_alloc : memref<!tpu.dma_semaphore, #tpu.memory_space<semaphore_mem>>
      %dma_start3A_66 = tpu.memref_slice %arg2[%mul3A_2] : memref<16384xi32, #tpu.memory_space<hbm>> -> memref<512xi32, #tpu.memory_space<hbm>>
      %dma_start3A_67 = tpu.memref_slice %arg2[%mul3A_2] : memref<16384xi32, #tpu.memory_space<hbm>> -> memref<512xi32, #tpu.memory_space<hbm>>
      tpu.enqueue_dma source(%dma_start3A_67 : memref<512xi32, #tpu.memory_space<hbm>>) target(%arg9 : memref<512xi32, #tpu.memory_space<vmem>>) target_semaphore(%run_scoped3A : memref<!tpu.dma_semaphore, #tpu.memory_space<semaphore_mem>>)
      %dma_wait3A = tpu.memref_slice %arg2[%mul3A_2] : memref<16384xi32, #tpu.memory_space<hbm>> -> memref<512xi32, #tpu.memory_space<hbm>>
      %dma_wait3A_68 = tpu.memref_slice %arg2[%mul3A_2] : memref<16384xi32, #tpu.memory_space<hbm>> -> memref<512xi32, #tpu.memory_space<hbm>>
      tpu.wait_dma2 semaphore(%run_scoped3A : memref<!tpu.dma_semaphore, #tpu.memory_space<semaphore_mem>>) src(%dma_wait3A_68 : memref<512xi32, #tpu.memory_space<hbm>>) dst(%arg9 : memref<512xi32, #tpu.memory_space<vmem>>)
      tpu.yield
    }) : () -> ()
    "tpu.region"() ({
      %run_scoped3A = tpu.sem_alloc : memref<!tpu.dma_semaphore, #tpu.memory_space<semaphore_mem>>
      %dma_start3A_66 = tpu.memref_slice %arg3[%mul3A_2] : memref<16384xi32, #tpu.memory_space<hbm>> -> memref<512xi32, #tpu.memory_space<hbm>>
      %dma_start3A_67 = tpu.memref_slice %arg3[%mul3A_2] : memref<16384xi32, #tpu.memory_space<hbm>> -> memref<512xi32, #tpu.memory_space<hbm>>
      tpu.enqueue_dma source(%dma_start3A_67 : memref<512xi32, #tpu.memory_space<hbm>>) target(%arg10 : memref<512xi32, #tpu.memory_space<vmem>>) target_semaphore(%run_scoped3A : memref<!tpu.dma_semaphore, #tpu.memory_space<semaphore_mem>>)
      %dma_wait3A = tpu.memref_slice %arg3[%mul3A_2] : memref<16384xi32, #tpu.memory_space<hbm>> -> memref<512xi32, #tpu.memory_space<hbm>>
      %dma_wait3A_68 = tpu.memref_slice %arg3[%mul3A_2] : memref<16384xi32, #tpu.memory_space<hbm>> -> memref<512xi32, #tpu.memory_space<hbm>>
      tpu.wait_dma2 semaphore(%run_scoped3A : memref<!tpu.dma_semaphore, #tpu.memory_space<semaphore_mem>>) src(%dma_wait3A_68 : memref<512xi32, #tpu.memory_space<hbm>>) dst(%arg10 : memref<512xi32, #tpu.memory_space<vmem>>)
      tpu.yield
    }) : () -> ()
    %mul3A_3 = arith.constant 20 : i32
    %mul3A_4 = arith.muli %mul3A_2, %mul3A_3 : i32
    "tpu.region"() ({
      %run_scoped3A = tpu.sem_alloc : memref<!tpu.dma_semaphore, #tpu.memory_space<semaphore_mem>>
      %dma_start3A_66 = tpu.memref_slice %arg4[%mul3A_4] : memref<327680xi32, #tpu.memory_space<hbm>> -> memref<10240xi32, #tpu.memory_space<hbm>>
      %dma_start3A_67 = tpu.memref_slice %arg4[%mul3A_4] : memref<327680xi32, #tpu.memory_space<hbm>> -> memref<10240xi32, #tpu.memory_space<hbm>>
      tpu.enqueue_dma source(%dma_start3A_67 : memref<10240xi32, #tpu.memory_space<hbm>>) target(%arg11 : memref<10240xi32, #tpu.memory_space<vmem>>) target_semaphore(%run_scoped3A : memref<!tpu.dma_semaphore, #tpu.memory_space<semaphore_mem>>)
      %dma_wait3A = tpu.memref_slice %arg4[%mul3A_4] : memref<327680xi32, #tpu.memory_space<hbm>> -> memref<10240xi32, #tpu.memory_space<hbm>>
      %dma_wait3A_68 = tpu.memref_slice %arg4[%mul3A_4] : memref<327680xi32, #tpu.memory_space<hbm>> -> memref<10240xi32, #tpu.memory_space<hbm>>
      tpu.wait_dma2 semaphore(%run_scoped3A : memref<!tpu.dma_semaphore, #tpu.memory_space<semaphore_mem>>) src(%dma_wait3A_68 : memref<10240xi32, #tpu.memory_space<hbm>>) dst(%arg11 : memref<10240xi32, #tpu.memory_space<vmem>>)
      tpu.yield
    }) : () -> ()
    %multiple_of3A = arith.constant 0 : i32
    %multiple_of3A_5 = tpu.assume_multiple %multiple_of3A, 32 : i32
    %multiple_of3A_6 = arith.constant 0 : i32
    %multiple_of3A_7 = tpu.assume_multiple %multiple_of3A_6, 640 : i32
    %add3A_8 = arith.constant 0 : i32
    %add3A_9 = arith.addi %multiple_of3A_7, %add3A_8 : i32
    %add3A_10 = arith.constant 128 : i32
    %add3A_11 = arith.addi %multiple_of3A_7, %add3A_10 : i32
    %add3A_12 = arith.constant 256 : i32
    %add3A_13 = arith.addi %multiple_of3A_7, %add3A_12 : i32
    %add3A_14 = arith.constant 384 : i32
    %add3A_15 = arith.addi %multiple_of3A_7, %add3A_14 : i32
    %add3A_16 = arith.constant 512 : i32
    %add3A_17 = arith.addi %multiple_of3A_7, %add3A_16 : i32
    %dma_start3A = tpu.memref_slice %arg9[%multiple_of3A_5] : memref<512xi32, #tpu.memory_space<vmem>> -> memref<32xi32, #tpu.memory_space<vmem>>
    %dma_start3A_18 = arith.constant 0 : i32
    %dma_start3A_19 = arith.constant 0 : i32
    %dma_start3A_20 = tpu.memref_slice %arg5[%dma_start3A_18, %dma_start3A_19] : memref<1000000x64xf32, #tpu.memory_space<hbm>> -> memref<1000000x64xf32, #tpu.memory_space<hbm>>
    tpu.enqueue_indirect_dma source(%dma_start3A_20 : memref<1000000x64xf32, #tpu.memory_space<hbm>>) target(%arg12 : memref<32x64xf32, #tpu.memory_space<vmem>>) offsets(%dma_start3A : memref<32xi32, #tpu.memory_space<vmem>>) semaphore(%arg20 : memref<!tpu.dma_semaphore, #tpu.memory_space<semaphore_mem>>)
    %dma_start3A_21 = tpu.memref_slice %arg10[%multiple_of3A_5] : memref<512xi32, #tpu.memory_space<vmem>> -> memref<32xi32, #tpu.memory_space<vmem>>
    %dma_start3A_22 = arith.constant 0 : i32
    %dma_start3A_23 = arith.constant 0 : i32
    %dma_start3A_24 = tpu.memref_slice %arg6[%dma_start3A_22, %dma_start3A_23] : memref<1000000x64xf32, #tpu.memory_space<hbm>> -> memref<1000000x64xf32, #tpu.memory_space<hbm>>
    tpu.enqueue_indirect_dma source(%dma_start3A_24 : memref<1000000x64xf32, #tpu.memory_space<hbm>>) target(%arg13 : memref<32x64xf32, #tpu.memory_space<vmem>>) offsets(%dma_start3A_21 : memref<32xi32, #tpu.memory_space<vmem>>) semaphore(%arg20 : memref<!tpu.dma_semaphore, #tpu.memory_space<semaphore_mem>>)
    %dma_start3A_25 = arith.constant 0 : i32
    %dma_start3A_26 = arith.constant 0 : i32
    %dma_start3A_27 = tpu.memref_slice %arg14[%dma_start3A_25, %dma_start3A_26] : memref<640x64xf32, #tpu.memory_space<vmem>> -> memref<128x64xf32, #tpu.memory_space<vmem>>
    %dma_start3A_28 = tpu.memref_slice %arg11[%add3A_9] : memref<10240xi32, #tpu.memory_space<vmem>> -> memref<128xi32, #tpu.memory_space<vmem>>
    %dma_start3A_29 = arith.constant 0 : i32
    %dma_start3A_30 = arith.constant 0 : i32
    %dma_start3A_31 = tpu.memref_slice %arg6[%dma_start3A_29, %dma_start3A_30] : memref<1000000x64xf32, #tpu.memory_space<hbm>> -> memref<1000000x64xf32, #tpu.memory_space<hbm>>
    tpu.enqueue_indirect_dma source(%dma_start3A_31 : memref<1000000x64xf32, #tpu.memory_space<hbm>>) target(%dma_start3A_27 : memref<128x64xf32, #tpu.memory_space<vmem>>) offsets(%dma_start3A_28 : memref<128xi32, #tpu.memory_space<vmem>>) semaphore(%arg20 : memref<!tpu.dma_semaphore, #tpu.memory_space<semaphore_mem>>)
    %dma_start3A_32 = arith.constant 128 : i32
    %dma_start3A_33 = arith.constant 0 : i32
    %dma_start3A_34 = tpu.memref_slice %arg14[%dma_start3A_32, %dma_start3A_33] : memref<640x64xf32, #tpu.memory_space<vmem>> -> memref<128x64xf32, #tpu.memory_space<vmem>>
    %dma_start3A_35 = tpu.memref_slice %arg11[%add3A_11] : memref<10240xi32, #tpu.memory_space<vmem>> -> memref<128xi32, #tpu.memory_space<vmem>>
    %dma_start3A_36 = arith.constant 0 : i32
    %dma_start3A_37 = arith.constant 0 : i32
    %dma_start3A_38 = tpu.memref_slice %arg6[%dma_start3A_36, %dma_start3A_37] : memref<1000000x64xf32, #tpu.memory_space<hbm>> -> memref<1000000x64xf32, #tpu.memory_space<hbm>>
    tpu.enqueue_indirect_dma source(%dma_start3A_38 : memref<1000000x64xf32, #tpu.memory_space<hbm>>) target(%dma_start3A_34 : memref<128x64xf32, #tpu.memory_space<vmem>>) offsets(%dma_start3A_35 : memref<128xi32, #tpu.memory_space<vmem>>) semaphore(%arg20 : memref<!tpu.dma_semaphore, #tpu.memory_space<semaphore_mem>>)
    %dma_start3A_39 = arith.constant 256 : i32
    %dma_start3A_40 = arith.constant 0 : i32
    %dma_start3A_41 = tpu.memref_slice %arg14[%dma_start3A_39, %dma_start3A_40] : memref<640x64xf32, #tpu.memory_space<vmem>> -> memref<128x64xf32, #tpu.memory_space<vmem>>
    %dma_start3A_42 = tpu.memref_slice %arg11[%add3A_13] : memref<10240xi32, #tpu.memory_space<vmem>> -> memref<128xi32, #tpu.memory_space<vmem>>
    %dma_start3A_43 = arith.constant 0 : i32
    %dma_start3A_44 = arith.constant 0 : i32
    %dma_start3A_45 = tpu.memref_slice %arg6[%dma_start3A_43, %dma_start3A_44] : memref<1000000x64xf32, #tpu.memory_space<hbm>> -> memref<1000000x64xf32, #tpu.memory_space<hbm>>
    tpu.enqueue_indirect_dma source(%dma_start3A_45 : memref<1000000x64xf32, #tpu.memory_space<hbm>>) target(%dma_start3A_41 : memref<128x64xf32, #tpu.memory_space<vmem>>) offsets(%dma_start3A_42 : memref<128xi32, #tpu.memory_space<vmem>>) semaphore(%arg20 : memref<!tpu.dma_semaphore, #tpu.memory_space<semaphore_mem>>)
    %dma_start3A_46 = arith.constant 384 : i32
    %dma_start3A_47 = arith.constant 0 : i32
    %dma_start3A_48 = tpu.memref_slice %arg14[%dma_start3A_46, %dma_start3A_47] : memref<640x64xf32, #tpu.memory_space<vmem>> -> memref<128x64xf32, #tpu.memory_space<vmem>>
    %dma_start3A_49 = tpu.memref_slice %arg11[%add3A_15] : memref<10240xi32, #tpu.memory_space<vmem>> -> memref<128xi32, #tpu.memory_space<vmem>>
    %dma_start3A_50 = arith.constant 0 : i32
    %dma_start3A_51 = arith.constant 0 : i32
    %dma_start3A_52 = tpu.memref_slice %arg6[%dma_start3A_50, %dma_start3A_51] : memref<1000000x64xf32, #tpu.memory_space<hbm>> -> memref<1000000x64xf32, #tpu.memory_space<hbm>>
    tpu.enqueue_indirect_dma source(%dma_start3A_52 : memref<1000000x64xf32, #tpu.memory_space<hbm>>) target(%dma_start3A_48 : memref<128x64xf32, #tpu.memory_space<vmem>>) offsets(%dma_start3A_49 : memref<128xi32, #tpu.memory_space<vmem>>) semaphore(%arg20 : memref<!tpu.dma_semaphore, #tpu.memory_space<semaphore_mem>>)
    %dma_start3A_53 = arith.constant 512 : i32
    %dma_start3A_54 = arith.constant 0 : i32
    %dma_start3A_55 = tpu.memref_slice %arg14[%dma_start3A_53, %dma_start3A_54] : memref<640x64xf32, #tpu.memory_space<vmem>> -> memref<128x64xf32, #tpu.memory_space<vmem>>
    %dma_start3A_56 = tpu.memref_slice %arg11[%add3A_17] : memref<10240xi32, #tpu.memory_space<vmem>> -> memref<128xi32, #tpu.memory_space<vmem>>
    %dma_start3A_57 = arith.constant 0 : i32
    %dma_start3A_58 = arith.constant 0 : i32
    %dma_start3A_59 = tpu.memref_slice %arg6[%dma_start3A_57, %dma_start3A_58] : memref<1000000x64xf32, #tpu.memory_space<hbm>> -> memref<1000000x64xf32, #tpu.memory_space<hbm>>
    tpu.enqueue_indirect_dma source(%dma_start3A_59 : memref<1000000x64xf32, #tpu.memory_space<hbm>>) target(%dma_start3A_55 : memref<128x64xf32, #tpu.memory_space<vmem>>) offsets(%dma_start3A_56 : memref<128xi32, #tpu.memory_space<vmem>>) semaphore(%arg20 : memref<!tpu.dma_semaphore, #tpu.memory_space<semaphore_mem>>)
    %scan3A = arith.constant 0 : i32
    %scan3A_60 = arith.constant 0 : i32
    %scan3A_61 = arith.constant 8 : i32
    %scan3A_62 = arith.addi %scan3A_60, %scan3A_61 : i32
    %scan3A_63 = arith.constant 1 : i32
    %scan3A_64 = scf.for %scan3A_66 = %scan3A_60 to %scan3A_62 step %scan3A_63 iter_args(%scan3A_67 = %scan3A) -> (i32)  : i32 {
      %mul3A_68 = arith.constant 2 : i32
      %mul3A_69 = arith.muli %scan3A_66, %mul3A_68 : i32
      %add3A_70 = arith.constant 1 : i32
      %add3A_71 = arith.addi %mul3A_69, %add3A_70 : i32
      %mul3A_72 = arith.constant 32 : i32
      %mul3A_73 = arith.muli %mul3A_69, %mul3A_72 : i32
      %multiple_of3A_74 = tpu.assume_multiple %mul3A_73, 32 : i32
      %mul3A_75 = arith.constant 640 : i32
      %mul3A_76 = arith.muli %mul3A_69, %mul3A_75 : i32
      %multiple_of3A_77 = tpu.assume_multiple %mul3A_76, 640 : i32
      %add3A_78 = arith.constant 0 : i32
      %add3A_79 = arith.addi %multiple_of3A_77, %add3A_78 : i32
      %add3A_80 = arith.constant 128 : i32
      %add3A_81 = arith.addi %multiple_of3A_77, %add3A_80 : i32
      %add3A_82 = arith.constant 256 : i32
      %add3A_83 = arith.addi %multiple_of3A_77, %add3A_82 : i32
      %add3A_84 = arith.constant 384 : i32
      %add3A_85 = arith.addi %multiple_of3A_77, %add3A_84 : i32
      %add3A_86 = arith.constant 512 : i32
      %add3A_87 = arith.addi %multiple_of3A_77, %add3A_86 : i32
      %dma_wait3A = tpu.memref_slice %arg9[%multiple_of3A_74] : memref<512xi32, #tpu.memory_space<vmem>> -> memref<32xi32, #tpu.memory_space<vmem>>
      %dma_wait3A_88 = arith.constant 0 : i32
      %dma_wait3A_89 = arith.constant 0 : i32
      %dma_wait3A_90 = tpu.memref_slice %arg5[%dma_wait3A_88, %dma_wait3A_89] : memref<1000000x64xf32, #tpu.memory_space<hbm>> -> memref<1000000x64xf32, #tpu.memory_space<hbm>>
      tpu.wait_indirect_dma semaphore(%arg20 : memref<!tpu.dma_semaphore, #tpu.memory_space<semaphore_mem>>) src(%dma_wait3A_90 : memref<1000000x64xf32, #tpu.memory_space<hbm>>) dst(%arg12 : memref<32x64xf32, #tpu.memory_space<vmem>>)
      %dma_wait3A_91 = tpu.memref_slice %arg10[%multiple_of3A_74] : memref<512xi32, #tpu.memory_space<vmem>> -> memref<32xi32, #tpu.memory_space<vmem>>
      %dma_wait3A_92 = arith.constant 0 : i32
      %dma_wait3A_93 = arith.constant 0 : i32
      %dma_wait3A_94 = tpu.memref_slice %arg6[%dma_wait3A_92, %dma_wait3A_93] : memref<1000000x64xf32, #tpu.memory_space<hbm>> -> memref<1000000x64xf32, #tpu.memory_space<hbm>>
      tpu.wait_indirect_dma semaphore(%arg20 : memref<!tpu.dma_semaphore, #tpu.memory_space<semaphore_mem>>) src(%dma_wait3A_94 : memref<1000000x64xf32, #tpu.memory_space<hbm>>) dst(%arg13 : memref<32x64xf32, #tpu.memory_space<vmem>>)
      %dma_wait3A_95 = arith.constant 0 : i32
      %dma_wait3A_96 = arith.constant 0 : i32
      %dma_wait3A_97 = tpu.memref_slice %arg14[%dma_wait3A_95, %dma_wait3A_96] : memref<640x64xf32, #tpu.memory_space<vmem>> -> memref<128x64xf32, #tpu.memory_space<vmem>>
      %dma_wait3A_98 = tpu.memref_slice %arg11[%add3A_79] : memref<10240xi32, #tpu.memory_space<vmem>> -> memref<128xi32, #tpu.memory_space<vmem>>
      %dma_wait3A_99 = arith.constant 0 : i32
      %dma_wait3A_100 = arith.constant 0 : i32
      %dma_wait3A_101 = tpu.memref_slice %arg6[%dma_wait3A_99, %dma_wait3A_100] : memref<1000000x64xf32, #tpu.memory_space<hbm>> -> memref<1000000x64xf32, #tpu.memory_space<hbm>>
      tpu.wait_indirect_dma semaphore(%arg20 : memref<!tpu.dma_semaphore, #tpu.memory_space<semaphore_mem>>) src(%dma_wait3A_101 : memref<1000000x64xf32, #tpu.memory_space<hbm>>) dst(%dma_wait3A_97 : memref<128x64xf32, #tpu.memory_space<vmem>>)
      %dma_wait3A_102 = arith.constant 128 : i32
      %dma_wait3A_103 = arith.constant 0 : i32
      %dma_wait3A_104 = tpu.memref_slice %arg14[%dma_wait3A_102, %dma_wait3A_103] : memref<640x64xf32, #tpu.memory_space<vmem>> -> memref<128x64xf32, #tpu.memory_space<vmem>>
      %dma_wait3A_105 = tpu.memref_slice %arg11[%add3A_81] : memref<10240xi32, #tpu.memory_space<vmem>> -> memref<128xi32, #tpu.memory_space<vmem>>
      %dma_wait3A_106 = arith.constant 0 : i32
      %dma_wait3A_107 = arith.constant 0 : i32
      %dma_wait3A_108 = tpu.memref_slice %arg6[%dma_wait3A_106, %dma_wait3A_107] : memref<1000000x64xf32, #tpu.memory_space<hbm>> -> memref<1000000x64xf32, #tpu.memory_space<hbm>>
      tpu.wait_indirect_dma semaphore(%arg20 : memref<!tpu.dma_semaphore, #tpu.memory_space<semaphore_mem>>) src(%dma_wait3A_108 : memref<1000000x64xf32, #tpu.memory_space<hbm>>) dst(%dma_wait3A_104 : memref<128x64xf32, #tpu.memory_space<vmem>>)
      %dma_wait3A_109 = arith.constant 256 : i32
      %dma_wait3A_110 = arith.constant 0 : i32
      %dma_wait3A_111 = tpu.memref_slice %arg14[%dma_wait3A_109, %dma_wait3A_110] : memref<640x64xf32, #tpu.memory_space<vmem>> -> memref<128x64xf32, #tpu.memory_space<vmem>>
      %dma_wait3A_112 = tpu.memref_slice %arg11[%add3A_83] : memref<10240xi32, #tpu.memory_space<vmem>> -> memref<128xi32, #tpu.memory_space<vmem>>
      %dma_wait3A_113 = arith.constant 0 : i32
      %dma_wait3A_114 = arith.constant 0 : i32
      %dma_wait3A_115 = tpu.memref_slice %arg6[%dma_wait3A_113, %dma_wait3A_114] : memref<1000000x64xf32, #tpu.memory_space<hbm>> -> memref<1000000x64xf32, #tpu.memory_space<hbm>>
      tpu.wait_indirect_dma semaphore(%arg20 : memref<!tpu.dma_semaphore, #tpu.memory_space<semaphore_mem>>) src(%dma_wait3A_115 : memref<1000000x64xf32, #tpu.memory_space<hbm>>) dst(%dma_wait3A_111 : memref<128x64xf32, #tpu.memory_space<vmem>>)
      %dma_wait3A_116 = arith.constant 384 : i32
      %dma_wait3A_117 = arith.constant 0 : i32
      %dma_wait3A_118 = tpu.memref_slice %arg14[%dma_wait3A_116, %dma_wait3A_117] : memref<640x64xf32, #tpu.memory_space<vmem>> -> memref<128x64xf32, #tpu.memory_space<vmem>>
      %dma_wait3A_119 = tpu.memref_slice %arg11[%add3A_85] : memref<10240xi32, #tpu.memory_space<vmem>> -> memref<128xi32, #tpu.memory_space<vmem>>
      %dma_wait3A_120 = arith.constant 0 : i32
      %dma_wait3A_121 = arith.constant 0 : i32
      %dma_wait3A_122 = tpu.memref_slice %arg6[%dma_wait3A_120, %dma_wait3A_121] : memref<1000000x64xf32, #tpu.memory_space<hbm>> -> memref<1000000x64xf32, #tpu.memory_space<hbm>>
      tpu.wait_indirect_dma semaphore(%arg20 : memref<!tpu.dma_semaphore, #tpu.memory_space<semaphore_mem>>) src(%dma_wait3A_122 : memref<1000000x64xf32, #tpu.memory_space<hbm>>) dst(%dma_wait3A_118 : memref<128x64xf32, #tpu.memory_space<vmem>>)
      %dma_wait3A_123 = arith.constant 512 : i32
      %dma_wait3A_124 = arith.constant 0 : i32
      %dma_wait3A_125 = tpu.memref_slice %arg14[%dma_wait3A_123, %dma_wait3A_124] : memref<640x64xf32, #tpu.memory_space<vmem>> -> memref<128x64xf32, #tpu.memory_space<vmem>>
      %dma_wait3A_126 = tpu.memref_slice %arg11[%add3A_87] : memref<10240xi32, #tpu.memory_space<vmem>> -> memref<128xi32, #tpu.memory_space<vmem>>
      %dma_wait3A_127 = arith.constant 0 : i32
      %dma_wait3A_128 = arith.constant 0 : i32
      %dma_wait3A_129 = tpu.memref_slice %arg6[%dma_wait3A_127, %dma_wait3A_128] : memref<1000000x64xf32, #tpu.memory_space<hbm>> -> memref<1000000x64xf32, #tpu.memory_space<hbm>>
      tpu.wait_indirect_dma semaphore(%arg20 : memref<!tpu.dma_semaphore, #tpu.memory_space<semaphore_mem>>) src(%dma_wait3A_129 : memref<1000000x64xf32, #tpu.memory_space<hbm>>) dst(%dma_wait3A_125 : memref<128x64xf32, #tpu.memory_space<vmem>>)
      %mul3A_130 = arith.constant 32 : i32
      %mul3A_131 = arith.muli %add3A_71, %mul3A_130 : i32
      %multiple_of3A_132 = tpu.assume_multiple %mul3A_131, 32 : i32
      %mul3A_133 = arith.constant 640 : i32
      %mul3A_134 = arith.muli %add3A_71, %mul3A_133 : i32
      %multiple_of3A_135 = tpu.assume_multiple %mul3A_134, 640 : i32
      %add3A_136 = arith.constant 0 : i32
      %add3A_137 = arith.addi %multiple_of3A_135, %add3A_136 : i32
      %add3A_138 = arith.constant 128 : i32
      %add3A_139 = arith.addi %multiple_of3A_135, %add3A_138 : i32
      %add3A_140 = arith.constant 256 : i32
      %add3A_141 = arith.addi %multiple_of3A_135, %add3A_140 : i32
      %add3A_142 = arith.constant 384 : i32
      %add3A_143 = arith.addi %multiple_of3A_135, %add3A_142 : i32
      %add3A_144 = arith.constant 512 : i32
      %add3A_145 = arith.addi %multiple_of3A_135, %add3A_144 : i32
      %dma_start3A_146 = tpu.memref_slice %arg9[%multiple_of3A_132] : memref<512xi32, #tpu.memory_space<vmem>> -> memref<32xi32, #tpu.memory_space<vmem>>
      %dma_start3A_147 = arith.constant 0 : i32
      %dma_start3A_148 = arith.constant 0 : i32
      %dma_start3A_149 = tpu.memref_slice %arg5[%dma_start3A_147, %dma_start3A_148] : memref<1000000x64xf32, #tpu.memory_space<hbm>> -> memref<1000000x64xf32, #tpu.memory_space<hbm>>
      tpu.enqueue_indirect_dma source(%dma_start3A_149 : memref<1000000x64xf32, #tpu.memory_space<hbm>>) target(%arg15 : memref<32x64xf32, #tpu.memory_space<vmem>>) offsets(%dma_start3A_146 : memref<32xi32, #tpu.memory_space<vmem>>) semaphore(%arg21 : memref<!tpu.dma_semaphore, #tpu.memory_space<semaphore_mem>>)
      %dma_start3A_150 = tpu.memref_slice %arg10[%multiple_of3A_132] : memref<512xi32, #tpu.memory_space<vmem>> -> memref<32xi32, #tpu.memory_space<vmem>>
      %dma_start3A_151 = arith.constant 0 : i32
      %dma_start3A_152 = arith.constant 0 : i32
      %dma_start3A_153 = tpu.memref_slice %arg6[%dma_start3A_151, %dma_start3A_152] : memref<1000000x64xf32, #tpu.memory_space<hbm>> -> memref<1000000x64xf32, #tpu.memory_space<hbm>>
      tpu.enqueue_indirect_dma source(%dma_start3A_153 : memref<1000000x64xf32, #tpu.memory_space<hbm>>) target(%arg16 : memref<32x64xf32, #tpu.memory_space<vmem>>) offsets(%dma_start3A_150 : memref<32xi32, #tpu.memory_space<vmem>>) semaphore(%arg21 : memref<!tpu.dma_semaphore, #tpu.memory_space<semaphore_mem>>)
      %dma_start3A_154 = arith.constant 0 : i32
      %dma_start3A_155 = arith.constant 0 : i32
      %dma_start3A_156 = tpu.memref_slice %arg17[%dma_start3A_154, %dma_start3A_155] : memref<640x64xf32, #tpu.memory_space<vmem>> -> memref<128x64xf32, #tpu.memory_space<vmem>>
      %dma_start3A_157 = tpu.memref_slice %arg11[%add3A_137] : memref<10240xi32, #tpu.memory_space<vmem>> -> memref<128xi32, #tpu.memory_space<vmem>>
      %dma_start3A_158 = arith.constant 0 : i32
      %dma_start3A_159 = arith.constant 0 : i32
      %dma_start3A_160 = tpu.memref_slice %arg6[%dma_start3A_158, %dma_start3A_159] : memref<1000000x64xf32, #tpu.memory_space<hbm>> -> memref<1000000x64xf32, #tpu.memory_space<hbm>>
      tpu.enqueue_indirect_dma source(%dma_start3A_160 : memref<1000000x64xf32, #tpu.memory_space<hbm>>) target(%dma_start3A_156 : memref<128x64xf32, #tpu.memory_space<vmem>>) offsets(%dma_start3A_157 : memref<128xi32, #tpu.memory_space<vmem>>) semaphore(%arg21 : memref<!tpu.dma_semaphore, #tpu.memory_space<semaphore_mem>>)
      %dma_start3A_161 = arith.constant 128 : i32
      %dma_start3A_162 = arith.constant 0 : i32
      %dma_start3A_163 = tpu.memref_slice %arg17[%dma_start3A_161, %dma_start3A_162] : memref<640x64xf32, #tpu.memory_space<vmem>> -> memref<128x64xf32, #tpu.memory_space<vmem>>
      %dma_start3A_164 = tpu.memref_slice %arg11[%add3A_139] : memref<10240xi32, #tpu.memory_space<vmem>> -> memref<128xi32, #tpu.memory_space<vmem>>
      %dma_start3A_165 = arith.constant 0 : i32
      %dma_start3A_166 = arith.constant 0 : i32
      %dma_start3A_167 = tpu.memref_slice %arg6[%dma_start3A_165, %dma_start3A_166] : memref<1000000x64xf32, #tpu.memory_space<hbm>> -> memref<1000000x64xf32, #tpu.memory_space<hbm>>
      tpu.enqueue_indirect_dma source(%dma_start3A_167 : memref<1000000x64xf32, #tpu.memory_space<hbm>>) target(%dma_start3A_163 : memref<128x64xf32, #tpu.memory_space<vmem>>) offsets(%dma_start3A_164 : memref<128xi32, #tpu.memory_space<vmem>>) semaphore(%arg21 : memref<!tpu.dma_semaphore, #tpu.memory_space<semaphore_mem>>)
      %dma_start3A_168 = arith.constant 256 : i32
      %dma_start3A_169 = arith.constant 0 : i32
      %dma_start3A_170 = tpu.memref_slice %arg17[%dma_start3A_168, %dma_start3A_169] : memref<640x64xf32, #tpu.memory_space<vmem>> -> memref<128x64xf32, #tpu.memory_space<vmem>>
      %dma_start3A_171 = tpu.memref_slice %arg11[%add3A_141] : memref<10240xi32, #tpu.memory_space<vmem>> -> memref<128xi32, #tpu.memory_space<vmem>>
      %dma_start3A_172 = arith.constant 0 : i32
      %dma_start3A_173 = arith.constant 0 : i32
      %dma_start3A_174 = tpu.memref_slice %arg6[%dma_start3A_172, %dma_start3A_173] : memref<1000000x64xf32, #tpu.memory_space<hbm>> -> memref<1000000x64xf32, #tpu.memory_space<hbm>>
      tpu.enqueue_indirect_dma source(%dma_start3A_174 : memref<1000000x64xf32, #tpu.memory_space<hbm>>) target(%dma_start3A_170 : memref<128x64xf32, #tpu.memory_space<vmem>>) offsets(%dma_start3A_171 : memref<128xi32, #tpu.memory_space<vmem>>) semaphore(%arg21 : memref<!tpu.dma_semaphore, #tpu.memory_space<semaphore_mem>>)
      %dma_start3A_175 = arith.constant 384 : i32
      %dma_start3A_176 = arith.constant 0 : i32
      %dma_start3A_177 = tpu.memref_slice %arg17[%dma_start3A_175, %dma_start3A_176] : memref<640x64xf32, #tpu.memory_space<vmem>> -> memref<128x64xf32, #tpu.memory_space<vmem>>
      %dma_start3A_178 = tpu.memref_slice %arg11[%add3A_143] : memref<10240xi32, #tpu.memory_space<vmem>> -> memref<128xi32, #tpu.memory_space<vmem>>
      %dma_start3A_179 = arith.constant 0 : i32
      %dma_start3A_180 = arith.constant 0 : i32
      %dma_start3A_181 = tpu.memref_slice %arg6[%dma_start3A_179, %dma_start3A_180] : memref<1000000x64xf32, #tpu.memory_space<hbm>> -> memref<1000000x64xf32, #tpu.memory_space<hbm>>
      tpu.enqueue_indirect_dma source(%dma_start3A_181 : memref<1000000x64xf32, #tpu.memory_space<hbm>>) target(%dma_start3A_177 : memref<128x64xf32, #tpu.memory_space<vmem>>) offsets(%dma_start3A_178 : memref<128xi32, #tpu.memory_space<vmem>>) semaphore(%arg21 : memref<!tpu.dma_semaphore, #tpu.memory_space<semaphore_mem>>)
      %dma_start3A_182 = arith.constant 512 : i32
      %dma_start3A_183 = arith.constant 0 : i32
      %dma_start3A_184 = tpu.memref_slice %arg17[%dma_start3A_182, %dma_start3A_183] : memref<640x64xf32, #tpu.memory_space<vmem>> -> memref<128x64xf32, #tpu.memory_space<vmem>>
      %dma_start3A_185 = tpu.memref_slice %arg11[%add3A_145] : memref<10240xi32, #tpu.memory_space<vmem>> -> memref<128xi32, #tpu.memory_space<vmem>>
      %dma_start3A_186 = arith.constant 0 : i32
      %dma_start3A_187 = arith.constant 0 : i32
      %dma_start3A_188 = tpu.memref_slice %arg6[%dma_start3A_186, %dma_start3A_187] : memref<1000000x64xf32, #tpu.memory_space<hbm>> -> memref<1000000x64xf32, #tpu.memory_space<hbm>>
      tpu.enqueue_indirect_dma source(%dma_start3A_188 : memref<1000000x64xf32, #tpu.memory_space<hbm>>) target(%dma_start3A_184 : memref<128x64xf32, #tpu.memory_space<vmem>>) offsets(%dma_start3A_185 : memref<128xi32, #tpu.memory_space<vmem>>) semaphore(%arg21 : memref<!tpu.dma_semaphore, #tpu.memory_space<semaphore_mem>>)
      %mul3A_189 = arith.constant 32 : i32
      %mul3A_190 = arith.muli %mul3A_69, %mul3A_189 : i32
      %multiple_of3A_191 = tpu.assume_multiple %mul3A_190, 32 : i32
      %scan3A_192 = arith.constant 0 : i32
      %scan3A_193 = arith.constant 0 : i32
      %scan3A_194 = arith.constant 32 : i32
      %scan3A_195 = arith.addi %scan3A_193, %scan3A_194 : i32
      %scan3A_196 = arith.constant 1 : i32
      %scan3A_197 = scf.for %scan3A_273 = %scan3A_193 to %scan3A_195 step %scan3A_196 iter_args(%scan3A_274 = %scan3A_192) -> (i32)  : i32 {
        %mul3A_275 = arith.constant 20 : i32
        %mul3A_276 = arith.muli %scan3A_273, %mul3A_275 : i32
        %add3A_277 = arith.addi %multiple_of3A_191, %scan3A_273 : i32
        %get3A = arith.index_cast %scan3A_273 : i32 to index
        %get3A_278 = arith.constant 0 : index
        %get3A_279 = tpu.vector_load %arg12[%get3A, %get3A_278] {strides = array<i32>} : memref<32x64xf32, #tpu.memory_space<vmem>>, vector<1x16xf32>,
        %get3A_280 = vector.shape_cast %get3A_279 : vector<1x16xf32> to vector<16xf32>
        %get3A_281 = arith.index_cast %mul3A_276 : i32 to index
        %get3A_282 = arith.constant 0 : index
        %get3A_283 = tpu.vector_load %arg14[%get3A_281, %get3A_282] {strides = array<i32>} : memref<640x64xf32, #tpu.memory_space<vmem>>, vector<1x16xf32>,
        %get3A_284 = vector.shape_cast %get3A_283 : vector<1x16xf32> to vector<16xf32>
        %add3A_285 = arith.constant 1 : i32
        %add3A_286 = arith.addi %mul3A_276, %add3A_285 : i32
        %get3A_287 = arith.index_cast %add3A_286 : i32 to index
        %get3A_288 = arith.constant 0 : index
        %get3A_289 = tpu.vector_load %arg14[%get3A_287, %get3A_288] {strides = array<i32>} : memref<640x64xf32, #tpu.memory_space<vmem>>, vector<1x16xf32>,
        %get3A_290 = vector.shape_cast %get3A_289 : vector<1x16xf32> to vector<16xf32>
        %add3A_291 = arith.addf %get3A_284, %get3A_290 : vector<16xf32>
        %add3A_292 = arith.constant 2 : i32
        %add3A_293 = arith.addi %mul3A_276, %add3A_292 : i32
        %get3A_294 = arith.index_cast %add3A_293 : i32 to index
        %get3A_295 = arith.constant 0 : index
        %get3A_296 = tpu.vector_load %arg14[%get3A_294, %get3A_295] {strides = array<i32>} : memref<640x64xf32, #tpu.memory_space<vmem>>, vector<1x16xf32>,
        %get3A_297 = vector.shape_cast %get3A_296 : vector<1x16xf32> to vector<16xf32>
        %add3A_298 = arith.addf %add3A_291, %get3A_297 : vector<16xf32>
        %add3A_299 = arith.constant 3 : i32
        %add3A_300 = arith.addi %mul3A_276, %add3A_299 : i32
        %get3A_301 = arith.index_cast %add3A_300 : i32 to index
        %get3A_302 = arith.constant 0 : index
        %get3A_303 = tpu.vector_load %arg14[%get3A_301, %get3A_302] {strides = array<i32>} : memref<640x64xf32, #tpu.memory_space<vmem>>, vector<1x16xf32>,
        %get3A_304 = vector.shape_cast %get3A_303 : vector<1x16xf32> to vector<16xf32>
        %add3A_305 = arith.addf %add3A_298, %get3A_304 : vector<16xf32>
        %add3A_306 = arith.constant 4 : i32
        %add3A_307 = arith.addi %mul3A_276, %add3A_306 : i32
        %get3A_308 = arith.index_cast %add3A_307 : i32 to index
        %get3A_309 = arith.constant 0 : index
        %get3A_310 = tpu.vector_load %arg14[%get3A_308, %get3A_309] {strides = array<i32>} : memref<640x64xf32, #tpu.memory_space<vmem>>, vector<1x16xf32>,
        %get3A_311 = vector.shape_cast %get3A_310 : vector<1x16xf32> to vector<16xf32>
        %add3A_312 = arith.addf %add3A_305, %get3A_311 : vector<16xf32>
        %add3A_313 = arith.constant 5 : i32
        %add3A_314 = arith.addi %mul3A_276, %add3A_313 : i32
        %get3A_315 = arith.index_cast %add3A_314 : i32 to index
        %get3A_316 = arith.constant 0 : index
        %get3A_317 = tpu.vector_load %arg14[%get3A_315, %get3A_316] {strides = array<i32>} : memref<640x64xf32, #tpu.memory_space<vmem>>, vector<1x16xf32>,
        %get3A_318 = vector.shape_cast %get3A_317 : vector<1x16xf32> to vector<16xf32>
        %add3A_319 = arith.addf %add3A_312, %get3A_318 : vector<16xf32>
        %add3A_320 = arith.constant 6 : i32
        %add3A_321 = arith.addi %mul3A_276, %add3A_320 : i32
        %get3A_322 = arith.index_cast %add3A_321 : i32 to index
        %get3A_323 = arith.constant 0 : index
        %get3A_324 = tpu.vector_load %arg14[%get3A_322, %get3A_323] {strides = array<i32>} : memref<640x64xf32, #tpu.memory_space<vmem>>, vector<1x16xf32>,
        %get3A_325 = vector.shape_cast %get3A_324 : vector<1x16xf32> to vector<16xf32>
        %add3A_326 = arith.addf %add3A_319, %get3A_325 : vector<16xf32>
        %add3A_327 = arith.constant 7 : i32
        %add3A_328 = arith.addi %mul3A_276, %add3A_327 : i32
        %get3A_329 = arith.index_cast %add3A_328 : i32 to index
        %get3A_330 = arith.constant 0 : index
        %get3A_331 = tpu.vector_load %arg14[%get3A_329, %get3A_330] {strides = array<i32>} : memref<640x64xf32, #tpu.memory_space<vmem>>, vector<1x16xf32>,
        %get3A_332 = vector.shape_cast %get3A_331 : vector<1x16xf32> to vector<16xf32>
        %add3A_333 = arith.addf %add3A_326, %get3A_332 : vector<16xf32>
        %add3A_334 = arith.constant 8 : i32
        %add3A_335 = arith.addi %mul3A_276, %add3A_334 : i32
        %get3A_336 = arith.index_cast %add3A_335 : i32 to index
        %get3A_337 = arith.constant 0 : index
        %get3A_338 = tpu.vector_load %arg14[%get3A_336, %get3A_337] {strides = array<i32>} : memref<640x64xf32, #tpu.memory_space<vmem>>, vector<1x16xf32>,
        %get3A_339 = vector.shape_cast %get3A_338 : vector<1x16xf32> to vector<16xf32>
        %add3A_340 = arith.addf %add3A_333, %get3A_339 : vector<16xf32>
        %add3A_341 = arith.constant 9 : i32
        %add3A_342 = arith.addi %mul3A_276, %add3A_341 : i32
        %get3A_343 = arith.index_cast %add3A_342 : i32 to index
        %get3A_344 = arith.constant 0 : index
        %get3A_345 = tpu.vector_load %arg14[%get3A_343, %get3A_344] {strides = array<i32>} : memref<640x64xf32, #tpu.memory_space<vmem>>, vector<1x16xf32>,
        %get3A_346 = vector.shape_cast %get3A_345 : vector<1x16xf32> to vector<16xf32>
        %add3A_347 = arith.addf %add3A_340, %get3A_346 : vector<16xf32>
        %add3A_348 = arith.constant 10 : i32
        %add3A_349 = arith.addi %mul3A_276, %add3A_348 : i32
        %get3A_350 = arith.index_cast %add3A_349 : i32 to index
        %get3A_351 = arith.constant 0 : index
        %get3A_352 = tpu.vector_load %arg14[%get3A_350, %get3A_351] {strides = array<i32>} : memref<640x64xf32, #tpu.memory_space<vmem>>, vector<1x16xf32>,
        %get3A_353 = vector.shape_cast %get3A_352 : vector<1x16xf32> to vector<16xf32>
        %add3A_354 = arith.addf %add3A_347, %get3A_353 : vector<16xf32>
        %add3A_355 = arith.constant 11 : i32
        %add3A_356 = arith.addi %mul3A_276, %add3A_355 : i32
        %get3A_357 = arith.index_cast %add3A_356 : i32 to index
        %get3A_358 = arith.constant 0 : index
        %get3A_359 = tpu.vector_load %arg14[%get3A_357, %get3A_358] {strides = array<i32>} : memref<640x64xf32, #tpu.memory_space<vmem>>, vector<1x16xf32>,
        %get3A_360 = vector.shape_cast %get3A_359 : vector<1x16xf32> to vector<16xf32>
        %add3A_361 = arith.addf %add3A_354, %get3A_360 : vector<16xf32>
        %add3A_362 = arith.constant 12 : i32
        %add3A_363 = arith.addi %mul3A_276, %add3A_362 : i32
        %get3A_364 = arith.index_cast %add3A_363 : i32 to index
        %get3A_365 = arith.constant 0 : index
        %get3A_366 = tpu.vector_load %arg14[%get3A_364, %get3A_365] {strides = array<i32>} : memref<640x64xf32, #tpu.memory_space<vmem>>, vector<1x16xf32>,
        %get3A_367 = vector.shape_cast %get3A_366 : vector<1x16xf32> to vector<16xf32>
        %add3A_368 = arith.addf %add3A_361, %get3A_367 : vector<16xf32>
        %add3A_369 = arith.constant 13 : i32
        %add3A_370 = arith.addi %mul3A_276, %add3A_369 : i32
        %get3A_371 = arith.index_cast %add3A_370 : i32 to index
        %get3A_372 = arith.constant 0 : index
        %get3A_373 = tpu.vector_load %arg14[%get3A_371, %get3A_372] {strides = array<i32>} : memref<640x64xf32, #tpu.memory_space<vmem>>, vector<1x16xf32>,
        %get3A_374 = vector.shape_cast %get3A_373 : vector<1x16xf32> to vector<16xf32>
        %add3A_375 = arith.addf %add3A_368, %get3A_374 : vector<16xf32>
        %add3A_376 = arith.constant 14 : i32
        %add3A_377 = arith.addi %mul3A_276, %add3A_376 : i32
        %get3A_378 = arith.index_cast %add3A_377 : i32 to index
        %get3A_379 = arith.constant 0 : index
        %get3A_380 = tpu.vector_load %arg14[%get3A_378, %get3A_379] {strides = array<i32>} : memref<640x64xf32, #tpu.memory_space<vmem>>, vector<1x16xf32>,
        %get3A_381 = vector.shape_cast %get3A_380 : vector<1x16xf32> to vector<16xf32>
        %add3A_382 = arith.addf %add3A_375, %get3A_381 : vector<16xf32>
        %add3A_383 = arith.constant 15 : i32
        %add3A_384 = arith.addi %mul3A_276, %add3A_383 : i32
        %get3A_385 = arith.index_cast %add3A_384 : i32 to index
        %get3A_386 = arith.constant 0 : index
        %get3A_387 = tpu.vector_load %arg14[%get3A_385, %get3A_386] {strides = array<i32>} : memref<640x64xf32, #tpu.memory_space<vmem>>, vector<1x16xf32>,
        %get3A_388 = vector.shape_cast %get3A_387 : vector<1x16xf32> to vector<16xf32>
        %add3A_389 = arith.addf %add3A_382, %get3A_388 : vector<16xf32>
        %add3A_390 = arith.constant 16 : i32
        %add3A_391 = arith.addi %mul3A_276, %add3A_390 : i32
        %get3A_392 = arith.index_cast %add3A_391 : i32 to index
        %get3A_393 = arith.constant 0 : index
        %get3A_394 = tpu.vector_load %arg14[%get3A_392, %get3A_393] {strides = array<i32>} : memref<640x64xf32, #tpu.memory_space<vmem>>, vector<1x16xf32>,
        %get3A_395 = vector.shape_cast %get3A_394 : vector<1x16xf32> to vector<16xf32>
        %add3A_396 = arith.addf %add3A_389, %get3A_395 : vector<16xf32>
        %add3A_397 = arith.constant 17 : i32
        %add3A_398 = arith.addi %mul3A_276, %add3A_397 : i32
        %get3A_399 = arith.index_cast %add3A_398 : i32 to index
        %get3A_400 = arith.constant 0 : index
        %get3A_401 = tpu.vector_load %arg14[%get3A_399, %get3A_400] {strides = array<i32>} : memref<640x64xf32, #tpu.memory_space<vmem>>, vector<1x16xf32>,
        %get3A_402 = vector.shape_cast %get3A_401 : vector<1x16xf32> to vector<16xf32>
        %add3A_403 = arith.addf %add3A_396, %get3A_402 : vector<16xf32>
        %add3A_404 = arith.constant 18 : i32
        %add3A_405 = arith.addi %mul3A_276, %add3A_404 : i32
        %get3A_406 = arith.index_cast %add3A_405 : i32 to index
        %get3A_407 = arith.constant 0 : index
        %get3A_408 = tpu.vector_load %arg14[%get3A_406, %get3A_407] {strides = array<i32>} : memref<640x64xf32, #tpu.memory_space<vmem>>, vector<1x16xf32>,
        %get3A_409 = vector.shape_cast %get3A_408 : vector<1x16xf32> to vector<16xf32>
        %add3A_410 = arith.addf %add3A_403, %get3A_409 : vector<16xf32>
        %add3A_411 = arith.constant 19 : i32
        %add3A_412 = arith.addi %mul3A_276, %add3A_411 : i32
        %get3A_413 = arith.index_cast %add3A_412 : i32 to index
        %get3A_414 = arith.constant 0 : index
        %get3A_415 = tpu.vector_load %arg14[%get3A_413, %get3A_414] {strides = array<i32>} : memref<640x64xf32, #tpu.memory_space<vmem>>, vector<1x16xf32>,
        %get3A_416 = vector.shape_cast %get3A_415 : vector<1x16xf32> to vector<16xf32>
        %add3A_417 = arith.addf %add3A_410, %get3A_416 : vector<16xf32>
        %get3A_418 = arith.index_cast %scan3A_273 : i32 to index
        %get3A_419 = arith.constant 0 : index
        %get3A_420 = tpu.vector_load %arg13[%get3A_418, %get3A_419] {strides = array<i32>} : memref<32x64xf32, #tpu.memory_space<vmem>>, vector<1x16xf32>,
        %get3A_421 = vector.shape_cast %get3A_420 : vector<1x16xf32> to vector<16xf32>
        %mul3A_422 = arith.mulf %get3A_280, %get3A_421 : vector<16xf32>
        %mul3A_423 = arith.mulf %get3A_280, %add3A_417 : vector<16xf32>
        %get3A_424 = arith.index_cast %scan3A_273 : i32 to index
        %get3A_425 = arith.constant 16 : index
        %get3A_426 = tpu.vector_load %arg12[%get3A_424, %get3A_425] {strides = array<i32>} : memref<32x64xf32, #tpu.memory_space<vmem>>, vector<1x16xf32>,
        %get3A_427 = vector.shape_cast %get3A_426 : vector<1x16xf32> to vector<16xf32>
        %get3A_428 = arith.index_cast %mul3A_276 : i32 to index
        %get3A_429 = arith.constant 16 : index
        %get3A_430 = tpu.vector_load %arg14[%get3A_428, %get3A_429] {strides = array<i32>} : memref<640x64xf32, #tpu.memory_space<vmem>>, vector<1x16xf32>,
        %get3A_431 = vector.shape_cast %get3A_430 : vector<1x16xf32> to vector<16xf32>
        %add3A_432 = arith.constant 1 : i32
        %add3A_433 = arith.addi %mul3A_276, %add3A_432 : i32
        %get3A_434 = arith.index_cast %add3A_433 : i32 to index
        %get3A_435 = arith.constant 16 : index
        %get3A_436 = tpu.vector_load %arg14[%get3A_434, %get3A_435] {strides = array<i32>} : memref<640x64xf32, #tpu.memory_space<vmem>>, vector<1x16xf32>,
        %get3A_437 = vector.shape_cast %get3A_436 : vector<1x16xf32> to vector<16xf32>
        %add3A_438 = arith.addf %get3A_431, %get3A_437 : vector<16xf32>
        %add3A_439 = arith.constant 2 : i32
        %add3A_440 = arith.addi %mul3A_276, %add3A_439 : i32
        %get3A_441 = arith.index_cast %add3A_440 : i32 to index
        %get3A_442 = arith.constant 16 : index
        %get3A_443 = tpu.vector_load %arg14[%get3A_441, %get3A_442] {strides = array<i32>} : memref<640x64xf32, #tpu.memory_space<vmem>>, vector<1x16xf32>,
        %get3A_444 = vector.shape_cast %get3A_443 : vector<1x16xf32> to vector<16xf32>
        %add3A_445 = arith.addf %add3A_438, %get3A_444 : vector<16xf32>
        %add3A_446 = arith.constant 3 : i32
        %add3A_447 = arith.addi %mul3A_276, %add3A_446 : i32
        %get3A_448 = arith.index_cast %add3A_447 : i32 to index
        %get3A_449 = arith.constant 16 : index
        %get3A_450 = tpu.vector_load %arg14[%get3A_448, %get3A_449] {strides = array<i32>} : memref<640x64xf32, #tpu.memory_space<vmem>>, vector<1x16xf32>,
        %get3A_451 = vector.shape_cast %get3A_450 : vector<1x16xf32> to vector<16xf32>
        %add3A_452 = arith.addf %add3A_445, %get3A_451 : vector<16xf32>
        %add3A_453 = arith.constant 4 : i32
        %add3A_454 = arith.addi %mul3A_276, %add3A_453 : i32
        %get3A_455 = arith.index_cast %add3A_454 : i32 to index
        %get3A_456 = arith.constant 16 : index
        %get3A_457 = tpu.vector_load %arg14[%get3A_455, %get3A_456] {strides = array<i32>} : memref<640x64xf32, #tpu.memory_space<vmem>>, vector<1x16xf32>,
        %get3A_458 = vector.shape_cast %get3A_457 : vector<1x16xf32> to vector<16xf32>
        %add3A_459 = arith.addf %add3A_452, %get3A_458 : vector<16xf32>
        %add3A_460 = arith.constant 5 : i32
        %add3A_461 = arith.addi %mul3A_276, %add3A_460 : i32
        %get3A_462 = arith.index_cast %add3A_461 : i32 to index
        %get3A_463 = arith.constant 16 : index
        %get3A_464 = tpu.vector_load %arg14[%get3A_462, %get3A_463] {strides = array<i32>} : memref<640x64xf32, #tpu.memory_space<vmem>>, vector<1x16xf32>,
        %get3A_465 = vector.shape_cast %get3A_464 : vector<1x16xf32> to vector<16xf32>
        %add3A_466 = arith.addf %add3A_459, %get3A_465 : vector<16xf32>
        %add3A_467 = arith.constant 6 : i32
        %add3A_468 = arith.addi %mul3A_276, %add3A_467 : i32
        %get3A_469 = arith.index_cast %add3A_468 : i32 to index
        %get3A_470 = arith.constant 16 : index
        %get3A_471 = tpu.vector_load %arg14[%get3A_469, %get3A_470] {strides = array<i32>} : memref<640x64xf32, #tpu.memory_space<vmem>>, vector<1x16xf32>,
        %get3A_472 = vector.shape_cast %get3A_471 : vector<1x16xf32> to vector<16xf32>
        %add3A_473 = arith.addf %add3A_466, %get3A_472 : vector<16xf32>
        %add3A_474 = arith.constant 7 : i32
        %add3A_475 = arith.addi %mul3A_276, %add3A_474 : i32
        %get3A_476 = arith.index_cast %add3A_475 : i32 to index
        %get3A_477 = arith.constant 16 : index
        %get3A_478 = tpu.vector_load %arg14[%get3A_476, %get3A_477] {strides = array<i32>} : memref<640x64xf32, #tpu.memory_space<vmem>>, vector<1x16xf32>,
        %get3A_479 = vector.shape_cast %get3A_478 : vector<1x16xf32> to vector<16xf32>
        %add3A_480 = arith.addf %add3A_473, %get3A_479 : vector<16xf32>
        %add3A_481 = arith.constant 8 : i32
        %add3A_482 = arith.addi %mul3A_276, %add3A_481 : i32
        %get3A_483 = arith.index_cast %add3A_482 : i32 to index
        %get3A_484 = arith.constant 16 : index
        %get3A_485 = tpu.vector_load %arg14[%get3A_483, %get3A_484] {strides = array<i32>} : memref<640x64xf32, #tpu.memory_space<vmem>>, vector<1x16xf32>,
        %get3A_486 = vector.shape_cast %get3A_485 : vector<1x16xf32> to vector<16xf32>
        %add3A_487 = arith.addf %add3A_480, %get3A_486 : vector<16xf32>
        %add3A_488 = arith.constant 9 : i32
        %add3A_489 = arith.addi %mul3A_276, %add3A_488 : i32
        %get3A_490 = arith.index_cast %add3A_489 : i32 to index
        %get3A_491 = arith.constant 16 : index
        %get3A_492 = tpu.vector_load %arg14[%get3A_490, %get3A_491] {strides = array<i32>} : memref<640x64xf32, #tpu.memory_space<vmem>>, vector<1x16xf32>,
        %get3A_493 = vector.shape_cast %get3A_492 : vector<1x16xf32> to vector<16xf32>
        %add3A_494 = arith.addf %add3A_487, %get3A_493 : vector<16xf32>
        %add3A_495 = arith.constant 10 : i32
        %add3A_496 = arith.addi %mul3A_276, %add3A_495 : i32
        %get3A_497 = arith.index_cast %add3A_496 : i32 to index
        %get3A_498 = arith.constant 16 : index
        %get3A_499 = tpu.vector_load %arg14[%get3A_497, %get3A_498] {strides = array<i32>} : memref<640x64xf32, #tpu.memory_space<vmem>>, vector<1x16xf32>,
        %get3A_500 = vector.shape_cast %get3A_499 : vector<1x16xf32> to vector<16xf32>
        %add3A_501 = arith.addf %add3A_494, %get3A_500 : vector<16xf32>
        %add3A_502 = arith.constant 11 : i32
        %add3A_503 = arith.addi %mul3A_276, %add3A_502 : i32
        %get3A_504 = arith.index_cast %add3A_503 : i32 to index
        %get3A_505 = arith.constant 16 : index
        %get3A_506 = tpu.vector_load %arg14[%get3A_504, %get3A_505] {strides = array<i32>} : memref<640x64xf32, #tpu.memory_space<vmem>>, vector<1x16xf32>,
        %get3A_507 = vector.shape_cast %get3A_506 : vector<1x16xf32> to vector<16xf32>
        %add3A_508 = arith.addf %add3A_501, %get3A_507 : vector<16xf32>
        %add3A_509 = arith.constant 12 : i32
        %add3A_510 = arith.addi %mul3A_276, %add3A_509 : i32
        %get3A_511 = arith.index_cast %add3A_510 : i32 to index
        %get3A_512 = arith.constant 16 : index
        %get3A_513 = tpu.vector_load %arg14[%get3A_511, %get3A_512] {strides = array<i32>} : memref<640x64xf32, #tpu.memory_space<vmem>>, vector<1x16xf32>,
        %get3A_514 = vector.shape_cast %get3A_513 : vector<1x16xf32> to vector<16xf32>
        %add3A_515 = arith.addf %add3A_508, %get3A_514 : vector<16xf32>
        %add3A_516 = arith.constant 13 : i32
        %add3A_517 = arith.addi %mul3A_276, %add3A_516 : i32
        %get3A_518 = arith.index_cast %add3A_517 : i32 to index
        %get3A_519 = arith.constant 16 : index
        %get3A_520 = tpu.vector_load %arg14[%get3A_518, %get3A_519] {strides = array<i32>} : memref<640x64xf32, #tpu.memory_space<vmem>>, vector<1x16xf32>,
        %get3A_521 = vector.shape_cast %get3A_520 : vector<1x16xf32> to vector<16xf32>
        %add3A_522 = arith.addf %add3A_515, %get3A_521 : vector<16xf32>
        %add3A_523 = arith.constant 14 : i32
        %add3A_524 = arith.addi %mul3A_276, %add3A_523 : i32
        %get3A_525 = arith.index_cast %add3A_524 : i32 to index
        %get3A_526 = arith.constant 16 : index
        %get3A_527 = tpu.vector_load %arg14[%get3A_525, %get3A_526] {strides = array<i32>} : memref<640x64xf32, #tpu.memory_space<vmem>>, vector<1x16xf32>,
        %get3A_528 = vector.shape_cast %get3A_527 : vector<1x16xf32> to vector<16xf32>
        %add3A_529 = arith.addf %add3A_522, %get3A_528 : vector<16xf32>
        %add3A_530 = arith.constant 15 : i32
        %add3A_531 = arith.addi %mul3A_276, %add3A_530 : i32
        %get3A_532 = arith.index_cast %add3A_531 : i32 to index
        %get3A_533 = arith.constant 16 : index
        %get3A_534 = tpu.vector_load %arg14[%get3A_532, %get3A_533] {strides = array<i32>} : memref<640x64xf32, #tpu.memory_space<vmem>>, vector<1x16xf32>,
        %get3A_535 = vector.shape_cast %get3A_534 : vector<1x16xf32> to vector<16xf32>
        %add3A_536 = arith.addf %add3A_529, %get3A_535 : vector<16xf32>
        %add3A_537 = arith.constant 16 : i32
        %add3A_538 = arith.addi %mul3A_276, %add3A_537 : i32
        %get3A_539 = arith.index_cast %add3A_538 : i32 to index
        %get3A_540 = arith.constant 16 : index
        %get3A_541 = tpu.vector_load %arg14[%get3A_539, %get3A_540] {strides = array<i32>} : memref<640x64xf32, #tpu.memory_space<vmem>>, vector<1x16xf32>,
        %get3A_542 = vector.shape_cast %get3A_541 : vector<1x16xf32> to vector<16xf32>
        %add3A_543 = arith.addf %add3A_536, %get3A_542 : vector<16xf32>
        %add3A_544 = arith.constant 17 : i32
        %add3A_545 = arith.addi %mul3A_276, %add3A_544 : i32
        %get3A_546 = arith.index_cast %add3A_545 : i32 to index
        %get3A_547 = arith.constant 16 : index
        %get3A_548 = tpu.vector_load %arg14[%get3A_546, %get3A_547] {strides = array<i32>} : memref<640x64xf32, #tpu.memory_space<vmem>>, vector<1x16xf32>,
        %get3A_549 = vector.shape_cast %get3A_548 : vector<1x16xf32> to vector<16xf32>
        %add3A_550 = arith.addf %add3A_543, %get3A_549 : vector<16xf32>
        %add3A_551 = arith.constant 18 : i32
        %add3A_552 = arith.addi %mul3A_276, %add3A_551 : i32
        %get3A_553 = arith.index_cast %add3A_552 : i32 to index
        %get3A_554 = arith.constant 16 : index
        %get3A_555 = tpu.vector_load %arg14[%get3A_553, %get3A_554] {strides = array<i32>} : memref<640x64xf32, #tpu.memory_space<vmem>>, vector<1x16xf32>,
        %get3A_556 = vector.shape_cast %get3A_555 : vector<1x16xf32> to vector<16xf32>
        %add3A_557 = arith.addf %add3A_550, %get3A_556 : vector<16xf32>
        %add3A_558 = arith.constant 19 : i32
        %add3A_559 = arith.addi %mul3A_276, %add3A_558 : i32
        %get3A_560 = arith.index_cast %add3A_559 : i32 to index
        %get3A_561 = arith.constant 16 : index
        %get3A_562 = tpu.vector_load %arg14[%get3A_560, %get3A_561] {strides = array<i32>} : memref<640x64xf32, #tpu.memory_space<vmem>>, vector<1x16xf32>,
        %get3A_563 = vector.shape_cast %get3A_562 : vector<1x16xf32> to vector<16xf32>
        %add3A_564 = arith.addf %add3A_557, %get3A_563 : vector<16xf32>
        %get3A_565 = arith.index_cast %scan3A_273 : i32 to index
        %get3A_566 = arith.constant 16 : index
        %get3A_567 = tpu.vector_load %arg13[%get3A_565, %get3A_566] {strides = array<i32>} : memref<32x64xf32, #tpu.memory_space<vmem>>, vector<1x16xf32>,
        %get3A_568 = vector.shape_cast %get3A_567 : vector<1x16xf32> to vector<16xf32>
        %mul3A_569 = arith.mulf %get3A_427, %get3A_568 : vector<16xf32>
        %mul3A_570 = arith.mulf %get3A_427, %add3A_564 : vector<16xf32>
        %add3A_571 = arith.addf %mul3A_422, %mul3A_569 : vector<16xf32>
        %add3A_572 = arith.addf %mul3A_423, %mul3A_570 : vector<16xf32>
        %get3A_573 = arith.index_cast %scan3A_273 : i32 to index
        %get3A_574 = arith.constant 32 : index
        %get3A_575 = tpu.vector_load %arg12[%get3A_573, %get3A_574] {strides = array<i32>} : memref<32x64xf32, #tpu.memory_space<vmem>>, vector<1x16xf32>,
        %get3A_576 = vector.shape_cast %get3A_575 : vector<1x16xf32> to vector<16xf32>
        %get3A_577 = arith.index_cast %mul3A_276 : i32 to index
        %get3A_578 = arith.constant 32 : index
        %get3A_579 = tpu.vector_load %arg14[%get3A_577, %get3A_578] {strides = array<i32>} : memref<640x64xf32, #tpu.memory_space<vmem>>, vector<1x16xf32>,
        %get3A_580 = vector.shape_cast %get3A_579 : vector<1x16xf32> to vector<16xf32>
        %add3A_581 = arith.constant 1 : i32
        %add3A_582 = arith.addi %mul3A_276, %add3A_581 : i32
        %get3A_583 = arith.index_cast %add3A_582 : i32 to index
        %get3A_584 = arith.constant 32 : index
        %get3A_585 = tpu.vector_load %arg14[%get3A_583, %get3A_584] {strides = array<i32>} : memref<640x64xf32, #tpu.memory_space<vmem>>, vector<1x16xf32>,
        %get3A_586 = vector.shape_cast %get3A_585 : vector<1x16xf32> to vector<16xf32>
        %add3A_587 = arith.addf %get3A_580, %get3A_586 : vector<16xf32>
        %add3A_588 = arith.constant 2 : i32
        %add3A_589 = arith.addi %mul3A_276, %add3A_588 : i32
        %get3A_590 = arith.index_cast %add3A_589 : i32 to index
        %get3A_591 = arith.constant 32 : index
        %get3A_592 = tpu.vector_load %arg14[%get3A_590, %get3A_591] {strides = array<i32>} : memref<640x64xf32, #tpu.memory_space<vmem>>, vector<1x16xf32>,
        %get3A_593 = vector.shape_cast %get3A_592 : vector<1x16xf32> to vector<16xf32>
        %add3A_594 = arith.addf %add3A_587, %get3A_593 : vector<16xf32>
        %add3A_595 = arith.constant 3 : i32
        %add3A_596 = arith.addi %mul3A_276, %add3A_595 : i32
        %get3A_597 = arith.index_cast %add3A_596 : i32 to index
        %get3A_598 = arith.constant 32 : index
        %get3A_599 = tpu.vector_load %arg14[%get3A_597, %get3A_598] {strides = array<i32>} : memref<640x64xf32, #tpu.memory_space<vmem>>, vector<1x16xf32>,
        %get3A_600 = vector.shape_cast %get3A_599 : vector<1x16xf32> to vector<16xf32>
        %add3A_601 = arith.addf %add3A_594, %get3A_600 : vector<16xf32>
        %add3A_602 = arith.constant 4 : i32
        %add3A_603 = arith.addi %mul3A_276, %add3A_602 : i32
        %get3A_604 = arith.index_cast %add3A_603 : i32 to index
        %get3A_605 = arith.constant 32 : index
        %get3A_606 = tpu.vector_load %arg14[%get3A_604, %get3A_605] {strides = array<i32>} : memref<640x64xf32, #tpu.memory_space<vmem>>, vector<1x16xf32>,
        %get3A_607 = vector.shape_cast %get3A_606 : vector<1x16xf32> to vector<16xf32>
        %add3A_608 = arith.addf %add3A_601, %get3A_607 : vector<16xf32>
        %add3A_609 = arith.constant 5 : i32
        %add3A_610 = arith.addi %mul3A_276, %add3A_609 : i32
        %get3A_611 = arith.index_cast %add3A_610 : i32 to index
        %get3A_612 = arith.constant 32 : index
        %get3A_613 = tpu.vector_load %arg14[%get3A_611, %get3A_612] {strides = array<i32>} : memref<640x64xf32, #tpu.memory_space<vmem>>, vector<1x16xf32>,
        %get3A_614 = vector.shape_cast %get3A_613 : vector<1x16xf32> to vector<16xf32>
        %add3A_615 = arith.addf %add3A_608, %get3A_614 : vector<16xf32>
        %add3A_616 = arith.constant 6 : i32
        %add3A_617 = arith.addi %mul3A_276, %add3A_616 : i32
        %get3A_618 = arith.index_cast %add3A_617 : i32 to index
        %get3A_619 = arith.constant 32 : index
        %get3A_620 = tpu.vector_load %arg14[%get3A_618, %get3A_619] {strides = array<i32>} : memref<640x64xf32, #tpu.memory_space<vmem>>, vector<1x16xf32>,
        %get3A_621 = vector.shape_cast %get3A_620 : vector<1x16xf32> to vector<16xf32>
        %add3A_622 = arith.addf %add3A_615, %get3A_621 : vector<16xf32>
        %add3A_623 = arith.constant 7 : i32
        %add3A_624 = arith.addi %mul3A_276, %add3A_623 : i32
        %get3A_625 = arith.index_cast %add3A_624 : i32 to index
        %get3A_626 = arith.constant 32 : index
        %get3A_627 = tpu.vector_load %arg14[%get3A_625, %get3A_626] {strides = array<i32>} : memref<640x64xf32, #tpu.memory_space<vmem>>, vector<1x16xf32>,
        %get3A_628 = vector.shape_cast %get3A_627 : vector<1x16xf32> to vector<16xf32>
        %add3A_629 = arith.addf %add3A_622, %get3A_628 : vector<16xf32>
        %add3A_630 = arith.constant 8 : i32
        %add3A_631 = arith.addi %mul3A_276, %add3A_630 : i32
        %get3A_632 = arith.index_cast %add3A_631 : i32 to index
        %get3A_633 = arith.constant 32 : index
        %get3A_634 = tpu.vector_load %arg14[%get3A_632, %get3A_633] {strides = array<i32>} : memref<640x64xf32, #tpu.memory_space<vmem>>, vector<1x16xf32>,
        %get3A_635 = vector.shape_cast %get3A_634 : vector<1x16xf32> to vector<16xf32>
        %add3A_636 = arith.addf %add3A_629, %get3A_635 : vector<16xf32>
        %add3A_637 = arith.constant 9 : i32
        %add3A_638 = arith.addi %mul3A_276, %add3A_637 : i32
        %get3A_639 = arith.index_cast %add3A_638 : i32 to index
        %get3A_640 = arith.constant 32 : index
        %get3A_641 = tpu.vector_load %arg14[%get3A_639, %get3A_640] {strides = array<i32>} : memref<640x64xf32, #tpu.memory_space<vmem>>, vector<1x16xf32>,
        %get3A_642 = vector.shape_cast %get3A_641 : vector<1x16xf32> to vector<16xf32>
        %add3A_643 = arith.addf %add3A_636, %get3A_642 : vector<16xf32>
        %add3A_644 = arith.constant 10 : i32
        %add3A_645 = arith.addi %mul3A_276, %add3A_644 : i32
        %get3A_646 = arith.index_cast %add3A_645 : i32 to index
        %get3A_647 = arith.constant 32 : index
        %get3A_648 = tpu.vector_load %arg14[%get3A_646, %get3A_647] {strides = array<i32>} : memref<640x64xf32, #tpu.memory_space<vmem>>, vector<1x16xf32>,
        %get3A_649 = vector.shape_cast %get3A_648 : vector<1x16xf32> to vector<16xf32>
        %add3A_650 = arith.addf %add3A_643, %get3A_649 : vector<16xf32>
        %add3A_651 = arith.constant 11 : i32
        %add3A_652 = arith.addi %mul3A_276, %add3A_651 : i32
        %get3A_653 = arith.index_cast %add3A_652 : i32 to index
        %get3A_654 = arith.constant 32 : index
        %get3A_655 = tpu.vector_load %arg14[%get3A_653, %get3A_654] {strides = array<i32>} : memref<640x64xf32, #tpu.memory_space<vmem>>, vector<1x16xf32>,
        %get3A_656 = vector.shape_cast %get3A_655 : vector<1x16xf32> to vector<16xf32>
        %add3A_657 = arith.addf %add3A_650, %get3A_656 : vector<16xf32>
        %add3A_658 = arith.constant 12 : i32
        %add3A_659 = arith.addi %mul3A_276, %add3A_658 : i32
        %get3A_660 = arith.index_cast %add3A_659 : i32 to index
        %get3A_661 = arith.constant 32 : index
        %get3A_662 = tpu.vector_load %arg14[%get3A_660, %get3A_661] {strides = array<i32>} : memref<640x64xf32, #tpu.memory_space<vmem>>, vector<1x16xf32>,
        %get3A_663 = vector.shape_cast %get3A_662 : vector<1x16xf32> to vector<16xf32>
        %add3A_664 = arith.addf %add3A_657, %get3A_663 : vector<16xf32>
        %add3A_665 = arith.constant 13 : i32
        %add3A_666 = arith.addi %mul3A_276, %add3A_665 : i32
        %get3A_667 = arith.index_cast %add3A_666 : i32 to index
        %get3A_668 = arith.constant 32 : index
        %get3A_669 = tpu.vector_load %arg14[%get3A_667, %get3A_668] {strides = array<i32>} : memref<640x64xf32, #tpu.memory_space<vmem>>, vector<1x16xf32>,
        %get3A_670 = vector.shape_cast %get3A_669 : vector<1x16xf32> to vector<16xf32>
        %add3A_671 = arith.addf %add3A_664, %get3A_670 : vector<16xf32>
        %add3A_672 = arith.constant 14 : i32
        %add3A_673 = arith.addi %mul3A_276, %add3A_672 : i32
        %get3A_674 = arith.index_cast %add3A_673 : i32 to index
        %get3A_675 = arith.constant 32 : index
        %get3A_676 = tpu.vector_load %arg14[%get3A_674, %get3A_675] {strides = array<i32>} : memref<640x64xf32, #tpu.memory_space<vmem>>, vector<1x16xf32>,
        %get3A_677 = vector.shape_cast %get3A_676 : vector<1x16xf32> to vector<16xf32>
        %add3A_678 = arith.addf %add3A_671, %get3A_677 : vector<16xf32>
        %add3A_679 = arith.constant 15 : i32
        %add3A_680 = arith.addi %mul3A_276, %add3A_679 : i32
        %get3A_681 = arith.index_cast %add3A_680 : i32 to index
        %get3A_682 = arith.constant 32 : index
        %get3A_683 = tpu.vector_load %arg14[%get3A_681, %get3A_682] {strides = array<i32>} : memref<640x64xf32, #tpu.memory_space<vmem>>, vector<1x16xf32>,
        %get3A_684 = vector.shape_cast %get3A_683 : vector<1x16xf32> to vector<16xf32>
        %add3A_685 = arith.addf %add3A_678, %get3A_684 : vector<16xf32>
        %add3A_686 = arith.constant 16 : i32
        %add3A_687 = arith.addi %mul3A_276, %add3A_686 : i32
        %get3A_688 = arith.index_cast %add3A_687 : i32 to index
        %get3A_689 = arith.constant 32 : index
        %get3A_690 = tpu.vector_load %arg14[%get3A_688, %get3A_689] {strides = array<i32>} : memref<640x64xf32, #tpu.memory_space<vmem>>, vector<1x16xf32>,
        %get3A_691 = vector.shape_cast %get3A_690 : vector<1x16xf32> to vector<16xf32>
        %add3A_692 = arith.addf %add3A_685, %get3A_691 : vector<16xf32>
        %add3A_693 = arith.constant 17 : i32
        %add3A_694 = arith.addi %mul3A_276, %add3A_693 : i32
        %get3A_695 = arith.index_cast %add3A_694 : i32 to index
        %get3A_696 = arith.constant 32 : index
        %get3A_697 = tpu.vector_load %arg14[%get3A_695, %get3A_696] {strides = array<i32>} : memref<640x64xf32, #tpu.memory_space<vmem>>, vector<1x16xf32>,
        %get3A_698 = vector.shape_cast %get3A_697 : vector<1x16xf32> to vector<16xf32>
        %add3A_699 = arith.addf %add3A_692, %get3A_698 : vector<16xf32>
        %add3A_700 = arith.constant 18 : i32
        %add3A_701 = arith.addi %mul3A_276, %add3A_700 : i32
        %get3A_702 = arith.index_cast %add3A_701 : i32 to index
        %get3A_703 = arith.constant 32 : index
        %get3A_704 = tpu.vector_load %arg14[%get3A_702, %get3A_703] {strides = array<i32>} : memref<640x64xf32, #tpu.memory_space<vmem>>, vector<1x16xf32>,
        %get3A_705 = vector.shape_cast %get3A_704 : vector<1x16xf32> to vector<16xf32>
        %add3A_706 = arith.addf %add3A_699, %get3A_705 : vector<16xf32>
        %add3A_707 = arith.constant 19 : i32
        %add3A_708 = arith.addi %mul3A_276, %add3A_707 : i32
        %get3A_709 = arith.index_cast %add3A_708 : i32 to index
        %get3A_710 = arith.constant 32 : index
        %get3A_711 = tpu.vector_load %arg14[%get3A_709, %get3A_710] {strides = array<i32>} : memref<640x64xf32, #tpu.memory_space<vmem>>, vector<1x16xf32>,
        %get3A_712 = vector.shape_cast %get3A_711 : vector<1x16xf32> to vector<16xf32>
        %add3A_713 = arith.addf %add3A_706, %get3A_712 : vector<16xf32>
        %get3A_714 = arith.index_cast %scan3A_273 : i32 to index
        %get3A_715 = arith.constant 32 : index
        %get3A_716 = tpu.vector_load %arg13[%get3A_714, %get3A_715] {strides = array<i32>} : memref<32x64xf32, #tpu.memory_space<vmem>>, vector<1x16xf32>,
        %get3A_717 = vector.shape_cast %get3A_716 : vector<1x16xf32> to vector<16xf32>
        %mul3A_718 = arith.mulf %get3A_576, %get3A_717 : vector<16xf32>
        %mul3A_719 = arith.mulf %get3A_576, %add3A_713 : vector<16xf32>
        %add3A_720 = arith.addf %add3A_571, %mul3A_718 : vector<16xf32>
        %add3A_721 = arith.addf %add3A_572, %mul3A_719 : vector<16xf32>
        %get3A_722 = arith.index_cast %scan3A_273 : i32 to index
        %get3A_723 = arith.constant 48 : index
        %get3A_724 = tpu.vector_load %arg12[%get3A_722, %get3A_723] {strides = array<i32>} : memref<32x64xf32, #tpu.memory_space<vmem>>, vector<1x16xf32>,
        %get3A_725 = vector.shape_cast %get3A_724 : vector<1x16xf32> to vector<16xf32>
        %get3A_726 = arith.index_cast %mul3A_276 : i32 to index
        %get3A_727 = arith.constant 48 : index
        %get3A_728 = tpu.vector_load %arg14[%get3A_726, %get3A_727] {strides = array<i32>} : memref<640x64xf32, #tpu.memory_space<vmem>>, vector<1x16xf32>,
        %get3A_729 = vector.shape_cast %get3A_728 : vector<1x16xf32> to vector<16xf32>
        %add3A_730 = arith.constant 1 : i32
        %add3A_731 = arith.addi %mul3A_276, %add3A_730 : i32
        %get3A_732 = arith.index_cast %add3A_731 : i32 to index
        %get3A_733 = arith.constant 48 : index
        %get3A_734 = tpu.vector_load %arg14[%get3A_732, %get3A_733] {strides = array<i32>} : memref<640x64xf32, #tpu.memory_space<vmem>>, vector<1x16xf32>,
        %get3A_735 = vector.shape_cast %get3A_734 : vector<1x16xf32> to vector<16xf32>
        %add3A_736 = arith.addf %get3A_729, %get3A_735 : vector<16xf32>
        %add3A_737 = arith.constant 2 : i32
        %add3A_738 = arith.addi %mul3A_276, %add3A_737 : i32
        %get3A_739 = arith.index_cast %add3A_738 : i32 to index
        %get3A_740 = arith.constant 48 : index
        %get3A_741 = tpu.vector_load %arg14[%get3A_739, %get3A_740] {strides = array<i32>} : memref<640x64xf32, #tpu.memory_space<vmem>>, vector<1x16xf32>,
        %get3A_742 = vector.shape_cast %get3A_741 : vector<1x16xf32> to vector<16xf32>
        %add3A_743 = arith.addf %add3A_736, %get3A_742 : vector<16xf32>
        %add3A_744 = arith.constant 3 : i32
        %add3A_745 = arith.addi %mul3A_276, %add3A_744 : i32
        %get3A_746 = arith.index_cast %add3A_745 : i32 to index
        %get3A_747 = arith.constant 48 : index
        %get3A_748 = tpu.vector_load %arg14[%get3A_746, %get3A_747] {strides = array<i32>} : memref<640x64xf32, #tpu.memory_space<vmem>>, vector<1x16xf32>,
        %get3A_749 = vector.shape_cast %get3A_748 : vector<1x16xf32> to vector<16xf32>
        %add3A_750 = arith.addf %add3A_743, %get3A_749 : vector<16xf32>
        %add3A_751 = arith.constant 4 : i32
        %add3A_752 = arith.addi %mul3A_276, %add3A_751 : i32
        %get3A_753 = arith.index_cast %add3A_752 : i32 to index
        %get3A_754 = arith.constant 48 : index
        %get3A_755 = tpu.vector_load %arg14[%get3A_753, %get3A_754] {strides = array<i32>} : memref<640x64xf32, #tpu.memory_space<vmem>>, vector<1x16xf32>,
        %get3A_756 = vector.shape_cast %get3A_755 : vector<1x16xf32> to vector<16xf32>
        %add3A_757 = arith.addf %add3A_750, %get3A_756 : vector<16xf32>
        %add3A_758 = arith.constant 5 : i32
        %add3A_759 = arith.addi %mul3A_276, %add3A_758 : i32
        %get3A_760 = arith.index_cast %add3A_759 : i32 to index
        %get3A_761 = arith.constant 48 : index
        %get3A_762 = tpu.vector_load %arg14[%get3A_760, %get3A_761] {strides = array<i32>} : memref<640x64xf32, #tpu.memory_space<vmem>>, vector<1x16xf32>,
        %get3A_763 = vector.shape_cast %get3A_762 : vector<1x16xf32> to vector<16xf32>
        %add3A_764 = arith.addf %add3A_757, %get3A_763 : vector<16xf32>
        %add3A_765 = arith.constant 6 : i32
        %add3A_766 = arith.addi %mul3A_276, %add3A_765 : i32
        %get3A_767 = arith.index_cast %add3A_766 : i32 to index
        %get3A_768 = arith.constant 48 : index
        %get3A_769 = tpu.vector_load %arg14[%get3A_767, %get3A_768] {strides = array<i32>} : memref<640x64xf32, #tpu.memory_space<vmem>>, vector<1x16xf32>,
        %get3A_770 = vector.shape_cast %get3A_769 : vector<1x16xf32> to vector<16xf32>
        %add3A_771 = arith.addf %add3A_764, %get3A_770 : vector<16xf32>
        %add3A_772 = arith.constant 7 : i32
        %add3A_773 = arith.addi %mul3A_276, %add3A_772 : i32
        %get3A_774 = arith.index_cast %add3A_773 : i32 to index
        %get3A_775 = arith.constant 48 : index
        %get3A_776 = tpu.vector_load %arg14[%get3A_774, %get3A_775] {strides = array<i32>} : memref<640x64xf32, #tpu.memory_space<vmem>>, vector<1x16xf32>,
        %get3A_777 = vector.shape_cast %get3A_776 : vector<1x16xf32> to vector<16xf32>
        %add3A_778 = arith.addf %add3A_771, %get3A_777 : vector<16xf32>
        %add3A_779 = arith.constant 8 : i32
        %add3A_780 = arith.addi %mul3A_276, %add3A_779 : i32
        %get3A_781 = arith.index_cast %add3A_780 : i32 to index
        %get3A_782 = arith.constant 48 : index
        %get3A_783 = tpu.vector_load %arg14[%get3A_781, %get3A_782] {strides = array<i32>} : memref<640x64xf32, #tpu.memory_space<vmem>>, vector<1x16xf32>,
        %get3A_784 = vector.shape_cast %get3A_783 : vector<1x16xf32> to vector<16xf32>
        %add3A_785 = arith.addf %add3A_778, %get3A_784 : vector<16xf32>
        %add3A_786 = arith.constant 9 : i32
        %add3A_787 = arith.addi %mul3A_276, %add3A_786 : i32
        %get3A_788 = arith.index_cast %add3A_787 : i32 to index
        %get3A_789 = arith.constant 48 : index
        %get3A_790 = tpu.vector_load %arg14[%get3A_788, %get3A_789] {strides = array<i32>} : memref<640x64xf32, #tpu.memory_space<vmem>>, vector<1x16xf32>,
        %get3A_791 = vector.shape_cast %get3A_790 : vector<1x16xf32> to vector<16xf32>
        %add3A_792 = arith.addf %add3A_785, %get3A_791 : vector<16xf32>
        %add3A_793 = arith.constant 10 : i32
        %add3A_794 = arith.addi %mul3A_276, %add3A_793 : i32
        %get3A_795 = arith.index_cast %add3A_794 : i32 to index
        %get3A_796 = arith.constant 48 : index
        %get3A_797 = tpu.vector_load %arg14[%get3A_795, %get3A_796] {strides = array<i32>} : memref<640x64xf32, #tpu.memory_space<vmem>>, vector<1x16xf32>,
        %get3A_798 = vector.shape_cast %get3A_797 : vector<1x16xf32> to vector<16xf32>
        %add3A_799 = arith.addf %add3A_792, %get3A_798 : vector<16xf32>
        %add3A_800 = arith.constant 11 : i32
        %add3A_801 = arith.addi %mul3A_276, %add3A_800 : i32
        %get3A_802 = arith.index_cast %add3A_801 : i32 to index
        %get3A_803 = arith.constant 48 : index
        %get3A_804 = tpu.vector_load %arg14[%get3A_802, %get3A_803] {strides = array<i32>} : memref<640x64xf32, #tpu.memory_space<vmem>>, vector<1x16xf32>,
        %get3A_805 = vector.shape_cast %get3A_804 : vector<1x16xf32> to vector<16xf32>
        %add3A_806 = arith.addf %add3A_799, %get3A_805 : vector<16xf32>
        %add3A_807 = arith.constant 12 : i32
        %add3A_808 = arith.addi %mul3A_276, %add3A_807 : i32
        %get3A_809 = arith.index_cast %add3A_808 : i32 to index
        %get3A_810 = arith.constant 48 : index
        %get3A_811 = tpu.vector_load %arg14[%get3A_809, %get3A_810] {strides = array<i32>} : memref<640x64xf32, #tpu.memory_space<vmem>>, vector<1x16xf32>,
        %get3A_812 = vector.shape_cast %get3A_811 : vector<1x16xf32> to vector<16xf32>
        %add3A_813 = arith.addf %add3A_806, %get3A_812 : vector<16xf32>
        %add3A_814 = arith.constant 13 : i32
        %add3A_815 = arith.addi %mul3A_276, %add3A_814 : i32
        %get3A_816 = arith.index_cast %add3A_815 : i32 to index
        %get3A_817 = arith.constant 48 : index
        %get3A_818 = tpu.vector_load %arg14[%get3A_816, %get3A_817] {strides = array<i32>} : memref<640x64xf32, #tpu.memory_space<vmem>>, vector<1x16xf32>,
        %get3A_819 = vector.shape_cast %get3A_818 : vector<1x16xf32> to vector<16xf32>
        %add3A_820 = arith.addf %add3A_813, %get3A_819 : vector<16xf32>
        %add3A_821 = arith.constant 14 : i32
        %add3A_822 = arith.addi %mul3A_276, %add3A_821 : i32
        %get3A_823 = arith.index_cast %add3A_822 : i32 to index
        %get3A_824 = arith.constant 48 : index
        %get3A_825 = tpu.vector_load %arg14[%get3A_823, %get3A_824] {strides = array<i32>} : memref<640x64xf32, #tpu.memory_space<vmem>>, vector<1x16xf32>,
        %get3A_826 = vector.shape_cast %get3A_825 : vector<1x16xf32> to vector<16xf32>
        %add3A_827 = arith.addf %add3A_820, %get3A_826 : vector<16xf32>
        %add3A_828 = arith.constant 15 : i32
        %add3A_829 = arith.addi %mul3A_276, %add3A_828 : i32
        %get3A_830 = arith.index_cast %add3A_829 : i32 to index
        %get3A_831 = arith.constant 48 : index
        %get3A_832 = tpu.vector_load %arg14[%get3A_830, %get3A_831] {strides = array<i32>} : memref<640x64xf32, #tpu.memory_space<vmem>>, vector<1x16xf32>,
        %get3A_833 = vector.shape_cast %get3A_832 : vector<1x16xf32> to vector<16xf32>
        %add3A_834 = arith.addf %add3A_827, %get3A_833 : vector<16xf32>
        %add3A_835 = arith.constant 16 : i32
        %add3A_836 = arith.addi %mul3A_276, %add3A_835 : i32
        %get3A_837 = arith.index_cast %add3A_836 : i32 to index
        %get3A_838 = arith.constant 48 : index
        %get3A_839 = tpu.vector_load %arg14[%get3A_837, %get3A_838] {strides = array<i32>} : memref<640x64xf32, #tpu.memory_space<vmem>>, vector<1x16xf32>,
        %get3A_840 = vector.shape_cast %get3A_839 : vector<1x16xf32> to vector<16xf32>
        %add3A_841 = arith.addf %add3A_834, %get3A_840 : vector<16xf32>
        %add3A_842 = arith.constant 17 : i32
        %add3A_843 = arith.addi %mul3A_276, %add3A_842 : i32
        %get3A_844 = arith.index_cast %add3A_843 : i32 to index
        %get3A_845 = arith.constant 48 : index
        %get3A_846 = tpu.vector_load %arg14[%get3A_844, %get3A_845] {strides = array<i32>} : memref<640x64xf32, #tpu.memory_space<vmem>>, vector<1x16xf32>,
        %get3A_847 = vector.shape_cast %get3A_846 : vector<1x16xf32> to vector<16xf32>
        %add3A_848 = arith.addf %add3A_841, %get3A_847 : vector<16xf32>
        %add3A_849 = arith.constant 18 : i32
        %add3A_850 = arith.addi %mul3A_276, %add3A_849 : i32
        %get3A_851 = arith.index_cast %add3A_850 : i32 to index
        %get3A_852 = arith.constant 48 : index
        %get3A_853 = tpu.vector_load %arg14[%get3A_851, %get3A_852] {strides = array<i32>} : memref<640x64xf32, #tpu.memory_space<vmem>>, vector<1x16xf32>,
        %get3A_854 = vector.shape_cast %get3A_853 : vector<1x16xf32> to vector<16xf32>
        %add3A_855 = arith.addf %add3A_848, %get3A_854 : vector<16xf32>
        %add3A_856 = arith.constant 19 : i32
        %add3A_857 = arith.addi %mul3A_276, %add3A_856 : i32
        %get3A_858 = arith.index_cast %add3A_857 : i32 to index
        %get3A_859 = arith.constant 48 : index
        %get3A_860 = tpu.vector_load %arg14[%get3A_858, %get3A_859] {strides = array<i32>} : memref<640x64xf32, #tpu.memory_space<vmem>>, vector<1x16xf32>,
        %get3A_861 = vector.shape_cast %get3A_860 : vector<1x16xf32> to vector<16xf32>
        %add3A_862 = arith.addf %add3A_855, %get3A_861 : vector<16xf32>
        %get3A_863 = arith.index_cast %scan3A_273 : i32 to index
        %get3A_864 = arith.constant 48 : index
        %get3A_865 = tpu.vector_load %arg13[%get3A_863, %get3A_864] {strides = array<i32>} : memref<32x64xf32, #tpu.memory_space<vmem>>, vector<1x16xf32>,
        %get3A_866 = vector.shape_cast %get3A_865 : vector<1x16xf32> to vector<16xf32>
        %mul3A_867 = arith.mulf %get3A_725, %get3A_866 : vector<16xf32>
        %mul3A_868 = arith.mulf %get3A_725, %add3A_862 : vector<16xf32>
        %add3A_869 = arith.addf %add3A_720, %mul3A_867 : vector<16xf32>
        %add3A_870 = arith.addf %add3A_721, %mul3A_868 : vector<16xf32>
        %swap3A = arith.index_cast %add3A_277 : i32 to index
        %swap3A_871 = arith.constant 0 : index
        %swap3A_872 = tpu.vector_load %arg18[%swap3A, %swap3A_871] {strides = array<i32>} : memref<512x16xf32, #tpu.memory_space<vmem>>, vector<1x16xf32>,
        %swap3A_873 = vector.shape_cast %swap3A_872 : vector<1x16xf32> to vector<16xf32>
        %swap3A_874 = vector.shape_cast %add3A_869 : vector<16xf32> to vector<1x16xf32>
        tpu.vector_store %arg18[%swap3A, %swap3A_871], %swap3A_874 {strides = array<i32>} : memref<512x16xf32, #tpu.memory_space<vmem>>, vector<1x16xf32>,
        %swap3A_875 = arith.index_cast %add3A_277 : i32 to index
        %swap3A_876 = arith.constant 0 : index
        %swap3A_877 = tpu.vector_load %arg19[%swap3A_875, %swap3A_876] {strides = array<i32>} : memref<512x16xf32, #tpu.memory_space<vmem>>, vector<1x16xf32>,
        %swap3A_878 = vector.shape_cast %swap3A_877 : vector<1x16xf32> to vector<16xf32>
        %swap3A_879 = vector.shape_cast %add3A_870 : vector<16xf32> to vector<1x16xf32>
        tpu.vector_store %arg19[%swap3A_875, %swap3A_876], %swap3A_879 {strides = array<i32>} : memref<512x16xf32, #tpu.memory_space<vmem>>, vector<1x16xf32>,
        %scan3A_880 = arith.constant 0 : i32
        scf.yield %scan3A_880 : i32
      }
      %scan3A_198 = arith.constant 32 : i32
      %mul3A_199 = arith.constant 32 : i32
      %mul3A_200 = arith.muli %add3A_71, %mul3A_199 : i32
      %multiple_of3A_201 = tpu.assume_multiple %mul3A_200, 32 : i32
      %mul3A_202 = arith.constant 640 : i32
      %mul3A_203 = arith.muli %add3A_71, %mul3A_202 : i32
      %multiple_of3A_204 = tpu.assume_multiple %mul3A_203, 640 : i32
      %add3A_205 = arith.constant 0 : i32
      %add3A_206 = arith.addi %multiple_of3A_204, %add3A_205 : i32
      %add3A_207 = arith.constant 128 : i32
      %add3A_208 = arith.addi %multiple_of3A_204, %add3A_207 : i32
      %add3A_209 = arith.constant 256 : i32
      %add3A_210 = arith.addi %multiple_of3A_204, %add3A_209 : i32
      %add3A_211 = arith.constant 384 : i32
      %add3A_212 = arith.addi %multiple_of3A_204, %add3A_211 : i32
      %add3A_213 = arith.constant 512 : i32
      %add3A_214 = arith.addi %multiple_of3A_204, %add3A_213 : i32
      %dma_wait3A_215 = tpu.memref_slice %arg9[%multiple_of3A_201] : memref<512xi32, #tpu.memory_space<vmem>> -> memref<32xi32, #tpu.memory_space<vmem>>
      %dma_wait3A_216 = arith.constant 0 : i32
      %dma_wait3A_217 = arith.constant 0 : i32
      %dma_wait3A_218 = tpu.memref_slice %arg5[%dma_wait3A_216, %dma_wait3A_217] : memref<1000000x64xf32, #tpu.memory_space<hbm>> -> memref<1000000x64xf32, #tpu.memory_space<hbm>>
      tpu.wait_indirect_dma semaphore(%arg21 : memref<!tpu.dma_semaphore, #tpu.memory_space<semaphore_mem>>) src(%dma_wait3A_218 : memref<1000000x64xf32, #tpu.memory_space<hbm>>) dst(%arg15 : memref<32x64xf32, #tpu.memory_space<vmem>>)
      %dma_wait3A_219 = tpu.memref_slice %arg10[%multiple_of3A_201] : memref<512xi32, #tpu.memory_space<vmem>> -> memref<32xi32, #tpu.memory_space<vmem>>
      %dma_wait3A_220 = arith.constant 0 : i32
      %dma_wait3A_221 = arith.constant 0 : i32
      %dma_wait3A_222 = tpu.memref_slice %arg6[%dma_wait3A_220, %dma_wait3A_221] : memref<1000000x64xf32, #tpu.memory_space<hbm>> -> memref<1000000x64xf32, #tpu.memory_space<hbm>>
      tpu.wait_indirect_dma semaphore(%arg21 : memref<!tpu.dma_semaphore, #tpu.memory_space<semaphore_mem>>) src(%dma_wait3A_222 : memref<1000000x64xf32, #tpu.memory_space<hbm>>) dst(%arg16 : memref<32x64xf32, #tpu.memory_space<vmem>>)
      %dma_wait3A_223 = arith.constant 0 : i32
      %dma_wait3A_224 = arith.constant 0 : i32
      %dma_wait3A_225 = tpu.memref_slice %arg17[%dma_wait3A_223, %dma_wait3A_224] : memref<640x64xf32, #tpu.memory_space<vmem>> -> memref<128x64xf32, #tpu.memory_space<vmem>>
      %dma_wait3A_226 = tpu.memref_slice %arg11[%add3A_206] : memref<10240xi32, #tpu.memory_space<vmem>> -> memref<128xi32, #tpu.memory_space<vmem>>
      %dma_wait3A_227 = arith.constant 0 : i32
      %dma_wait3A_228 = arith.constant 0 : i32
      %dma_wait3A_229 = tpu.memref_slice %arg6[%dma_wait3A_227, %dma_wait3A_228] : memref<1000000x64xf32, #tpu.memory_space<hbm>> -> memref<1000000x64xf32, #tpu.memory_space<hbm>>
      tpu.wait_indirect_dma semaphore(%arg21 : memref<!tpu.dma_semaphore, #tpu.memory_space<semaphore_mem>>) src(%dma_wait3A_229 : memref<1000000x64xf32, #tpu.memory_space<hbm>>) dst(%dma_wait3A_225 : memref<128x64xf32, #tpu.memory_space<vmem>>)
      %dma_wait3A_230 = arith.constant 128 : i32
      %dma_wait3A_231 = arith.constant 0 : i32
      %dma_wait3A_232 = tpu.memref_slice %arg17[%dma_wait3A_230, %dma_wait3A_231] : memref<640x64xf32, #tpu.memory_space<vmem>> -> memref<128x64xf32, #tpu.memory_space<vmem>>
      %dma_wait3A_233 = tpu.memref_slice %arg11[%add3A_208] : memref<10240xi32, #tpu.memory_space<vmem>> -> memref<128xi32, #tpu.memory_space<vmem>>
      %dma_wait3A_234 = arith.constant 0 : i32
      %dma_wait3A_235 = arith.constant 0 : i32
      %dma_wait3A_236 = tpu.memref_slice %arg6[%dma_wait3A_234, %dma_wait3A_235] : memref<1000000x64xf32, #tpu.memory_space<hbm>> -> memref<1000000x64xf32, #tpu.memory_space<hbm>>
      tpu.wait_indirect_dma semaphore(%arg21 : memref<!tpu.dma_semaphore, #tpu.memory_space<semaphore_mem>>) src(%dma_wait3A_236 : memref<1000000x64xf32, #tpu.memory_space<hbm>>) dst(%dma_wait3A_232 : memref<128x64xf32, #tpu.memory_space<vmem>>)
      %dma_wait3A_237 = arith.constant 256 : i32
      %dma_wait3A_238 = arith.constant 0 : i32
      %dma_wait3A_239 = tpu.memref_slice %arg17[%dma_wait3A_237, %dma_wait3A_238] : memref<640x64xf32, #tpu.memory_space<vmem>> -> memref<128x64xf32, #tpu.memory_space<vmem>>
      %dma_wait3A_240 = tpu.memref_slice %arg11[%add3A_210] : memref<10240xi32, #tpu.memory_space<vmem>> -> memref<128xi32, #tpu.memory_space<vmem>>
      %dma_wait3A_241 = arith.constant 0 : i32
      %dma_wait3A_242 = arith.constant 0 : i32
      %dma_wait3A_243 = tpu.memref_slice %arg6[%dma_wait3A_241, %dma_wait3A_242] : memref<1000000x64xf32, #tpu.memory_space<hbm>> -> memref<1000000x64xf32, #tpu.memory_space<hbm>>
      tpu.wait_indirect_dma semaphore(%arg21 : memref<!tpu.dma_semaphore, #tpu.memory_space<semaphore_mem>>) src(%dma_wait3A_243 : memref<1000000x64xf32, #tpu.memory_space<hbm>>) dst(%dma_wait3A_239 : memref<128x64xf32, #tpu.memory_space<vmem>>)
      %dma_wait3A_244 = arith.constant 384 : i32
      %dma_wait3A_245 = arith.constant 0 : i32
      %dma_wait3A_246 = tpu.memref_slice %arg17[%dma_wait3A_244, %dma_wait3A_245] : memref<640x64xf32, #tpu.memory_space<vmem>> -> memref<128x64xf32, #tpu.memory_space<vmem>>
      %dma_wait3A_247 = tpu.memref_slice %arg11[%add3A_212] : memref<10240xi32, #tpu.memory_space<vmem>> -> memref<128xi32, #tpu.memory_space<vmem>>
      %dma_wait3A_248 = arith.constant 0 : i32
      %dma_wait3A_249 = arith.constant 0 : i32
      %dma_wait3A_250 = tpu.memref_slice %arg6[%dma_wait3A_248, %dma_wait3A_249] : memref<1000000x64xf32, #tpu.memory_space<hbm>> -> memref<1000000x64xf32, #tpu.memory_space<hbm>>
      tpu.wait_indirect_dma semaphore(%arg21 : memref<!tpu.dma_semaphore, #tpu.memory_space<semaphore_mem>>) src(%dma_wait3A_250 : memref<1000000x64xf32, #tpu.memory_space<hbm>>) dst(%dma_wait3A_246 : memref<128x64xf32, #tpu.memory_space<vmem>>)
      %dma_wait3A_251 = arith.constant 512 : i32
      %dma_wait3A_252 = arith.constant 0 : i32
      %dma_wait3A_253 = tpu.memref_slice %arg17[%dma_wait3A_251, %dma_wait3A_252] : memref<640x64xf32, #tpu.memory_space<vmem>> -> memref<128x64xf32, #tpu.memory_space<vmem>>
      %dma_wait3A_254 = tpu.memref_slice %arg11[%add3A_214] : memref<10240xi32, #tpu.memory_space<vmem>> -> memref<128xi32, #tpu.memory_space<vmem>>
      %dma_wait3A_255 = arith.constant 0 : i32
      %dma_wait3A_256 = arith.constant 0 : i32
      %dma_wait3A_257 = tpu.memref_slice %arg6[%dma_wait3A_255, %dma_wait3A_256] : memref<1000000x64xf32, #tpu.memory_space<hbm>> -> memref<1000000x64xf32, #tpu.memory_space<hbm>>
      tpu.wait_indirect_dma semaphore(%arg21 : memref<!tpu.dma_semaphore, #tpu.memory_space<semaphore_mem>>) src(%dma_wait3A_257 : memref<1000000x64xf32, #tpu.memory_space<hbm>>) dst(%dma_wait3A_253 : memref<128x64xf32, #tpu.memory_space<vmem>>)
      %add3A_258 = arith.constant 2 : i32
      %add3A_259 = arith.addi %mul3A_69, %add3A_258 : i32
      %lt3A = arith.constant 16 : i32
      %lt3A_260 = arith.cmpi slt, %add3A_259, %lt3A : i32
      %convert_element_type3A = arith.extui %lt3A_260 : i1 to i32
      %cond3A = arith.constant 0 : i32
      %cond3A_261 = arith.cmpi ne, %convert_element_type3A, %cond3A : i32
      scf.if %cond3A_261 {
        %add3A_273 = arith.constant 2 : i32
        %add3A_274 = arith.addi %mul3A_69, %add3A_273 : i32
        %mul3A_275 = arith.constant 32 : i32
        %mul3A_276 = arith.muli %add3A_274, %mul3A_275 : i32
        %multiple_of3A_277 = tpu.assume_multiple %mul3A_276, 32 : i32
        %mul3A_278 = arith.constant 640 : i32
        %mul3A_279 = arith.muli %add3A_274, %mul3A_278 : i32
        %multiple_of3A_280 = tpu.assume_multiple %mul3A_279, 640 : i32
        %add3A_281 = arith.constant 0 : i32
        %add3A_282 = arith.addi %multiple_of3A_280, %add3A_281 : i32
        %add3A_283 = arith.constant 128 : i32
        %add3A_284 = arith.addi %multiple_of3A_280, %add3A_283 : i32
        %add3A_285 = arith.constant 256 : i32
        %add3A_286 = arith.addi %multiple_of3A_280, %add3A_285 : i32
        %add3A_287 = arith.constant 384 : i32
        %add3A_288 = arith.addi %multiple_of3A_280, %add3A_287 : i32
        %add3A_289 = arith.constant 512 : i32
        %add3A_290 = arith.addi %multiple_of3A_280, %add3A_289 : i32
        %dma_start3A_291 = tpu.memref_slice %arg9[%multiple_of3A_277] : memref<512xi32, #tpu.memory_space<vmem>> -> memref<32xi32, #tpu.memory_space<vmem>>
        %dma_start3A_292 = arith.constant 0 : i32
        %dma_start3A_293 = arith.constant 0 : i32
        %dma_start3A_294 = tpu.memref_slice %arg5[%dma_start3A_292, %dma_start3A_293] : memref<1000000x64xf32, #tpu.memory_space<hbm>> -> memref<1000000x64xf32, #tpu.memory_space<hbm>>
        tpu.enqueue_indirect_dma source(%dma_start3A_294 : memref<1000000x64xf32, #tpu.memory_space<hbm>>) target(%arg12 : memref<32x64xf32, #tpu.memory_space<vmem>>) offsets(%dma_start3A_291 : memref<32xi32, #tpu.memory_space<vmem>>) semaphore(%arg20 : memref<!tpu.dma_semaphore, #tpu.memory_space<semaphore_mem>>)
        %dma_start3A_295 = tpu.memref_slice %arg10[%multiple_of3A_277] : memref<512xi32, #tpu.memory_space<vmem>> -> memref<32xi32, #tpu.memory_space<vmem>>
        %dma_start3A_296 = arith.constant 0 : i32
        %dma_start3A_297 = arith.constant 0 : i32
        %dma_start3A_298 = tpu.memref_slice %arg6[%dma_start3A_296, %dma_start3A_297] : memref<1000000x64xf32, #tpu.memory_space<hbm>> -> memref<1000000x64xf32, #tpu.memory_space<hbm>>
        tpu.enqueue_indirect_dma source(%dma_start3A_298 : memref<1000000x64xf32, #tpu.memory_space<hbm>>) target(%arg13 : memref<32x64xf32, #tpu.memory_space<vmem>>) offsets(%dma_start3A_295 : memref<32xi32, #tpu.memory_space<vmem>>) semaphore(%arg20 : memref<!tpu.dma_semaphore, #tpu.memory_space<semaphore_mem>>)
        %dma_start3A_299 = arith.constant 0 : i32
        %dma_start3A_300 = arith.constant 0 : i32
        %dma_start3A_301 = tpu.memref_slice %arg14[%dma_start3A_299, %dma_start3A_300] : memref<640x64xf32, #tpu.memory_space<vmem>> -> memref<128x64xf32, #tpu.memory_space<vmem>>
        %dma_start3A_302 = tpu.memref_slice %arg11[%add3A_282] : memref<10240xi32, #tpu.memory_space<vmem>> -> memref<128xi32, #tpu.memory_space<vmem>>
        %dma_start3A_303 = arith.constant 0 : i32
        %dma_start3A_304 = arith.constant 0 : i32
        %dma_start3A_305 = tpu.memref_slice %arg6[%dma_start3A_303, %dma_start3A_304] : memref<1000000x64xf32, #tpu.memory_space<hbm>> -> memref<1000000x64xf32, #tpu.memory_space<hbm>>
        tpu.enqueue_indirect_dma source(%dma_start3A_305 : memref<1000000x64xf32, #tpu.memory_space<hbm>>) target(%dma_start3A_301 : memref<128x64xf32, #tpu.memory_space<vmem>>) offsets(%dma_start3A_302 : memref<128xi32, #tpu.memory_space<vmem>>) semaphore(%arg20 : memref<!tpu.dma_semaphore, #tpu.memory_space<semaphore_mem>>)
        %dma_start3A_306 = arith.constant 128 : i32
        %dma_start3A_307 = arith.constant 0 : i32
        %dma_start3A_308 = tpu.memref_slice %arg14[%dma_start3A_306, %dma_start3A_307] : memref<640x64xf32, #tpu.memory_space<vmem>> -> memref<128x64xf32, #tpu.memory_space<vmem>>
        %dma_start3A_309 = tpu.memref_slice %arg11[%add3A_284] : memref<10240xi32, #tpu.memory_space<vmem>> -> memref<128xi32, #tpu.memory_space<vmem>>
        %dma_start3A_310 = arith.constant 0 : i32
        %dma_start3A_311 = arith.constant 0 : i32
        %dma_start3A_312 = tpu.memref_slice %arg6[%dma_start3A_310, %dma_start3A_311] : memref<1000000x64xf32, #tpu.memory_space<hbm>> -> memref<1000000x64xf32, #tpu.memory_space<hbm>>
        tpu.enqueue_indirect_dma source(%dma_start3A_312 : memref<1000000x64xf32, #tpu.memory_space<hbm>>) target(%dma_start3A_308 : memref<128x64xf32, #tpu.memory_space<vmem>>) offsets(%dma_start3A_309 : memref<128xi32, #tpu.memory_space<vmem>>) semaphore(%arg20 : memref<!tpu.dma_semaphore, #tpu.memory_space<semaphore_mem>>)
        %dma_start3A_313 = arith.constant 256 : i32
        %dma_start3A_314 = arith.constant 0 : i32
        %dma_start3A_315 = tpu.memref_slice %arg14[%dma_start3A_313, %dma_start3A_314] : memref<640x64xf32, #tpu.memory_space<vmem>> -> memref<128x64xf32, #tpu.memory_space<vmem>>
        %dma_start3A_316 = tpu.memref_slice %arg11[%add3A_286] : memref<10240xi32, #tpu.memory_space<vmem>> -> memref<128xi32, #tpu.memory_space<vmem>>
        %dma_start3A_317 = arith.constant 0 : i32
        %dma_start3A_318 = arith.constant 0 : i32
        %dma_start3A_319 = tpu.memref_slice %arg6[%dma_start3A_317, %dma_start3A_318] : memref<1000000x64xf32, #tpu.memory_space<hbm>> -> memref<1000000x64xf32, #tpu.memory_space<hbm>>
        tpu.enqueue_indirect_dma source(%dma_start3A_319 : memref<1000000x64xf32, #tpu.memory_space<hbm>>) target(%dma_start3A_315 : memref<128x64xf32, #tpu.memory_space<vmem>>) offsets(%dma_start3A_316 : memref<128xi32, #tpu.memory_space<vmem>>) semaphore(%arg20 : memref<!tpu.dma_semaphore, #tpu.memory_space<semaphore_mem>>)
        %dma_start3A_320 = arith.constant 384 : i32
        %dma_start3A_321 = arith.constant 0 : i32
        %dma_start3A_322 = tpu.memref_slice %arg14[%dma_start3A_320, %dma_start3A_321] : memref<640x64xf32, #tpu.memory_space<vmem>> -> memref<128x64xf32, #tpu.memory_space<vmem>>
        %dma_start3A_323 = tpu.memref_slice %arg11[%add3A_288] : memref<10240xi32, #tpu.memory_space<vmem>> -> memref<128xi32, #tpu.memory_space<vmem>>
        %dma_start3A_324 = arith.constant 0 : i32
        %dma_start3A_325 = arith.constant 0 : i32
        %dma_start3A_326 = tpu.memref_slice %arg6[%dma_start3A_324, %dma_start3A_325] : memref<1000000x64xf32, #tpu.memory_space<hbm>> -> memref<1000000x64xf32, #tpu.memory_space<hbm>>
        tpu.enqueue_indirect_dma source(%dma_start3A_326 : memref<1000000x64xf32, #tpu.memory_space<hbm>>) target(%dma_start3A_322 : memref<128x64xf32, #tpu.memory_space<vmem>>) offsets(%dma_start3A_323 : memref<128xi32, #tpu.memory_space<vmem>>) semaphore(%arg20 : memref<!tpu.dma_semaphore, #tpu.memory_space<semaphore_mem>>)
        %dma_start3A_327 = arith.constant 512 : i32
        %dma_start3A_328 = arith.constant 0 : i32
        %dma_start3A_329 = tpu.memref_slice %arg14[%dma_start3A_327, %dma_start3A_328] : memref<640x64xf32, #tpu.memory_space<vmem>> -> memref<128x64xf32, #tpu.memory_space<vmem>>
        %dma_start3A_330 = tpu.memref_slice %arg11[%add3A_290] : memref<10240xi32, #tpu.memory_space<vmem>> -> memref<128xi32, #tpu.memory_space<vmem>>
        %dma_start3A_331 = arith.constant 0 : i32
        %dma_start3A_332 = arith.constant 0 : i32
        %dma_start3A_333 = tpu.memref_slice %arg6[%dma_start3A_331, %dma_start3A_332] : memref<1000000x64xf32, #tpu.memory_space<hbm>> -> memref<1000000x64xf32, #tpu.memory_space<hbm>>
        tpu.enqueue_indirect_dma source(%dma_start3A_333 : memref<1000000x64xf32, #tpu.memory_space<hbm>>) target(%dma_start3A_329 : memref<128x64xf32, #tpu.memory_space<vmem>>) offsets(%dma_start3A_330 : memref<128xi32, #tpu.memory_space<vmem>>) semaphore(%arg20 : memref<!tpu.dma_semaphore, #tpu.memory_space<semaphore_mem>>)
      } else {
      }
      %mul3A_262 = arith.constant 32 : i32
      %mul3A_263 = arith.muli %add3A_71, %mul3A_262 : i32
      %multiple_of3A_264 = tpu.assume_multiple %mul3A_263, 32 : i32
      %scan3A_265 = arith.constant 0 : i32
      %scan3A_266 = arith.constant 0 : i32
      %scan3A_267 = arith.constant 32 : i32
      %scan3A_268 = arith.addi %scan3A_266, %scan3A_267 : i32
      %scan3A_269 = arith.constant 1 : i32
      %scan3A_270 = scf.for %scan3A_273 = %scan3A_266 to %scan3A_268 step %scan3A_269 iter_args(%scan3A_274 = %scan3A_265) -> (i32)  : i32 {
        %mul3A_275 = arith.constant 20 : i32
        %mul3A_276 = arith.muli %scan3A_273, %mul3A_275 : i32
        %add3A_277 = arith.addi %multiple_of3A_264, %scan3A_273 : i32
        %get3A = arith.index_cast %scan3A_273 : i32 to index
        %get3A_278 = arith.constant 0 : index
        %get3A_279 = tpu.vector_load %arg15[%get3A, %get3A_278] {strides = array<i32>} : memref<32x64xf32, #tpu.memory_space<vmem>>, vector<1x16xf32>,
        %get3A_280 = vector.shape_cast %get3A_279 : vector<1x16xf32> to vector<16xf32>
        %get3A_281 = arith.index_cast %mul3A_276 : i32 to index
        %get3A_282 = arith.constant 0 : index
        %get3A_283 = tpu.vector_load %arg17[%get3A_281, %get3A_282] {strides = array<i32>} : memref<640x64xf32, #tpu.memory_space<vmem>>, vector<1x16xf32>,
        %get3A_284 = vector.shape_cast %get3A_283 : vector<1x16xf32> to vector<16xf32>
        %add3A_285 = arith.constant 1 : i32
        %add3A_286 = arith.addi %mul3A_276, %add3A_285 : i32
        %get3A_287 = arith.index_cast %add3A_286 : i32 to index
        %get3A_288 = arith.constant 0 : index
        %get3A_289 = tpu.vector_load %arg17[%get3A_287, %get3A_288] {strides = array<i32>} : memref<640x64xf32, #tpu.memory_space<vmem>>, vector<1x16xf32>,
        %get3A_290 = vector.shape_cast %get3A_289 : vector<1x16xf32> to vector<16xf32>
        %add3A_291 = arith.addf %get3A_284, %get3A_290 : vector<16xf32>
        %add3A_292 = arith.constant 2 : i32
        %add3A_293 = arith.addi %mul3A_276, %add3A_292 : i32
        %get3A_294 = arith.index_cast %add3A_293 : i32 to index
        %get3A_295 = arith.constant 0 : index
        %get3A_296 = tpu.vector_load %arg17[%get3A_294, %get3A_295] {strides = array<i32>} : memref<640x64xf32, #tpu.memory_space<vmem>>, vector<1x16xf32>,
        %get3A_297 = vector.shape_cast %get3A_296 : vector<1x16xf32> to vector<16xf32>
        %add3A_298 = arith.addf %add3A_291, %get3A_297 : vector<16xf32>
        %add3A_299 = arith.constant 3 : i32
        %add3A_300 = arith.addi %mul3A_276, %add3A_299 : i32
        %get3A_301 = arith.index_cast %add3A_300 : i32 to index
        %get3A_302 = arith.constant 0 : index
        %get3A_303 = tpu.vector_load %arg17[%get3A_301, %get3A_302] {strides = array<i32>} : memref<640x64xf32, #tpu.memory_space<vmem>>, vector<1x16xf32>,
        %get3A_304 = vector.shape_cast %get3A_303 : vector<1x16xf32> to vector<16xf32>
        %add3A_305 = arith.addf %add3A_298, %get3A_304 : vector<16xf32>
        %add3A_306 = arith.constant 4 : i32
        %add3A_307 = arith.addi %mul3A_276, %add3A_306 : i32
        %get3A_308 = arith.index_cast %add3A_307 : i32 to index
        %get3A_309 = arith.constant 0 : index
        %get3A_310 = tpu.vector_load %arg17[%get3A_308, %get3A_309] {strides = array<i32>} : memref<640x64xf32, #tpu.memory_space<vmem>>, vector<1x16xf32>,
        %get3A_311 = vector.shape_cast %get3A_310 : vector<1x16xf32> to vector<16xf32>
        %add3A_312 = arith.addf %add3A_305, %get3A_311 : vector<16xf32>
        %add3A_313 = arith.constant 5 : i32
        %add3A_314 = arith.addi %mul3A_276, %add3A_313 : i32
        %get3A_315 = arith.index_cast %add3A_314 : i32 to index
        %get3A_316 = arith.constant 0 : index
        %get3A_317 = tpu.vector_load %arg17[%get3A_315, %get3A_316] {strides = array<i32>} : memref<640x64xf32, #tpu.memory_space<vmem>>, vector<1x16xf32>,
        %get3A_318 = vector.shape_cast %get3A_317 : vector<1x16xf32> to vector<16xf32>
        %add3A_319 = arith.addf %add3A_312, %get3A_318 : vector<16xf32>
        %add3A_320 = arith.constant 6 : i32
        %add3A_321 = arith.addi %mul3A_276, %add3A_320 : i32
        %get3A_322 = arith.index_cast %add3A_321 : i32 to index
        %get3A_323 = arith.constant 0 : index
        %get3A_324 = tpu.vector_load %arg17[%get3A_322, %get3A_323] {strides = array<i32>} : memref<640x64xf32, #tpu.memory_space<vmem>>, vector<1x16xf32>,
        %get3A_325 = vector.shape_cast %get3A_324 : vector<1x16xf32> to vector<16xf32>
        %add3A_326 = arith.addf %add3A_319, %get3A_325 : vector<16xf32>
        %add3A_327 = arith.constant 7 : i32
        %add3A_328 = arith.addi %mul3A_276, %add3A_327 : i32
        %get3A_329 = arith.index_cast %add3A_328 : i32 to index
        %get3A_330 = arith.constant 0 : index
        %get3A_331 = tpu.vector_load %arg17[%get3A_329, %get3A_330] {strides = array<i32>} : memref<640x64xf32, #tpu.memory_space<vmem>>, vector<1x16xf32>,
        %get3A_332 = vector.shape_cast %get3A_331 : vector<1x16xf32> to vector<16xf32>
        %add3A_333 = arith.addf %add3A_326, %get3A_332 : vector<16xf32>
        %add3A_334 = arith.constant 8 : i32
        %add3A_335 = arith.addi %mul3A_276, %add3A_334 : i32
        %get3A_336 = arith.index_cast %add3A_335 : i32 to index
        %get3A_337 = arith.constant 0 : index
        %get3A_338 = tpu.vector_load %arg17[%get3A_336, %get3A_337] {strides = array<i32>} : memref<640x64xf32, #tpu.memory_space<vmem>>, vector<1x16xf32>,
        %get3A_339 = vector.shape_cast %get3A_338 : vector<1x16xf32> to vector<16xf32>
        %add3A_340 = arith.addf %add3A_333, %get3A_339 : vector<16xf32>
        %add3A_341 = arith.constant 9 : i32
        %add3A_342 = arith.addi %mul3A_276, %add3A_341 : i32
        %get3A_343 = arith.index_cast %add3A_342 : i32 to index
        %get3A_344 = arith.constant 0 : index
        %get3A_345 = tpu.vector_load %arg17[%get3A_343, %get3A_344] {strides = array<i32>} : memref<640x64xf32, #tpu.memory_space<vmem>>, vector<1x16xf32>,
        %get3A_346 = vector.shape_cast %get3A_345 : vector<1x16xf32> to vector<16xf32>
        %add3A_347 = arith.addf %add3A_340, %get3A_346 : vector<16xf32>
        %add3A_348 = arith.constant 10 : i32
        %add3A_349 = arith.addi %mul3A_276, %add3A_348 : i32
        %get3A_350 = arith.index_cast %add3A_349 : i32 to index
        %get3A_351 = arith.constant 0 : index
        %get3A_352 = tpu.vector_load %arg17[%get3A_350, %get3A_351] {strides = array<i32>} : memref<640x64xf32, #tpu.memory_space<vmem>>, vector<1x16xf32>,
        %get3A_353 = vector.shape_cast %get3A_352 : vector<1x16xf32> to vector<16xf32>
        %add3A_354 = arith.addf %add3A_347, %get3A_353 : vector<16xf32>
        %add3A_355 = arith.constant 11 : i32
        %add3A_356 = arith.addi %mul3A_276, %add3A_355 : i32
        %get3A_357 = arith.index_cast %add3A_356 : i32 to index
        %get3A_358 = arith.constant 0 : index
        %get3A_359 = tpu.vector_load %arg17[%get3A_357, %get3A_358] {strides = array<i32>} : memref<640x64xf32, #tpu.memory_space<vmem>>, vector<1x16xf32>,
        %get3A_360 = vector.shape_cast %get3A_359 : vector<1x16xf32> to vector<16xf32>
        %add3A_361 = arith.addf %add3A_354, %get3A_360 : vector<16xf32>
        %add3A_362 = arith.constant 12 : i32
        %add3A_363 = arith.addi %mul3A_276, %add3A_362 : i32
        %get3A_364 = arith.index_cast %add3A_363 : i32 to index
        %get3A_365 = arith.constant 0 : index
        %get3A_366 = tpu.vector_load %arg17[%get3A_364, %get3A_365] {strides = array<i32>} : memref<640x64xf32, #tpu.memory_space<vmem>>, vector<1x16xf32>,
        %get3A_367 = vector.shape_cast %get3A_366 : vector<1x16xf32> to vector<16xf32>
        %add3A_368 = arith.addf %add3A_361, %get3A_367 : vector<16xf32>
        %add3A_369 = arith.constant 13 : i32
        %add3A_370 = arith.addi %mul3A_276, %add3A_369 : i32
        %get3A_371 = arith.index_cast %add3A_370 : i32 to index
        %get3A_372 = arith.constant 0 : index
        %get3A_373 = tpu.vector_load %arg17[%get3A_371, %get3A_372] {strides = array<i32>} : memref<640x64xf32, #tpu.memory_space<vmem>>, vector<1x16xf32>,
        %get3A_374 = vector.shape_cast %get3A_373 : vector<1x16xf32> to vector<16xf32>
        %add3A_375 = arith.addf %add3A_368, %get3A_374 : vector<16xf32>
        %add3A_376 = arith.constant 14 : i32
        %add3A_377 = arith.addi %mul3A_276, %add3A_376 : i32
        %get3A_378 = arith.index_cast %add3A_377 : i32 to index
        %get3A_379 = arith.constant 0 : index
        %get3A_380 = tpu.vector_load %arg17[%get3A_378, %get3A_379] {strides = array<i32>} : memref<640x64xf32, #tpu.memory_space<vmem>>, vector<1x16xf32>,
        %get3A_381 = vector.shape_cast %get3A_380 : vector<1x16xf32> to vector<16xf32>
        %add3A_382 = arith.addf %add3A_375, %get3A_381 : vector<16xf32>
        %add3A_383 = arith.constant 15 : i32
        %add3A_384 = arith.addi %mul3A_276, %add3A_383 : i32
        %get3A_385 = arith.index_cast %add3A_384 : i32 to index
        %get3A_386 = arith.constant 0 : index
        %get3A_387 = tpu.vector_load %arg17[%get3A_385, %get3A_386] {strides = array<i32>} : memref<640x64xf32, #tpu.memory_space<vmem>>, vector<1x16xf32>,
        %get3A_388 = vector.shape_cast %get3A_387 : vector<1x16xf32> to vector<16xf32>
        %add3A_389 = arith.addf %add3A_382, %get3A_388 : vector<16xf32>
        %add3A_390 = arith.constant 16 : i32
        %add3A_391 = arith.addi %mul3A_276, %add3A_390 : i32
        %get3A_392 = arith.index_cast %add3A_391 : i32 to index
        %get3A_393 = arith.constant 0 : index
        %get3A_394 = tpu.vector_load %arg17[%get3A_392, %get3A_393] {strides = array<i32>} : memref<640x64xf32, #tpu.memory_space<vmem>>, vector<1x16xf32>,
        %get3A_395 = vector.shape_cast %get3A_394 : vector<1x16xf32> to vector<16xf32>
        %add3A_396 = arith.addf %add3A_389, %get3A_395 : vector<16xf32>
        %add3A_397 = arith.constant 17 : i32
        %add3A_398 = arith.addi %mul3A_276, %add3A_397 : i32
        %get3A_399 = arith.index_cast %add3A_398 : i32 to index
        %get3A_400 = arith.constant 0 : index
        %get3A_401 = tpu.vector_load %arg17[%get3A_399, %get3A_400] {strides = array<i32>} : memref<640x64xf32, #tpu.memory_space<vmem>>, vector<1x16xf32>,
        %get3A_402 = vector.shape_cast %get3A_401 : vector<1x16xf32> to vector<16xf32>
        %add3A_403 = arith.addf %add3A_396, %get3A_402 : vector<16xf32>
        %add3A_404 = arith.constant 18 : i32
        %add3A_405 = arith.addi %mul3A_276, %add3A_404 : i32
        %get3A_406 = arith.index_cast %add3A_405 : i32 to index
        %get3A_407 = arith.constant 0 : index
        %get3A_408 = tpu.vector_load %arg17[%get3A_406, %get3A_407] {strides = array<i32>} : memref<640x64xf32, #tpu.memory_space<vmem>>, vector<1x16xf32>,
        %get3A_409 = vector.shape_cast %get3A_408 : vector<1x16xf32> to vector<16xf32>
        %add3A_410 = arith.addf %add3A_403, %get3A_409 : vector<16xf32>
        %add3A_411 = arith.constant 19 : i32
        %add3A_412 = arith.addi %mul3A_276, %add3A_411 : i32
        %get3A_413 = arith.index_cast %add3A_412 : i32 to index
        %get3A_414 = arith.constant 0 : index
        %get3A_415 = tpu.vector_load %arg17[%get3A_413, %get3A_414] {strides = array<i32>} : memref<640x64xf32, #tpu.memory_space<vmem>>, vector<1x16xf32>,
        %get3A_416 = vector.shape_cast %get3A_415 : vector<1x16xf32> to vector<16xf32>
        %add3A_417 = arith.addf %add3A_410, %get3A_416 : vector<16xf32>
        %get3A_418 = arith.index_cast %scan3A_273 : i32 to index
        %get3A_419 = arith.constant 0 : index
        %get3A_420 = tpu.vector_load %arg16[%get3A_418, %get3A_419] {strides = array<i32>} : memref<32x64xf32, #tpu.memory_space<vmem>>, vector<1x16xf32>,
        %get3A_421 = vector.shape_cast %get3A_420 : vector<1x16xf32> to vector<16xf32>
        %mul3A_422 = arith.mulf %get3A_280, %get3A_421 : vector<16xf32>
        %mul3A_423 = arith.mulf %get3A_280, %add3A_417 : vector<16xf32>
        %get3A_424 = arith.index_cast %scan3A_273 : i32 to index
        %get3A_425 = arith.constant 16 : index
        %get3A_426 = tpu.vector_load %arg15[%get3A_424, %get3A_425] {strides = array<i32>} : memref<32x64xf32, #tpu.memory_space<vmem>>, vector<1x16xf32>,
        %get3A_427 = vector.shape_cast %get3A_426 : vector<1x16xf32> to vector<16xf32>
        %get3A_428 = arith.index_cast %mul3A_276 : i32 to index
        %get3A_429 = arith.constant 16 : index
        %get3A_430 = tpu.vector_load %arg17[%get3A_428, %get3A_429] {strides = array<i32>} : memref<640x64xf32, #tpu.memory_space<vmem>>, vector<1x16xf32>,
        %get3A_431 = vector.shape_cast %get3A_430 : vector<1x16xf32> to vector<16xf32>
        %add3A_432 = arith.constant 1 : i32
        %add3A_433 = arith.addi %mul3A_276, %add3A_432 : i32
        %get3A_434 = arith.index_cast %add3A_433 : i32 to index
        %get3A_435 = arith.constant 16 : index
        %get3A_436 = tpu.vector_load %arg17[%get3A_434, %get3A_435] {strides = array<i32>} : memref<640x64xf32, #tpu.memory_space<vmem>>, vector<1x16xf32>,
        %get3A_437 = vector.shape_cast %get3A_436 : vector<1x16xf32> to vector<16xf32>
        %add3A_438 = arith.addf %get3A_431, %get3A_437 : vector<16xf32>
        %add3A_439 = arith.constant 2 : i32
        %add3A_440 = arith.addi %mul3A_276, %add3A_439 : i32
        %get3A_441 = arith.index_cast %add3A_440 : i32 to index
        %get3A_442 = arith.constant 16 : index
        %get3A_443 = tpu.vector_load %arg17[%get3A_441, %get3A_442] {strides = array<i32>} : memref<640x64xf32, #tpu.memory_space<vmem>>, vector<1x16xf32>,
        %get3A_444 = vector.shape_cast %get3A_443 : vector<1x16xf32> to vector<16xf32>
        %add3A_445 = arith.addf %add3A_438, %get3A_444 : vector<16xf32>
        %add3A_446 = arith.constant 3 : i32
        %add3A_447 = arith.addi %mul3A_276, %add3A_446 : i32
        %get3A_448 = arith.index_cast %add3A_447 : i32 to index
        %get3A_449 = arith.constant 16 : index
        %get3A_450 = tpu.vector_load %arg17[%get3A_448, %get3A_449] {strides = array<i32>} : memref<640x64xf32, #tpu.memory_space<vmem>>, vector<1x16xf32>,
        %get3A_451 = vector.shape_cast %get3A_450 : vector<1x16xf32> to vector<16xf32>
        %add3A_452 = arith.addf %add3A_445, %get3A_451 : vector<16xf32>
        %add3A_453 = arith.constant 4 : i32
        %add3A_454 = arith.addi %mul3A_276, %add3A_453 : i32
        %get3A_455 = arith.index_cast %add3A_454 : i32 to index
        %get3A_456 = arith.constant 16 : index
        %get3A_457 = tpu.vector_load %arg17[%get3A_455, %get3A_456] {strides = array<i32>} : memref<640x64xf32, #tpu.memory_space<vmem>>, vector<1x16xf32>,
        %get3A_458 = vector.shape_cast %get3A_457 : vector<1x16xf32> to vector<16xf32>
        %add3A_459 = arith.addf %add3A_452, %get3A_458 : vector<16xf32>
        %add3A_460 = arith.constant 5 : i32
        %add3A_461 = arith.addi %mul3A_276, %add3A_460 : i32
        %get3A_462 = arith.index_cast %add3A_461 : i32 to index
        %get3A_463 = arith.constant 16 : index
        %get3A_464 = tpu.vector_load %arg17[%get3A_462, %get3A_463] {strides = array<i32>} : memref<640x64xf32, #tpu.memory_space<vmem>>, vector<1x16xf32>,
        %get3A_465 = vector.shape_cast %get3A_464 : vector<1x16xf32> to vector<16xf32>
        %add3A_466 = arith.addf %add3A_459, %get3A_465 : vector<16xf32>
        %add3A_467 = arith.constant 6 : i32
        %add3A_468 = arith.addi %mul3A_276, %add3A_467 : i32
        %get3A_469 = arith.index_cast %add3A_468 : i32 to index
        %get3A_470 = arith.constant 16 : index
        %get3A_471 = tpu.vector_load %arg17[%get3A_469, %get3A_470] {strides = array<i32>} : memref<640x64xf32, #tpu.memory_space<vmem>>, vector<1x16xf32>,
        %get3A_472 = vector.shape_cast %get3A_471 : vector<1x16xf32> to vector<16xf32>
        %add3A_473 = arith.addf %add3A_466, %get3A_472 : vector<16xf32>
        %add3A_474 = arith.constant 7 : i32
        %add3A_475 = arith.addi %mul3A_276, %add3A_474 : i32
        %get3A_476 = arith.index_cast %add3A_475 : i32 to index
        %get3A_477 = arith.constant 16 : index
        %get3A_478 = tpu.vector_load %arg17[%get3A_476, %get3A_477] {strides = array<i32>} : memref<640x64xf32, #tpu.memory_space<vmem>>, vector<1x16xf32>,
        %get3A_479 = vector.shape_cast %get3A_478 : vector<1x16xf32> to vector<16xf32>
        %add3A_480 = arith.addf %add3A_473, %get3A_479 : vector<16xf32>
        %add3A_481 = arith.constant 8 : i32
        %add3A_482 = arith.addi %mul3A_276, %add3A_481 : i32
        %get3A_483 = arith.index_cast %add3A_482 : i32 to index
        %get3A_484 = arith.constant 16 : index
        %get3A_485 = tpu.vector_load %arg17[%get3A_483, %get3A_484] {strides = array<i32>} : memref<640x64xf32, #tpu.memory_space<vmem>>, vector<1x16xf32>,
        %get3A_486 = vector.shape_cast %get3A_485 : vector<1x16xf32> to vector<16xf32>
        %add3A_487 = arith.addf %add3A_480, %get3A_486 : vector<16xf32>
        %add3A_488 = arith.constant 9 : i32
        %add3A_489 = arith.addi %mul3A_276, %add3A_488 : i32
        %get3A_490 = arith.index_cast %add3A_489 : i32 to index
        %get3A_491 = arith.constant 16 : index
        %get3A_492 = tpu.vector_load %arg17[%get3A_490, %get3A_491] {strides = array<i32>} : memref<640x64xf32, #tpu.memory_space<vmem>>, vector<1x16xf32>,
        %get3A_493 = vector.shape_cast %get3A_492 : vector<1x16xf32> to vector<16xf32>
        %add3A_494 = arith.addf %add3A_487, %get3A_493 : vector<16xf32>
        %add3A_495 = arith.constant 10 : i32
        %add3A_496 = arith.addi %mul3A_276, %add3A_495 : i32
        %get3A_497 = arith.index_cast %add3A_496 : i32 to index
        %get3A_498 = arith.constant 16 : index
        %get3A_499 = tpu.vector_load %arg17[%get3A_497, %get3A_498] {strides = array<i32>} : memref<640x64xf32, #tpu.memory_space<vmem>>, vector<1x16xf32>,
        %get3A_500 = vector.shape_cast %get3A_499 : vector<1x16xf32> to vector<16xf32>
        %add3A_501 = arith.addf %add3A_494, %get3A_500 : vector<16xf32>
        %add3A_502 = arith.constant 11 : i32
        %add3A_503 = arith.addi %mul3A_276, %add3A_502 : i32
        %get3A_504 = arith.index_cast %add3A_503 : i32 to index
        %get3A_505 = arith.constant 16 : index
        %get3A_506 = tpu.vector_load %arg17[%get3A_504, %get3A_505] {strides = array<i32>} : memref<640x64xf32, #tpu.memory_space<vmem>>, vector<1x16xf32>,
        %get3A_507 = vector.shape_cast %get3A_506 : vector<1x16xf32> to vector<16xf32>
        %add3A_508 = arith.addf %add3A_501, %get3A_507 : vector<16xf32>
        %add3A_509 = arith.constant 12 : i32
        %add3A_510 = arith.addi %mul3A_276, %add3A_509 : i32
        %get3A_511 = arith.index_cast %add3A_510 : i32 to index
        %get3A_512 = arith.constant 16 : index
        %get3A_513 = tpu.vector_load %arg17[%get3A_511, %get3A_512] {strides = array<i32>} : memref<640x64xf32, #tpu.memory_space<vmem>>, vector<1x16xf32>,
        %get3A_514 = vector.shape_cast %get3A_513 : vector<1x16xf32> to vector<16xf32>
        %add3A_515 = arith.addf %add3A_508, %get3A_514 : vector<16xf32>
        %add3A_516 = arith.constant 13 : i32
        %add3A_517 = arith.addi %mul3A_276, %add3A_516 : i32
        %get3A_518 = arith.index_cast %add3A_517 : i32 to index
        %get3A_519 = arith.constant 16 : index
        %get3A_520 = tpu.vector_load %arg17[%get3A_518, %get3A_519] {strides = array<i32>} : memref<640x64xf32, #tpu.memory_space<vmem>>, vector<1x16xf32>,
        %get3A_521 = vector.shape_cast %get3A_520 : vector<1x16xf32> to vector<16xf32>
        %add3A_522 = arith.addf %add3A_515, %get3A_521 : vector<16xf32>
        %add3A_523 = arith.constant 14 : i32
        %add3A_524 = arith.addi %mul3A_276, %add3A_523 : i32
        %get3A_525 = arith.index_cast %add3A_524 : i32 to index
        %get3A_526 = arith.constant 16 : index
        %get3A_527 = tpu.vector_load %arg17[%get3A_525, %get3A_526] {strides = array<i32>} : memref<640x64xf32, #tpu.memory_space<vmem>>, vector<1x16xf32>,
        %get3A_528 = vector.shape_cast %get3A_527 : vector<1x16xf32> to vector<16xf32>
        %add3A_529 = arith.addf %add3A_522, %get3A_528 : vector<16xf32>
        %add3A_530 = arith.constant 15 : i32
        %add3A_531 = arith.addi %mul3A_276, %add3A_530 : i32
        %get3A_532 = arith.index_cast %add3A_531 : i32 to index
        %get3A_533 = arith.constant 16 : index
        %get3A_534 = tpu.vector_load %arg17[%get3A_532, %get3A_533] {strides = array<i32>} : memref<640x64xf32, #tpu.memory_space<vmem>>, vector<1x16xf32>,
        %get3A_535 = vector.shape_cast %get3A_534 : vector<1x16xf32> to vector<16xf32>
        %add3A_536 = arith.addf %add3A_529, %get3A_535 : vector<16xf32>
        %add3A_537 = arith.constant 16 : i32
        %add3A_538 = arith.addi %mul3A_276, %add3A_537 : i32
        %get3A_539 = arith.index_cast %add3A_538 : i32 to index
        %get3A_540 = arith.constant 16 : index
        %get3A_541 = tpu.vector_load %arg17[%get3A_539, %get3A_540] {strides = array<i32>} : memref<640x64xf32, #tpu.memory_space<vmem>>, vector<1x16xf32>,
        %get3A_542 = vector.shape_cast %get3A_541 : vector<1x16xf32> to vector<16xf32>
        %add3A_543 = arith.addf %add3A_536, %get3A_542 : vector<16xf32>
        %add3A_544 = arith.constant 17 : i32
        %add3A_545 = arith.addi %mul3A_276, %add3A_544 : i32
        %get3A_546 = arith.index_cast %add3A_545 : i32 to index
        %get3A_547 = arith.constant 16 : index
        %get3A_548 = tpu.vector_load %arg17[%get3A_546, %get3A_547] {strides = array<i32>} : memref<640x64xf32, #tpu.memory_space<vmem>>, vector<1x16xf32>,
        %get3A_549 = vector.shape_cast %get3A_548 : vector<1x16xf32> to vector<16xf32>
        %add3A_550 = arith.addf %add3A_543, %get3A_549 : vector<16xf32>
        %add3A_551 = arith.constant 18 : i32
        %add3A_552 = arith.addi %mul3A_276, %add3A_551 : i32
        %get3A_553 = arith.index_cast %add3A_552 : i32 to index
        %get3A_554 = arith.constant 16 : index
        %get3A_555 = tpu.vector_load %arg17[%get3A_553, %get3A_554] {strides = array<i32>} : memref<640x64xf32, #tpu.memory_space<vmem>>, vector<1x16xf32>,
        %get3A_556 = vector.shape_cast %get3A_555 : vector<1x16xf32> to vector<16xf32>
        %add3A_557 = arith.addf %add3A_550, %get3A_556 : vector<16xf32>
        %add3A_558 = arith.constant 19 : i32
        %add3A_559 = arith.addi %mul3A_276, %add3A_558 : i32
        %get3A_560 = arith.index_cast %add3A_559 : i32 to index
        %get3A_561 = arith.constant 16 : index
        %get3A_562 = tpu.vector_load %arg17[%get3A_560, %get3A_561] {strides = array<i32>} : memref<640x64xf32, #tpu.memory_space<vmem>>, vector<1x16xf32>,
        %get3A_563 = vector.shape_cast %get3A_562 : vector<1x16xf32> to vector<16xf32>
        %add3A_564 = arith.addf %add3A_557, %get3A_563 : vector<16xf32>
        %get3A_565 = arith.index_cast %scan3A_273 : i32 to index
        %get3A_566 = arith.constant 16 : index
        %get3A_567 = tpu.vector_load %arg16[%get3A_565, %get3A_566] {strides = array<i32>} : memref<32x64xf32, #tpu.memory_space<vmem>>, vector<1x16xf32>,
        %get3A_568 = vector.shape_cast %get3A_567 : vector<1x16xf32> to vector<16xf32>
        %mul3A_569 = arith.mulf %get3A_427, %get3A_568 : vector<16xf32>
        %mul3A_570 = arith.mulf %get3A_427, %add3A_564 : vector<16xf32>
        %add3A_571 = arith.addf %mul3A_422, %mul3A_569 : vector<16xf32>
        %add3A_572 = arith.addf %mul3A_423, %mul3A_570 : vector<16xf32>
        %get3A_573 = arith.index_cast %scan3A_273 : i32 to index
        %get3A_574 = arith.constant 32 : index
        %get3A_575 = tpu.vector_load %arg15[%get3A_573, %get3A_574] {strides = array<i32>} : memref<32x64xf32, #tpu.memory_space<vmem>>, vector<1x16xf32>,
        %get3A_576 = vector.shape_cast %get3A_575 : vector<1x16xf32> to vector<16xf32>
        %get3A_577 = arith.index_cast %mul3A_276 : i32 to index
        %get3A_578 = arith.constant 32 : index
        %get3A_579 = tpu.vector_load %arg17[%get3A_577, %get3A_578] {strides = array<i32>} : memref<640x64xf32, #tpu.memory_space<vmem>>, vector<1x16xf32>,
        %get3A_580 = vector.shape_cast %get3A_579 : vector<1x16xf32> to vector<16xf32>
        %add3A_581 = arith.constant 1 : i32
        %add3A_582 = arith.addi %mul3A_276, %add3A_581 : i32
        %get3A_583 = arith.index_cast %add3A_582 : i32 to index
        %get3A_584 = arith.constant 32 : index
        %get3A_585 = tpu.vector_load %arg17[%get3A_583, %get3A_584] {strides = array<i32>} : memref<640x64xf32, #tpu.memory_space<vmem>>, vector<1x16xf32>,
        %get3A_586 = vector.shape_cast %get3A_585 : vector<1x16xf32> to vector<16xf32>
        %add3A_587 = arith.addf %get3A_580, %get3A_586 : vector<16xf32>
        %add3A_588 = arith.constant 2 : i32
        %add3A_589 = arith.addi %mul3A_276, %add3A_588 : i32
        %get3A_590 = arith.index_cast %add3A_589 : i32 to index
        %get3A_591 = arith.constant 32 : index
        %get3A_592 = tpu.vector_load %arg17[%get3A_590, %get3A_591] {strides = array<i32>} : memref<640x64xf32, #tpu.memory_space<vmem>>, vector<1x16xf32>,
        %get3A_593 = vector.shape_cast %get3A_592 : vector<1x16xf32> to vector<16xf32>
        %add3A_594 = arith.addf %add3A_587, %get3A_593 : vector<16xf32>
        %add3A_595 = arith.constant 3 : i32
        %add3A_596 = arith.addi %mul3A_276, %add3A_595 : i32
        %get3A_597 = arith.index_cast %add3A_596 : i32 to index
        %get3A_598 = arith.constant 32 : index
        %get3A_599 = tpu.vector_load %arg17[%get3A_597, %get3A_598] {strides = array<i32>} : memref<640x64xf32, #tpu.memory_space<vmem>>, vector<1x16xf32>,
        %get3A_600 = vector.shape_cast %get3A_599 : vector<1x16xf32> to vector<16xf32>
        %add3A_601 = arith.addf %add3A_594, %get3A_600 : vector<16xf32>
        %add3A_602 = arith.constant 4 : i32
        %add3A_603 = arith.addi %mul3A_276, %add3A_602 : i32
        %get3A_604 = arith.index_cast %add3A_603 : i32 to index
        %get3A_605 = arith.constant 32 : index
        %get3A_606 = tpu.vector_load %arg17[%get3A_604, %get3A_605] {strides = array<i32>} : memref<640x64xf32, #tpu.memory_space<vmem>>, vector<1x16xf32>,
        %get3A_607 = vector.shape_cast %get3A_606 : vector<1x16xf32> to vector<16xf32>
        %add3A_608 = arith.addf %add3A_601, %get3A_607 : vector<16xf32>
        %add3A_609 = arith.constant 5 : i32
        %add3A_610 = arith.addi %mul3A_276, %add3A_609 : i32
        %get3A_611 = arith.index_cast %add3A_610 : i32 to index
        %get3A_612 = arith.constant 32 : index
        %get3A_613 = tpu.vector_load %arg17[%get3A_611, %get3A_612] {strides = array<i32>} : memref<640x64xf32, #tpu.memory_space<vmem>>, vector<1x16xf32>,
        %get3A_614 = vector.shape_cast %get3A_613 : vector<1x16xf32> to vector<16xf32>
        %add3A_615 = arith.addf %add3A_608, %get3A_614 : vector<16xf32>
        %add3A_616 = arith.constant 6 : i32
        %add3A_617 = arith.addi %mul3A_276, %add3A_616 : i32
        %get3A_618 = arith.index_cast %add3A_617 : i32 to index
        %get3A_619 = arith.constant 32 : index
        %get3A_620 = tpu.vector_load %arg17[%get3A_618, %get3A_619] {strides = array<i32>} : memref<640x64xf32, #tpu.memory_space<vmem>>, vector<1x16xf32>,
        %get3A_621 = vector.shape_cast %get3A_620 : vector<1x16xf32> to vector<16xf32>
        %add3A_622 = arith.addf %add3A_615, %get3A_621 : vector<16xf32>
        %add3A_623 = arith.constant 7 : i32
        %add3A_624 = arith.addi %mul3A_276, %add3A_623 : i32
        %get3A_625 = arith.index_cast %add3A_624 : i32 to index
        %get3A_626 = arith.constant 32 : index
        %get3A_627 = tpu.vector_load %arg17[%get3A_625, %get3A_626] {strides = array<i32>} : memref<640x64xf32, #tpu.memory_space<vmem>>, vector<1x16xf32>,
        %get3A_628 = vector.shape_cast %get3A_627 : vector<1x16xf32> to vector<16xf32>
        %add3A_629 = arith.addf %add3A_622, %get3A_628 : vector<16xf32>
        %add3A_630 = arith.constant 8 : i32
        %add3A_631 = arith.addi %mul3A_276, %add3A_630 : i32
        %get3A_632 = arith.index_cast %add3A_631 : i32 to index
        %get3A_633 = arith.constant 32 : index
        %get3A_634 = tpu.vector_load %arg17[%get3A_632, %get3A_633] {strides = array<i32>} : memref<640x64xf32, #tpu.memory_space<vmem>>, vector<1x16xf32>,
        %get3A_635 = vector.shape_cast %get3A_634 : vector<1x16xf32> to vector<16xf32>
        %add3A_636 = arith.addf %add3A_629, %get3A_635 : vector<16xf32>
        %add3A_637 = arith.constant 9 : i32
        %add3A_638 = arith.addi %mul3A_276, %add3A_637 : i32
        %get3A_639 = arith.index_cast %add3A_638 : i32 to index
        %get3A_640 = arith.constant 32 : index
        %get3A_641 = tpu.vector_load %arg17[%get3A_639, %get3A_640] {strides = array<i32>} : memref<640x64xf32, #tpu.memory_space<vmem>>, vector<1x16xf32>,
        %get3A_642 = vector.shape_cast %get3A_641 : vector<1x16xf32> to vector<16xf32>
        %add3A_643 = arith.addf %add3A_636, %get3A_642 : vector<16xf32>
        %add3A_644 = arith.constant 10 : i32
        %add3A_645 = arith.addi %mul3A_276, %add3A_644 : i32
        %get3A_646 = arith.index_cast %add3A_645 : i32 to index
        %get3A_647 = arith.constant 32 : index
        %get3A_648 = tpu.vector_load %arg17[%get3A_646, %get3A_647] {strides = array<i32>} : memref<640x64xf32, #tpu.memory_space<vmem>>, vector<1x16xf32>,
        %get3A_649 = vector.shape_cast %get3A_648 : vector<1x16xf32> to vector<16xf32>
        %add3A_650 = arith.addf %add3A_643, %get3A_649 : vector<16xf32>
        %add3A_651 = arith.constant 11 : i32
        %add3A_652 = arith.addi %mul3A_276, %add3A_651 : i32
        %get3A_653 = arith.index_cast %add3A_652 : i32 to index
        %get3A_654 = arith.constant 32 : index
        %get3A_655 = tpu.vector_load %arg17[%get3A_653, %get3A_654] {strides = array<i32>} : memref<640x64xf32, #tpu.memory_space<vmem>>, vector<1x16xf32>,
        %get3A_656 = vector.shape_cast %get3A_655 : vector<1x16xf32> to vector<16xf32>
        %add3A_657 = arith.addf %add3A_650, %get3A_656 : vector<16xf32>
        %add3A_658 = arith.constant 12 : i32
        %add3A_659 = arith.addi %mul3A_276, %add3A_658 : i32
        %get3A_660 = arith.index_cast %add3A_659 : i32 to index
        %get3A_661 = arith.constant 32 : index
        %get3A_662 = tpu.vector_load %arg17[%get3A_660, %get3A_661] {strides = array<i32>} : memref<640x64xf32, #tpu.memory_space<vmem>>, vector<1x16xf32>,
        %get3A_663 = vector.shape_cast %get3A_662 : vector<1x16xf32> to vector<16xf32>
        %add3A_664 = arith.addf %add3A_657, %get3A_663 : vector<16xf32>
        %add3A_665 = arith.constant 13 : i32
        %add3A_666 = arith.addi %mul3A_276, %add3A_665 : i32
        %get3A_667 = arith.index_cast %add3A_666 : i32 to index
        %get3A_668 = arith.constant 32 : index
        %get3A_669 = tpu.vector_load %arg17[%get3A_667, %get3A_668] {strides = array<i32>} : memref<640x64xf32, #tpu.memory_space<vmem>>, vector<1x16xf32>,
        %get3A_670 = vector.shape_cast %get3A_669 : vector<1x16xf32> to vector<16xf32>
        %add3A_671 = arith.addf %add3A_664, %get3A_670 : vector<16xf32>
        %add3A_672 = arith.constant 14 : i32
        %add3A_673 = arith.addi %mul3A_276, %add3A_672 : i32
        %get3A_674 = arith.index_cast %add3A_673 : i32 to index
        %get3A_675 = arith.constant 32 : index
        %get3A_676 = tpu.vector_load %arg17[%get3A_674, %get3A_675] {strides = array<i32>} : memref<640x64xf32, #tpu.memory_space<vmem>>, vector<1x16xf32>,
        %get3A_677 = vector.shape_cast %get3A_676 : vector<1x16xf32> to vector<16xf32>
        %add3A_678 = arith.addf %add3A_671, %get3A_677 : vector<16xf32>
        %add3A_679 = arith.constant 15 : i32
        %add3A_680 = arith.addi %mul3A_276, %add3A_679 : i32
        %get3A_681 = arith.index_cast %add3A_680 : i32 to index
        %get3A_682 = arith.constant 32 : index
        %get3A_683 = tpu.vector_load %arg17[%get3A_681, %get3A_682] {strides = array<i32>} : memref<640x64xf32, #tpu.memory_space<vmem>>, vector<1x16xf32>,
        %get3A_684 = vector.shape_cast %get3A_683 : vector<1x16xf32> to vector<16xf32>
        %add3A_685 = arith.addf %add3A_678, %get3A_684 : vector<16xf32>
        %add3A_686 = arith.constant 16 : i32
        %add3A_687 = arith.addi %mul3A_276, %add3A_686 : i32
        %get3A_688 = arith.index_cast %add3A_687 : i32 to index
        %get3A_689 = arith.constant 32 : index
        %get3A_690 = tpu.vector_load %arg17[%get3A_688, %get3A_689] {strides = array<i32>} : memref<640x64xf32, #tpu.memory_space<vmem>>, vector<1x16xf32>,
        %get3A_691 = vector.shape_cast %get3A_690 : vector<1x16xf32> to vector<16xf32>
        %add3A_692 = arith.addf %add3A_685, %get3A_691 : vector<16xf32>
        %add3A_693 = arith.constant 17 : i32
        %add3A_694 = arith.addi %mul3A_276, %add3A_693 : i32
        %get3A_695 = arith.index_cast %add3A_694 : i32 to index
        %get3A_696 = arith.constant 32 : index
        %get3A_697 = tpu.vector_load %arg17[%get3A_695, %get3A_696] {strides = array<i32>} : memref<640x64xf32, #tpu.memory_space<vmem>>, vector<1x16xf32>,
        %get3A_698 = vector.shape_cast %get3A_697 : vector<1x16xf32> to vector<16xf32>
        %add3A_699 = arith.addf %add3A_692, %get3A_698 : vector<16xf32>
        %add3A_700 = arith.constant 18 : i32
        %add3A_701 = arith.addi %mul3A_276, %add3A_700 : i32
        %get3A_702 = arith.index_cast %add3A_701 : i32 to index
        %get3A_703 = arith.constant 32 : index
        %get3A_704 = tpu.vector_load %arg17[%get3A_702, %get3A_703] {strides = array<i32>} : memref<640x64xf32, #tpu.memory_space<vmem>>, vector<1x16xf32>,
        %get3A_705 = vector.shape_cast %get3A_704 : vector<1x16xf32> to vector<16xf32>
        %add3A_706 = arith.addf %add3A_699, %get3A_705 : vector<16xf32>
        %add3A_707 = arith.constant 19 : i32
        %add3A_708 = arith.addi %mul3A_276, %add3A_707 : i32
        %get3A_709 = arith.index_cast %add3A_708 : i32 to index
        %get3A_710 = arith.constant 32 : index
        %get3A_711 = tpu.vector_load %arg17[%get3A_709, %get3A_710] {strides = array<i32>} : memref<640x64xf32, #tpu.memory_space<vmem>>, vector<1x16xf32>,
        %get3A_712 = vector.shape_cast %get3A_711 : vector<1x16xf32> to vector<16xf32>
        %add3A_713 = arith.addf %add3A_706, %get3A_712 : vector<16xf32>
        %get3A_714 = arith.index_cast %scan3A_273 : i32 to index
        %get3A_715 = arith.constant 32 : index
        %get3A_716 = tpu.vector_load %arg16[%get3A_714, %get3A_715] {strides = array<i32>} : memref<32x64xf32, #tpu.memory_space<vmem>>, vector<1x16xf32>,
        %get3A_717 = vector.shape_cast %get3A_716 : vector<1x16xf32> to vector<16xf32>
        %mul3A_718 = arith.mulf %get3A_576, %get3A_717 : vector<16xf32>
        %mul3A_719 = arith.mulf %get3A_576, %add3A_713 : vector<16xf32>
        %add3A_720 = arith.addf %add3A_571, %mul3A_718 : vector<16xf32>
        %add3A_721 = arith.addf %add3A_572, %mul3A_719 : vector<16xf32>
        %get3A_722 = arith.index_cast %scan3A_273 : i32 to index
        %get3A_723 = arith.constant 48 : index
        %get3A_724 = tpu.vector_load %arg15[%get3A_722, %get3A_723] {strides = array<i32>} : memref<32x64xf32, #tpu.memory_space<vmem>>, vector<1x16xf32>,
        %get3A_725 = vector.shape_cast %get3A_724 : vector<1x16xf32> to vector<16xf32>
        %get3A_726 = arith.index_cast %mul3A_276 : i32 to index
        %get3A_727 = arith.constant 48 : index
        %get3A_728 = tpu.vector_load %arg17[%get3A_726, %get3A_727] {strides = array<i32>} : memref<640x64xf32, #tpu.memory_space<vmem>>, vector<1x16xf32>,
        %get3A_729 = vector.shape_cast %get3A_728 : vector<1x16xf32> to vector<16xf32>
        %add3A_730 = arith.constant 1 : i32
        %add3A_731 = arith.addi %mul3A_276, %add3A_730 : i32
        %get3A_732 = arith.index_cast %add3A_731 : i32 to index
        %get3A_733 = arith.constant 48 : index
        %get3A_734 = tpu.vector_load %arg17[%get3A_732, %get3A_733] {strides = array<i32>} : memref<640x64xf32, #tpu.memory_space<vmem>>, vector<1x16xf32>,
        %get3A_735 = vector.shape_cast %get3A_734 : vector<1x16xf32> to vector<16xf32>
        %add3A_736 = arith.addf %get3A_729, %get3A_735 : vector<16xf32>
        %add3A_737 = arith.constant 2 : i32
        %add3A_738 = arith.addi %mul3A_276, %add3A_737 : i32
        %get3A_739 = arith.index_cast %add3A_738 : i32 to index
        %get3A_740 = arith.constant 48 : index
        %get3A_741 = tpu.vector_load %arg17[%get3A_739, %get3A_740] {strides = array<i32>} : memref<640x64xf32, #tpu.memory_space<vmem>>, vector<1x16xf32>,
        %get3A_742 = vector.shape_cast %get3A_741 : vector<1x16xf32> to vector<16xf32>
        %add3A_743 = arith.addf %add3A_736, %get3A_742 : vector<16xf32>
        %add3A_744 = arith.constant 3 : i32
        %add3A_745 = arith.addi %mul3A_276, %add3A_744 : i32
        %get3A_746 = arith.index_cast %add3A_745 : i32 to index
        %get3A_747 = arith.constant 48 : index
        %get3A_748 = tpu.vector_load %arg17[%get3A_746, %get3A_747] {strides = array<i32>} : memref<640x64xf32, #tpu.memory_space<vmem>>, vector<1x16xf32>,
        %get3A_749 = vector.shape_cast %get3A_748 : vector<1x16xf32> to vector<16xf32>
        %add3A_750 = arith.addf %add3A_743, %get3A_749 : vector<16xf32>
        %add3A_751 = arith.constant 4 : i32
        %add3A_752 = arith.addi %mul3A_276, %add3A_751 : i32
        %get3A_753 = arith.index_cast %add3A_752 : i32 to index
        %get3A_754 = arith.constant 48 : index
        %get3A_755 = tpu.vector_load %arg17[%get3A_753, %get3A_754] {strides = array<i32>} : memref<640x64xf32, #tpu.memory_space<vmem>>, vector<1x16xf32>,
        %get3A_756 = vector.shape_cast %get3A_755 : vector<1x16xf32> to vector<16xf32>
        %add3A_757 = arith.addf %add3A_750, %get3A_756 : vector<16xf32>
        %add3A_758 = arith.constant 5 : i32
        %add3A_759 = arith.addi %mul3A_276, %add3A_758 : i32
        %get3A_760 = arith.index_cast %add3A_759 : i32 to index
        %get3A_761 = arith.constant 48 : index
        %get3A_762 = tpu.vector_load %arg17[%get3A_760, %get3A_761] {strides = array<i32>} : memref<640x64xf32, #tpu.memory_space<vmem>>, vector<1x16xf32>,
        %get3A_763 = vector.shape_cast %get3A_762 : vector<1x16xf32> to vector<16xf32>
        %add3A_764 = arith.addf %add3A_757, %get3A_763 : vector<16xf32>
        %add3A_765 = arith.constant 6 : i32
        %add3A_766 = arith.addi %mul3A_276, %add3A_765 : i32
        %get3A_767 = arith.index_cast %add3A_766 : i32 to index
        %get3A_768 = arith.constant 48 : index
        %get3A_769 = tpu.vector_load %arg17[%get3A_767, %get3A_768] {strides = array<i32>} : memref<640x64xf32, #tpu.memory_space<vmem>>, vector<1x16xf32>,
        %get3A_770 = vector.shape_cast %get3A_769 : vector<1x16xf32> to vector<16xf32>
        %add3A_771 = arith.addf %add3A_764, %get3A_770 : vector<16xf32>
        %add3A_772 = arith.constant 7 : i32
        %add3A_773 = arith.addi %mul3A_276, %add3A_772 : i32
        %get3A_774 = arith.index_cast %add3A_773 : i32 to index
        %get3A_775 = arith.constant 48 : index
        %get3A_776 = tpu.vector_load %arg17[%get3A_774, %get3A_775] {strides = array<i32>} : memref<640x64xf32, #tpu.memory_space<vmem>>, vector<1x16xf32>,
        %get3A_777 = vector.shape_cast %get3A_776 : vector<1x16xf32> to vector<16xf32>
        %add3A_778 = arith.addf %add3A_771, %get3A_777 : vector<16xf32>
        %add3A_779 = arith.constant 8 : i32
        %add3A_780 = arith.addi %mul3A_276, %add3A_779 : i32
        %get3A_781 = arith.index_cast %add3A_780 : i32 to index
        %get3A_782 = arith.constant 48 : index
        %get3A_783 = tpu.vector_load %arg17[%get3A_781, %get3A_782] {strides = array<i32>} : memref<640x64xf32, #tpu.memory_space<vmem>>, vector<1x16xf32>,
        %get3A_784 = vector.shape_cast %get3A_783 : vector<1x16xf32> to vector<16xf32>
        %add3A_785 = arith.addf %add3A_778, %get3A_784 : vector<16xf32>
        %add3A_786 = arith.constant 9 : i32
        %add3A_787 = arith.addi %mul3A_276, %add3A_786 : i32
        %get3A_788 = arith.index_cast %add3A_787 : i32 to index
        %get3A_789 = arith.constant 48 : index
        %get3A_790 = tpu.vector_load %arg17[%get3A_788, %get3A_789] {strides = array<i32>} : memref<640x64xf32, #tpu.memory_space<vmem>>, vector<1x16xf32>,
        %get3A_791 = vector.shape_cast %get3A_790 : vector<1x16xf32> to vector<16xf32>
        %add3A_792 = arith.addf %add3A_785, %get3A_791 : vector<16xf32>
        %add3A_793 = arith.constant 10 : i32
        %add3A_794 = arith.addi %mul3A_276, %add3A_793 : i32
        %get3A_795 = arith.index_cast %add3A_794 : i32 to index
        %get3A_796 = arith.constant 48 : index
        %get3A_797 = tpu.vector_load %arg17[%get3A_795, %get3A_796] {strides = array<i32>} : memref<640x64xf32, #tpu.memory_space<vmem>>, vector<1x16xf32>,
        %get3A_798 = vector.shape_cast %get3A_797 : vector<1x16xf32> to vector<16xf32>
        %add3A_799 = arith.addf %add3A_792, %get3A_798 : vector<16xf32>
        %add3A_800 = arith.constant 11 : i32
        %add3A_801 = arith.addi %mul3A_276, %add3A_800 : i32
        %get3A_802 = arith.index_cast %add3A_801 : i32 to index
        %get3A_803 = arith.constant 48 : index
        %get3A_804 = tpu.vector_load %arg17[%get3A_802, %get3A_803] {strides = array<i32>} : memref<640x64xf32, #tpu.memory_space<vmem>>, vector<1x16xf32>,
        %get3A_805 = vector.shape_cast %get3A_804 : vector<1x16xf32> to vector<16xf32>
        %add3A_806 = arith.addf %add3A_799, %get3A_805 : vector<16xf32>
        %add3A_807 = arith.constant 12 : i32
        %add3A_808 = arith.addi %mul3A_276, %add3A_807 : i32
        %get3A_809 = arith.index_cast %add3A_808 : i32 to index
        %get3A_810 = arith.constant 48 : index
        %get3A_811 = tpu.vector_load %arg17[%get3A_809, %get3A_810] {strides = array<i32>} : memref<640x64xf32, #tpu.memory_space<vmem>>, vector<1x16xf32>,
        %get3A_812 = vector.shape_cast %get3A_811 : vector<1x16xf32> to vector<16xf32>
        %add3A_813 = arith.addf %add3A_806, %get3A_812 : vector<16xf32>
        %add3A_814 = arith.constant 13 : i32
        %add3A_815 = arith.addi %mul3A_276, %add3A_814 : i32
        %get3A_816 = arith.index_cast %add3A_815 : i32 to index
        %get3A_817 = arith.constant 48 : index
        %get3A_818 = tpu.vector_load %arg17[%get3A_816, %get3A_817] {strides = array<i32>} : memref<640x64xf32, #tpu.memory_space<vmem>>, vector<1x16xf32>,
        %get3A_819 = vector.shape_cast %get3A_818 : vector<1x16xf32> to vector<16xf32>
        %add3A_820 = arith.addf %add3A_813, %get3A_819 : vector<16xf32>
        %add3A_821 = arith.constant 14 : i32
        %add3A_822 = arith.addi %mul3A_276, %add3A_821 : i32
        %get3A_823 = arith.index_cast %add3A_822 : i32 to index
        %get3A_824 = arith.constant 48 : index
        %get3A_825 = tpu.vector_load %arg17[%get3A_823, %get3A_824] {strides = array<i32>} : memref<640x64xf32, #tpu.memory_space<vmem>>, vector<1x16xf32>,
        %get3A_826 = vector.shape_cast %get3A_825 : vector<1x16xf32> to vector<16xf32>
        %add3A_827 = arith.addf %add3A_820, %get3A_826 : vector<16xf32>
        %add3A_828 = arith.constant 15 : i32
        %add3A_829 = arith.addi %mul3A_276, %add3A_828 : i32
        %get3A_830 = arith.index_cast %add3A_829 : i32 to index
        %get3A_831 = arith.constant 48 : index
        %get3A_832 = tpu.vector_load %arg17[%get3A_830, %get3A_831] {strides = array<i32>} : memref<640x64xf32, #tpu.memory_space<vmem>>, vector<1x16xf32>,
        %get3A_833 = vector.shape_cast %get3A_832 : vector<1x16xf32> to vector<16xf32>
        %add3A_834 = arith.addf %add3A_827, %get3A_833 : vector<16xf32>
        %add3A_835 = arith.constant 16 : i32
        %add3A_836 = arith.addi %mul3A_276, %add3A_835 : i32
        %get3A_837 = arith.index_cast %add3A_836 : i32 to index
        %get3A_838 = arith.constant 48 : index
        %get3A_839 = tpu.vector_load %arg17[%get3A_837, %get3A_838] {strides = array<i32>} : memref<640x64xf32, #tpu.memory_space<vmem>>, vector<1x16xf32>,
        %get3A_840 = vector.shape_cast %get3A_839 : vector<1x16xf32> to vector<16xf32>
        %add3A_841 = arith.addf %add3A_834, %get3A_840 : vector<16xf32>
        %add3A_842 = arith.constant 17 : i32
        %add3A_843 = arith.addi %mul3A_276, %add3A_842 : i32
        %get3A_844 = arith.index_cast %add3A_843 : i32 to index
        %get3A_845 = arith.constant 48 : index
        %get3A_846 = tpu.vector_load %arg17[%get3A_844, %get3A_845] {strides = array<i32>} : memref<640x64xf32, #tpu.memory_space<vmem>>, vector<1x16xf32>,
        %get3A_847 = vector.shape_cast %get3A_846 : vector<1x16xf32> to vector<16xf32>
        %add3A_848 = arith.addf %add3A_841, %get3A_847 : vector<16xf32>
        %add3A_849 = arith.constant 18 : i32
        %add3A_850 = arith.addi %mul3A_276, %add3A_849 : i32
        %get3A_851 = arith.index_cast %add3A_850 : i32 to index
        %get3A_852 = arith.constant 48 : index
        %get3A_853 = tpu.vector_load %arg17[%get3A_851, %get3A_852] {strides = array<i32>} : memref<640x64xf32, #tpu.memory_space<vmem>>, vector<1x16xf32>,
        %get3A_854 = vector.shape_cast %get3A_853 : vector<1x16xf32> to vector<16xf32>
        %add3A_855 = arith.addf %add3A_848, %get3A_854 : vector<16xf32>
        %add3A_856 = arith.constant 19 : i32
        %add3A_857 = arith.addi %mul3A_276, %add3A_856 : i32
        %get3A_858 = arith.index_cast %add3A_857 : i32 to index
        %get3A_859 = arith.constant 48 : index
        %get3A_860 = tpu.vector_load %arg17[%get3A_858, %get3A_859] {strides = array<i32>} : memref<640x64xf32, #tpu.memory_space<vmem>>, vector<1x16xf32>,
        %get3A_861 = vector.shape_cast %get3A_860 : vector<1x16xf32> to vector<16xf32>
        %add3A_862 = arith.addf %add3A_855, %get3A_861 : vector<16xf32>
        %get3A_863 = arith.index_cast %scan3A_273 : i32 to index
        %get3A_864 = arith.constant 48 : index
        %get3A_865 = tpu.vector_load %arg16[%get3A_863, %get3A_864] {strides = array<i32>} : memref<32x64xf32, #tpu.memory_space<vmem>>, vector<1x16xf32>,
        %get3A_866 = vector.shape_cast %get3A_865 : vector<1x16xf32> to vector<16xf32>
        %mul3A_867 = arith.mulf %get3A_725, %get3A_866 : vector<16xf32>
        %mul3A_868 = arith.mulf %get3A_725, %add3A_862 : vector<16xf32>
        %add3A_869 = arith.addf %add3A_720, %mul3A_867 : vector<16xf32>
        %add3A_870 = arith.addf %add3A_721, %mul3A_868 : vector<16xf32>
        %swap3A = arith.index_cast %add3A_277 : i32 to index
        %swap3A_871 = arith.constant 0 : index
        %swap3A_872 = tpu.vector_load %arg18[%swap3A, %swap3A_871] {strides = array<i32>} : memref<512x16xf32, #tpu.memory_space<vmem>>, vector<1x16xf32>,
        %swap3A_873 = vector.shape_cast %swap3A_872 : vector<1x16xf32> to vector<16xf32>
        %swap3A_874 = vector.shape_cast %add3A_869 : vector<16xf32> to vector<1x16xf32>
        tpu.vector_store %arg18[%swap3A, %swap3A_871], %swap3A_874 {strides = array<i32>} : memref<512x16xf32, #tpu.memory_space<vmem>>, vector<1x16xf32>,
        %swap3A_875 = arith.index_cast %add3A_277 : i32 to index
        %swap3A_876 = arith.constant 0 : index
        %swap3A_877 = tpu.vector_load %arg19[%swap3A_875, %swap3A_876] {strides = array<i32>} : memref<512x16xf32, #tpu.memory_space<vmem>>, vector<1x16xf32>,
        %swap3A_878 = vector.shape_cast %swap3A_877 : vector<1x16xf32> to vector<16xf32>
        %swap3A_879 = vector.shape_cast %add3A_870 : vector<16xf32> to vector<1x16xf32>
        tpu.vector_store %arg19[%swap3A_875, %swap3A_876], %swap3A_879 {strides = array<i32>} : memref<512x16xf32, #tpu.memory_space<vmem>>, vector<1x16xf32>,
        %scan3A_880 = arith.constant 0 : i32
        scf.yield %scan3A_880 : i32
      }
      %scan3A_271 = arith.constant 32 : i32
      %scan3A_272 = arith.constant 0 : i32
      scf.yield %scan3A_272 : i32
    }
    %scan3A_65 = arith.constant 8 : i32
    "tpu.region"() ({
      %run_scoped3A = tpu.sem_alloc : memref<!tpu.dma_semaphore, #tpu.memory_space<semaphore_mem>>
      %dma_start3A_66 = arith.constant 0 : i32
      %dma_start3A_67 = tpu.memref_slice %arg7[%mul3A_2, %dma_start3A_66] : memref<16384x16xf32, #tpu.memory_space<hbm>> -> memref<512x16xf32, #tpu.memory_space<hbm>>
      %dma_start3A_68 = arith.constant 0 : i32
      %dma_start3A_69 = tpu.memref_slice %arg7[%mul3A_2, %dma_start3A_68] : memref<16384x16xf32, #tpu.memory_space<hbm>> -> memref<512x16xf32, #tpu.memory_space<hbm>>
      tpu.enqueue_dma source(%arg18 : memref<512x16xf32, #tpu.memory_space<vmem>>) target(%dma_start3A_69 : memref<512x16xf32, #tpu.memory_space<hbm>>) target_semaphore(%run_scoped3A : memref<!tpu.dma_semaphore, #tpu.memory_space<semaphore_mem>>)
      %dma_wait3A = arith.constant 0 : i32
      %dma_wait3A_70 = tpu.memref_slice %arg7[%mul3A_2, %dma_wait3A] : memref<16384x16xf32, #tpu.memory_space<hbm>> -> memref<512x16xf32, #tpu.memory_space<hbm>>
      %dma_wait3A_71 = arith.constant 0 : i32
      %dma_wait3A_72 = tpu.memref_slice %arg7[%mul3A_2, %dma_wait3A_71] : memref<16384x16xf32, #tpu.memory_space<hbm>> -> memref<512x16xf32, #tpu.memory_space<hbm>>
      tpu.wait_dma2 semaphore(%run_scoped3A : memref<!tpu.dma_semaphore, #tpu.memory_space<semaphore_mem>>) src(%arg18 : memref<512x16xf32, #tpu.memory_space<vmem>>) dst(%dma_wait3A_72 : memref<512x16xf32, #tpu.memory_space<hbm>>)
      tpu.yield
    }) : () -> ()
    "tpu.region"() ({
      %run_scoped3A = tpu.sem_alloc : memref<!tpu.dma_semaphore, #tpu.memory_space<semaphore_mem>>
      %dma_start3A_66 = arith.constant 0 : i32
      %dma_start3A_67 = tpu.memref_slice %arg8[%mul3A_2, %dma_start3A_66] : memref<16384x16xf32, #tpu.memory_space<hbm>> -> memref<512x16xf32, #tpu.memory_space<hbm>>
      %dma_start3A_68 = arith.constant 0 : i32
      %dma_start3A_69 = tpu.memref_slice %arg8[%mul3A_2, %dma_start3A_68] : memref<16384x16xf32, #tpu.memory_space<hbm>> -> memref<512x16xf32, #tpu.memory_space<hbm>>
      tpu.enqueue_dma source(%arg19 : memref<512x16xf32, #tpu.memory_space<vmem>>) target(%dma_start3A_69 : memref<512x16xf32, #tpu.memory_space<hbm>>) target_semaphore(%run_scoped3A : memref<!tpu.dma_semaphore, #tpu.memory_space<semaphore_mem>>)
      %dma_wait3A = arith.constant 0 : i32
      %dma_wait3A_70 = tpu.memref_slice %arg8[%mul3A_2, %dma_wait3A] : memref<16384x16xf32, #tpu.memory_space<hbm>> -> memref<512x16xf32, #tpu.memory_space<hbm>>
      %dma_wait3A_71 = arith.constant 0 : i32
      %dma_wait3A_72 = tpu.memref_slice %arg8[%mul3A_2, %dma_wait3A_71] : memref<16384x16xf32, #tpu.memory_space<hbm>> -> memref<512x16xf32, #tpu.memory_space<hbm>>
      tpu.wait_dma2 semaphore(%run_scoped3A : memref<!tpu.dma_semaphore, #tpu.memory_space<semaphore_mem>>) src(%arg19 : memref<512x16xf32, #tpu.memory_space<vmem>>) dst(%dma_wait3A_72 : memref<512x16xf32, #tpu.memory_space<hbm>>)
      tpu.yield
    }) : () -> ()
    return
  }
}

module attributes {stable_mosaic.version = 14 : i64} {
  func.func @_loss_body(%arg0: memref<16384x16xf32, #tpu.memory_space<vmem>>, %arg1: memref<16384x16xf32, #tpu.memory_space<vmem>>, %arg2: memref<1x1xf32, #tpu.memory_space<vmem>>) attributes {dimension_semantics = [], scalar_prefetch = 0 : i64, scratch_operands = 0 : i64, tpu.core_type = #tpu.core_type<tc>} {
    %get3A = arith.constant 0 : index
    %get3A_0 = arith.constant 0 : index
    %get3A_1 = vector.load %arg0[%get3A, %get3A_0] : memref<16384x16xf32, #tpu.memory_space<vmem>>, vector<16384x16xf32>
    %reduce_sum3A = arith.constant dense<0.000000e+00> : vector<16384xf32>
    %reduce_sum3A_2 = vector.multi_reduction <add>, %get3A_1, %reduce_sum3A [1] : vector<16384x16xf32> to vector<16384xf32>
    %broadcast_in_dim3A = vector.shape_cast %reduce_sum3A_2 : vector<16384xf32> to vector<16384x1xf32>
    %get3A_3 = arith.constant 0 : index
    %get3A_4 = arith.constant 0 : index
    %get3A_5 = vector.load %arg1[%get3A_3, %get3A_4] : memref<16384x16xf32, #tpu.memory_space<vmem>>, vector<16384x16xf32>
    %reduce_sum3A_6 = arith.constant dense<0.000000e+00> : vector<16384xf32>
    %reduce_sum3A_7 = vector.multi_reduction <add>, %get3A_5, %reduce_sum3A_6 [1] : vector<16384x16xf32> to vector<16384xf32>
    %broadcast_in_dim3A_8 = vector.shape_cast %reduce_sum3A_7 : vector<16384xf32> to vector<16384x1xf32>
    %neg3A = arith.constant 0.000000e+00 : f32
    %neg3A_9 = vector.broadcast %neg3A : f32 to vector<16384x1xf32>
    %neg3A_10 = arith.subf %neg3A_9, %broadcast_in_dim3A_8 : vector<16384x1xf32>
    %min3A = arith.constant 0.000000e+00 : f32
    %min3A_11 = vector.broadcast %min3A : f32 to vector<16384x1xf32>
    %min3A_12 = arith.minimumf %broadcast_in_dim3A, %min3A_11 : vector<16384x1xf32>
    %abs3A = math.absf %broadcast_in_dim3A : vector<16384x1xf32>
    %neg3A_13 = arith.constant 0.000000e+00 : f32
    %neg3A_14 = vector.broadcast %neg3A_13 : f32 to vector<16384x1xf32>
    %neg3A_15 = arith.subf %neg3A_14, %abs3A : vector<16384x1xf32>
    %exp3A = math.exp %neg3A_15 : vector<16384x1xf32>
    %log1p3A = math.log1p %exp3A : vector<16384x1xf32>
    %sub3A = arith.subf %min3A_12, %log1p3A : vector<16384x1xf32>
    %min3A_16 = arith.constant 0.000000e+00 : f32
    %min3A_17 = vector.broadcast %min3A_16 : f32 to vector<16384x1xf32>
    %min3A_18 = arith.minimumf %neg3A_10, %min3A_17 : vector<16384x1xf32>
    %abs3A_19 = math.absf %neg3A_10 : vector<16384x1xf32>
    %neg3A_20 = arith.constant 0.000000e+00 : f32
    %neg3A_21 = vector.broadcast %neg3A_20 : f32 to vector<16384x1xf32>
    %neg3A_22 = arith.subf %neg3A_21, %abs3A_19 : vector<16384x1xf32>
    %exp3A_23 = math.exp %neg3A_22 : vector<16384x1xf32>
    %log1p3A_24 = math.log1p %exp3A_23 : vector<16384x1xf32>
    %sub3A_25 = arith.subf %min3A_18, %log1p3A_24 : vector<16384x1xf32>
    %add3A = arith.addf %sub3A, %sub3A_25 : vector<16384x1xf32>
    %reduce_sum3A_26 = vector.shape_cast %add3A : vector<16384x1xf32> to vector<1x16384x1xf32>
    %reduce_sum3A_27 = arith.constant dense<0.000000e+00> : vector<1xf32>
    %reduce_sum3A_28 = vector.multi_reduction <add>, %reduce_sum3A_26, %reduce_sum3A_27 [1, 2] : vector<1x16384x1xf32> to vector<1xf32>
    %reduce_sum3A_29 = vector.shape_cast %reduce_sum3A_28 : vector<1xf32> to vector<1x1x1xf32>
    %reduce_sum3A_30 = vector.extract %reduce_sum3A_29[0, 0, 0] : f32 from vector<1x1x1xf32>
    %broadcast_in_dim3A_31 = vector.broadcast %reduce_sum3A_30 : f32 to vector<1x1xf32>
    %neg3A_32 = arith.constant 0.000000e+00 : f32
    %neg3A_33 = vector.broadcast %neg3A_32 : f32 to vector<1x1xf32>
    %neg3A_34 = arith.subf %neg3A_33, %broadcast_in_dim3A_31 : vector<1x1xf32>
    %div3A = arith.constant 1.638400e+04 : f32
    %div3A_35 = vector.broadcast %div3A : f32 to vector<1x1xf32>
    %div3A_36 = arith.divf %neg3A_34, %div3A_35 : vector<1x1xf32>
    %swap3A = arith.constant 0 : index
    %swap3A_37 = arith.constant 0 : index
    %swap3A_38 = vector.load %arg2[%swap3A, %swap3A_37] : memref<1x1xf32, #tpu.memory_space<vmem>>, vector<1x1xf32>
    tpu.vector_store %arg2[%swap3A, %swap3A_37], %div3A_36 {strides = array<i32>} : memref<1x1xf32, #tpu.memory_space<vmem>>, vector<1x1xf32>,
    return
  }
}

</mosaic_0001>

<sc_bundles>
// kernel: kernel.4.cloned.1.call-start
scs
__scs_entry_jumppad:
0x0: {  	(pc) =	sbr.rel $0x88, $3  }
0x1: {  	(tag) =	ssettag $0x0;
	lr =	simm.s32 $0x1  }
0x2: {  	[smem:$0x3F9C] =	sst lr;
	_ =	strace $0xD0000000  }
0x3: {  	_ = 	snop  }
0x4: {  	_ = 	snop  }
0x5: {  	_ = 	snop  }
0x6: {  	_ = 	snop  }
0x7: {  	_ = 	snop  }
__scs_overlays_trampoline_lowered:
0x8: {  	[smem:$0x3FAB] =	sst s0  }
0x9: {  	[smem:$0x3FAC] =	sst s1  }
0xa: {  	[smem:$0x3FAD] =	sst s2  }
0xb: {  	[smem:$0x3FAE] =	sst s3  }
0xc: {  	[smem:$0x3FAF] =	sst s4  }
0xd: {  	[smem:$0x3FB0] =	sst s5  }
0xe: {  	[smem:$0x3FB1] =	sst s6  }
0xf: {  	[smem:$0x3FB2] =	sst s7  }
0x10: {  	[smem:$0x3FB3] =	sst s8  }
0x11: {  	[smem:$0x3FB4] =	sst s9;
	s0 =	simm.s32 @!p0 $0x0  }
0x12: {  	s1 =	sld [smem:$0x3F9A];
	s0 =	simm.s32 @p0 $0x1  }
0x13: {  	[smem:$0x3FB5] =	sst s0;
	s0 =	simm.s32 @!p1 $0x0  }
0x14: {  	s2 =	sld [smem:$0x3F99];
	s0 =	simm.s32 @p1 $0x1  }
0x15: {  	[smem:$0x3FB6] =	sst s0;
	s0 =	simm.s32 @!p2 $0x0  }
0x16: {  	s3 =	sld [smem:$0x3FDB];
	s0 =	simm.s32 @p2 $0x1  }
0x17: {  	s4 =	simm.s32 $0x1BF5;
	[smem:$0x3FB8] =	sst s0  }
0x18: {  	s0 =	sld [smem:$0x3F9B];
	_ =	swait.ge [sflag:s4], $0x0  }
0x19: {  	s7 =	sld [smem:$0x3F9C]  }
0x1a: {  	s8 =	sadd.s32 $0xFFFFE003, lr  }
0x1b: {  	s9 =	sadd.s32 $0xFFFFFEF7, lr;
	s5 =	simm.s32 $0xFFFFFFFF;
	p2 =	slt.u32 s8, $0xFFFFF086  }
0x1c: {  	p1 =	slt.u32 s9, $0xF7A;
	s5 =	simm.s32 @!p2 $0x0  }
0x1d: {  	s5 =	simm.s32 @p1 $0x1;
	p0 =	seq.s32 s7, s2  }
0x1e: {  	s7 =	smul.u32 @!p0 $0xF7A, s2;
	p2 =	seq.s32 @!p0 s5, $0x0  }
0x1f: {  	s9 =	smul.u32 $0xF7A, s1;
	s8 =	simm.s32 @!p0 $0x1BF5;
	p2 =	por !p2, p0  }
0x20: {  	[sflag:s8] =	ssyncset.s32 @!p0 $0xFFFFF086;
	s6 =	sadd.s32 @!p0 s3, s7;
	s7 =	simm.s32 @!p0 $0x108  }
0x21: {  	s3 =	sadd.s32 s3, s9;
	s6 =	sadd.s32 @!p0 $0x88, s6;
	s7 =	simm.s32 @p2 $0x1082  }
0x22: {  	[simem:s7], [sflag:s8] =	dma.local @!p0 [hbm:s6], $0xF7A  }
0x23: {  	s9 =	sor.u32 $0xD0000000, s2;
	s6 =	simm.s32 $0x108;
	_ =	swait.ge @!p0 [sflag:s8], $0x0  }
0x24: {  	s3 =	sadd.s32 $0x88, s3;
	s6 =	simm.s32 @!p1 $0x1082;
	[sflag:s4] =	ssyncset.s32 $0xFFFFF086  }
0x25: {  	[simem:s6], [sflag:s4] =	dma.local [hbm:s3], $0xF7A  }
0x26: {  	[smem:$0x3F9C] =	sst s1;
	(tag) =	ssettag s2;
	_ =	strace s9  }
0x27: {  	s1 =	sld [smem:$0x3FAC]  }
0x28: {  	s2 =	sld [smem:$0x3FAD]  }
0x29: {  	s4 =	sld [smem:$0x3FAF]  }
0x2a: {  	p0 =	seq.s32 s5, $0x0;
	s5 =	sld [smem:$0x3FB0]  }
0x2b: {  	s6 =	sld [smem:$0x3FB1]  }
0x2c: {  	s7 =	sld [smem:$0x3FB2]  }
0x2d: {  	s3 =	simm.s32 $0x108;
	s8 =	sld [smem:$0x3FB3]  }
0x2e: {  	s3 =	simm.s32 @!p0 $0x1082;
	s9 =	sld [smem:$0x3FB4]  }
0x2f: {  	lr =	sadd.s32 s0, s3;
	s0 =	sld [smem:$0x3FAB]  }
0x30: {  	s3 =	sld [smem:$0x3FAE]  }
0x31: {  	[smem:$0x3FB7] =	sst s10  }
0x32: {  	s10 =	sld [smem:$0x3FB5];
	_ =	sdelay $0x3  }
0x33: {  	p0 =	seq.s32 s10, $0x1;
	s10 =	sld [smem:$0x3FB7];
	_ =	sdelay $0x3  }
0x34: {  	[smem:$0x3FB7] =	sst s10  }
0x35: {  	s10 =	sld [smem:$0x3FB6];
	_ =	sdelay $0x3  }
0x36: {  	p1 =	seq.s32 s10, $0x1;
	s10 =	sld [smem:$0x3FB7];
	_ =	sdelay $0x3  }
0x37: {  	[smem:$0x3FB7] =	sst s10  }
0x38: {  	s10 =	sld [smem:$0x3FB8]  }
0x39: {  	_ = 	snop;
	(pc) =	sbr.ind lr, $3  }
0x3a: {  	_ = 	snop  }
0x3b: {  	_ = 	snop  }
0x3c: {  	p2 =	seq.s32 s10, $0x1;
	s10 =	sld [smem:$0x3FB7]  }
0x3d: {  	_ =	shalt  }
0x3e: {  	_ =	shalt  }
0x3f: {  	_ =	shalt  }
0x40: {  	_ =	shalt  }
0x41: {  	_ =	shalt  }
0x42: {  	_ =	shalt  }
0x43: {  	_ =	shalt  }
0x44: {  	_ =	shalt  }
0x45: {  	_ =	shalt  }
0x46: {  	_ =	shalt  }
0x47: {  	_ =	shalt  }
0x48: {  	_ =	shalt  }
0x49: {  	_ =	shalt  }
0x4a: {  	_ =	shalt  }
0x4b: {  	_ =	shalt  }
0x4c: {  	_ =	shalt  }
0x4d: {  	_ =	shalt  }
0x4e: {  	_ =	shalt  }
0x4f: {  	_ =	shalt  }
0x50: {  	_ =	shalt  }
0x51: {  	_ =	shalt  }
0x52: {  	_ =	shalt  }
0x53: {  	_ =	shalt  }
0x54: {  	_ =	shalt  }
0x55: {  	_ =	shalt  }
0x56: {  	_ =	shalt  }
0x57: {  	_ =	shalt  }
0x58: {  	_ =	shalt  }
0x59: {  	_ =	shalt  }
0x5a: {  	_ =	shalt  }
0x5b: {  	_ =	shalt  }
0x5c: {  	_ =	shalt  }
0x5d: {  	_ =	shalt  }
0x5e: {  	_ =	shalt  }
0x5f: {  	_ =	shalt  }
0x60: {  	_ =	shalt  }
0x61: {  	_ =	shalt  }
0x62: {  	_ =	shalt  }
0x63: {  	_ =	shalt  }
0x64: {  	_ =	shalt  }
0x65: {  	_ =	shalt  }
0x66: {  	_ =	shalt  }
0x67: {  	_ =	shalt  }
0x68: {  	_ =	shalt  }
0x69: {  	_ =	shalt  }
0x6a: {  	_ =	shalt  }
0x6b: {  	_ =	shalt  }
0x6c: {  	_ =	shalt  }
0x6d: {  	_ =	shalt  }
0x6e: {  	_ =	shalt  }
0x6f: {  	_ =	shalt  }
0x70: {  	_ =	shalt  }
0x71: {  	_ =	shalt  }
0x72: {  	_ =	shalt  }
0x73: {  	_ =	shalt  }
0x74: {  	_ =	shalt  }
0x75: {  	_ =	shalt  }
0x76: {  	_ =	shalt  }
0x77: {  	_ =	shalt  }
0x78: {  	_ =	shalt  }
0x79: {  	_ =	shalt  }
0x7a: {  	_ =	shalt  }
0x7b: {  	_ =	shalt  }
0x7c: {  	_ =	shalt  }
0x7d: {  	_ =	shalt  }
0x7e: {  	_ =	shalt  }
0x7f: {  	_ =	shalt  }
0x80: {  	_ =	shalt  }
0x81: {  	_ =	shalt  }
0x82: {  	_ =	shalt  }
0x83: {  	_ =	shalt  }
0x84: {  	_ =	shalt  }
0x85: {  	_ =	shalt  }
0x86: {  	_ =	shalt  }
0x87: {  	_ =	shalt  }
.Lfunc_end0:
.L_simem_size_0:
called_computation_lowered:
.L_overlay_start_0:
0x88: {  	s2 =	sld [smem:$0x3FD9]  }
0x89: {  	s3 =	sld [smem:$0x3FFE];
	_ =	sdelay $0x1  }
0x8a: {  	s1 =	srdreg.scid  }
0x8b: {  	s0 =	sand.u32 $0x1, s1  }
0x8c: {  	s17 =	sshll.u32 s0, $0xA;
	s2 =	sadd.s32 s3, s2  }
0x8d: {  	s2 =	sadd.s32 s2, s17  }
0x8e: {  	[smem:$0x3FC3] =	sst s2  }
0x8f: {  	_ = 	snop  }
0x90: {  	s2 =	sld [smem:$0x3FC9]  }
0x91: {  	s18 =	sld [smem:$0x3FC8];
	(tm) =	ssettm $0x1  }
0x92: {  	s4 =	sld [smem:$0x3FFB];
	_ =	sdelay $0x3  }
0x93: {  	_ =	strace s4  }
0x94: {  	s4 =	sld [smem:$0x3FFC];
	_ =	sdelay $0x3  }
0x95: {  	_ =	strace s4  }
0x96: {  	s4 =	sld [smem:$0x3FFD];
	_ =	sdelay $0x3  }
0x97: {  	_ =	strace s4  }
0x98: {  	_ =	strace $0x8FFFFFFF  }
0x99: {  	s19 =	sld [smem:$0x3FDB];
	_ =	sdelay $0x1  }
0x9a: {  	s5 =	simm.s32 $_scs_section_size  }
0x9b: {  	s6 =	simm.s32 $_size__tile_overlayer_lowered;
	s7 =	simm.s32 $_tile_overlayer_lowered  }
0x9c: {  	s22 =	simm.s32 $0x1BFF;
	s21 =	sshll.u32 s7, $0x1;
	s4 =	sadd.s32 s5, s19  }
0x9d: {  	s8 =	simm.s32 $0x0;
	s20 =	sshll.u32 s6, $0x1;
	s6 =	sadd.s32 s21, s4  }
0x9e: {  	[timem:s8], [sflag:s22] =	dma.local [hbm:s6], s20  }
0x9f: {  	_ =	swait.ge [sflag:s22], s20  }
0xa0: {  	s5 =	ssub.s32 $0x0, s20;
	[sflag:s22] =	ssyncset.done $0x0  }
0xa1: {  	[sflag:s22] =	ssyncadd.s32 s5;
	_ =	sdelay $0x1  }
0xa2: {  	s23 =	simm.s32 $0x1B8B  }
0xa3: {  	_ =	swait.ge [sflag:s23], $0x1  }
0xa4: {  	[sflag:s23] =	ssyncset.done $0x0  }
0xa5: {  	s25 =	simm.s32 $0x1B8E;
	s24 =	sld [smem:$0x3FFE];
	[sflag:s23] =	ssyncadd.s32 $0xFFFFFFFF  }
0xa6: {  	s26 =	simm.s32 $execute0_lowered;
	[smem:$0x3FD2] =	sst s25  }
0xa7: {  	s6 =	sshll.u32 s26, $0x1;
	_ =	strace $0x80000046;
	[dreg:$0x1] =	wrdreg $0xFFFFFFFF  }
0xa8: {  	s28 =	simm.s32 $_size_execute0_lowered;
	s4 =	sadd.s32 s4, s6;
	[dreg:$0x0] =	wrdreg $0x0  }
0xa9: {  	s6 =	sshll.u32 s28, $0x1;
	[dreg:$0x2] =	wrdreg s4  }
0xaa: {  	[dreg:$0x3] =	wrdreg s6  }
0xab: {  	[dreg:$0x4] =	wrdreg $0xC0  }
0xac: {  	_ =	task [dreg:s8], $0x5FFFF  }
0xad: {  	[dreg:$0x1] =	wrdreg $0xFFFFFFFF  }
0xae: {  	[dreg:$0x0] =	wrdreg $0x60  }
0xaf: {  	[dreg:$0x2] =	wrdreg s2  }
0xb0: {  	[dreg:$0x3] =	wrdreg s18  }
0xb1: {  	[dreg:$0x4] =	wrdreg s24  }
0xb2: {  	[dreg:$0x5] =	wrdreg $0x9  }
0xb3: {  	_ =	task.clear_ibuf [dreg:s8], $0x6FFFF;
	_ =	strace $0x90000046  }
0xb4: {  	s29 =	simm.s32 $0x9;
	_ =	strace $0x80000048  }
0xb5: {  	_ =	swait.ge [sflag:s29], $0x1  }
0xb6: {  	[sflag:s29] =	ssyncadd.s32 $0xFFFFFFFF  }
0xb7: {  	_ =	strace $0x90000048  }
0xb8: {  	_ =	sfence  }
0xb9: {  	s30 =	sld [smem:$0x0];
	_ =	sdelay $0x2  }
0xba: {  	s31 =	sshll.u32 s1, $0xD;
	s1 =	sshrl.u32 s1, $0x2  }
0xbb: {  	s3 =	sand.u32 $0x4000, s31;
	s1 =	sadd.s32 s1, s30  }
0xbc: {  	s0 =	sor.u32 s3, s0;
	s1 =	sshll.u32 s1, $0x11  }
0xbd: {  	s0 =	sor.u32 s1, s0  }
0xbe: {  	s0 =	sadd.s32 $0x8F2B, s0  }
0xbf: {  	[sflag:s0] =	ssyncadd.remote.s32 $0x1  }
0xc0: {  	_ =	sfence.sel $0xFFFF  }
0xc1: {  	[dreg:$0x0] =	wrdreg $0xFFFFFFFF;
	(pc) =	sbr.abs _section_cstart, $3  }
0xc2: {  	[dreg:$0x1] =	wrdreg $0xFFFFFFFF  }
0xc3: {  	_ =	task.clear_ibuf [dreg:s8], $0x2FFFF;
	_ =	strace $0x9FFFFFFF  }
0xc4: {  	(tm) =	ssettm $0x7FFFFFFF  }
0xc5: {  	_ =	shalt  }
tec
execute0_lowered:
.L_overlay_start_1:
0x0: {  	(tag) =	ssettag $0x1  }
0x1: {  	s0 =	rddreg [dreg:$0x0];
	s1 =	srdreg.scid  }
0x2: {  	s2 =	stileid.u32;
	s5 =	rddreg [dreg:$0x1]  }
0x3: {  	s6 =	rddreg [dreg:$0x2];
	s11 =	simm.s32 $0x3;
	s14 =	simm.s32 $0x20  }
0x4: {  	s17 =	simm.s32 $0x80;
	s28 =	simm.s32 $0x1;
	s29 =	simm.s32 $0xDC00  }
0x5: {  	s30 =	simm.s32 $0xE400;
	s31 =	simm.s32 $0xEC00;
	s15 =	simm.s32 $0x14C00  }
0x6: {  	s16 =	simm.s32 $0x16C00;
	s18 =	simm.s32 $0x2;
	s21 =	simm.s32 $0x0  }
0x7: {  	s1 =	sand.u32 $0x1, s1;
	s2 =	sshll.u32 s2, $0x1;
	s4 =	sadd.s32 $0x7ABC00, s6  }
0x8: {  	s7 =	sor.u32 s1, s2;
	s2 =	simm.s32 $0x0;
	s1 =	ssub.s32 $0x2, s1  }
0x9: {  	s3 =	smul.u32 $0x500, s7;
	[smem:$0x7FF] =	sst s2;
	s9 =	sshll.u32 s7, $0xA  }
0xa: {  	s10 =	sshrl.u32 s1, $0x1;
	s7 =	sshll.u32 s7, $0x6;
	_ =	strace $0x80000047  }
0xb: {  	s1 =	ssub.s32 s1, s10;
	s0 =	sadd.s32 s0, s7;
	s25 =	sadd.s32 s5, s7  }
0xc: {  	s8 =	sadd.s32 s3, s6;
	s3 =	sadd.s32 $0xAA00, s6;
	[dreg:$0x4] =	wrdreg s0  }
0xd: {  	s6 =	sadd.s32 s9, s6;
	[dreg:$0x5] =	wrdreg s25;
	s10 =	smax.u32 s1, $0x1  }
0xe: {  	s1 =	simm.s32 $0x10C00;
	s0 =	simm.s32 $0x12C00;
	s26 =	sadd.s32 $0xA00, s8  }
0xf: {  	s8 =	sadd.s32 $0xF54E00, s6;
	s9 =	sadd.s32 $0xF4CE00, s6;
	[dreg:$0x6] =	wrdreg s26  }
.LBB2_1:
0x10: {  	s5 =	rddreg [dreg:$0x4]  }
0x11: {  	[tilespmem:s2], [sflag:$0x3] =	stream.linear.gather [hbm4b:s5+s2], $0x200, $0x38;
	[tilespmem:$0x1CC00] =	vst v63  }
0x12: {  	_ =	swait.ge [sflag:s11], $0x200  }
0x13: {  	[sflag:s11] =	ssyncset.done $0x0  }
0x14: {  	s6 =	simm.s32 $0x200;
	s23 =	rddreg [dreg:$0x5];
	[sflag:s11] =	ssyncadd.s32 $0xFFFFFE00  }
0x15: {  	[tilespmem:s6], [sflag:$0x3] =	stream.linear.gather [hbm4b:s23+s2], $0x200, $0x38;
	[tilespmem:$0x1CC00] =	vst v63  }
0x16: {  	_ =	swait.ge [sflag:s11], $0x200  }
0x17: {  	[sflag:s11] =	ssyncset.done $0x0  }
0x18: {  	s7 =	simm.s32 $0x400;
	s24 =	rddreg [dreg:$0x6];
	[sflag:s11] =	ssyncadd.s32 $0xFFFFFE00  }
0x19: {  	[tilespmem:s7], [sflag:$0x3] =	stream.linear.gather [hbm4b:s24+s2], $0x2800, $0x38;
	[tilespmem:$0x1CC00] =	vst v63  }
0x1a: {  	_ =	swait.ge [sflag:s11], $0x2800  }
0x1b: {  	[sflag:s11] =	ssyncset.done $0x0  }
0x1c: {  	s25 =	simm.s32 $0x2C00;
	[sflag:s11] =	ssyncadd.s32 $0xFFFFD800  }
0x1d: {  	[tilespmem:s25], [sflag:$0x1] =	stream.indirect.gather [hbm4b:s3+s14], $0x40, s2, s14, $0xb8;
	[tilespmem:$0x1CC00] =	vst v63  }
0x1e: {  	s26 =	simm.s32 $0x3400  }
0x1f: {  	[tilespmem:s26], [sflag:$0x1] =	stream.indirect.gather [hbm4b:s4+s14], $0x40, s6, s14, $0xb8;
	[tilespmem:$0x1CC00] =	vst v63  }
0x20: {  	s12 =	simm.s32 $0x3C00  }
0x21: {  	[tilespmem:s12], [sflag:$0x1] =	stream.indirect.gather [hbm4b:s4+s17], $0x40, s7, s17, $0xb8;
	[tilespmem:$0x1CC00] =	vst v63  }
0x22: {  	s13 =	simm.s32 $0x480;
	s19 =	simm.s32 $0x5C00  }
0x23: {  	[tilespmem:s19], [sflag:$0x1] =	stream.indirect.gather [hbm4b:s4+s17], $0x40, s13, s17, $0xb8;
	[tilespmem:$0x1CC00] =	vst v63  }
0x24: {  	s20 =	simm.s32 $0x500;
	s22 =	simm.s32 $0x7C00  }
0x25: {  	[tilespmem:s22], [sflag:$0x1] =	stream.indirect.gather [hbm4b:s4+s17], $0x40, s20, s17, $0xb8;
	[tilespmem:$0x1CC00] =	vst v63  }
0x26: {  	s23 =	simm.s32 $0x580;
	s24 =	simm.s32 $0x9C00;
	s25 =	simm.s32 $0x600  }
0x27: {  	[tilespmem:s24], [sflag:$0x1] =	stream.indirect.gather [hbm4b:s4+s17], $0x40, s23, s17, $0xb8;
	[tilespmem:$0x1CC00] =	vst v63  }
0x28: {  	s26 =	simm.s32 $0xBC00;
	s22 =	simm.s32 $0x1AE00;
	s23 =	simm.s32 $0x18E00  }
0x29: {  	[tilespmem:s26], [sflag:$0x1] =	stream.indirect.gather [hbm4b:s4+s17], $0x40, s25, s17, $0xb8;
	[tilespmem:$0x1CC00] =	vst v63  }
0x2a: {  	s24 =	simm.s32 $0x18C00;
	s25 =	simm.s32 $0x1AC00;
	s26 =	simm.s32 $0x0  }
.LBB2_2:
0x2b: {  	_ =	swait.ge [sflag:s28], $0x800  }
0x2c: {  	[sflag:s28] =	ssyncset.done $0x0  }
0x2d: {  	[sflag:s28] =	ssyncadd.s32 $0xFFFFF800  }
0x2e: {  	_ =	swait.ge [sflag:s28], $0x800  }
0x2f: {  	[sflag:s28] =	ssyncset.done $0x0  }
0x30: {  	[sflag:s28] =	ssyncadd.s32 $0xFFFFF800  }
0x31: {  	_ =	swait.ge [sflag:s28], $0x2000  }
0x32: {  	[sflag:s28] =	ssyncset.done $0x0  }
0x33: {  	[sflag:s28] =	ssyncadd.s32 $0xFFFFE000  }
0x34: {  	_ =	swait.ge [sflag:s28], $0x2000  }
0x35: {  	[sflag:s28] =	ssyncset.done $0x0  }
0x36: {  	[sflag:s28] =	ssyncadd.s32 $0xFFFFE000  }
0x37: {  	_ =	swait.ge [sflag:s28], $0x2000  }
0x38: {  	[sflag:s28] =	ssyncset.done $0x0  }
0x39: {  	[sflag:s28] =	ssyncadd.s32 $0xFFFFE000  }
0x3a: {  	_ =	swait.ge [sflag:s28], $0x2000  }
0x3b: {  	[sflag:s28] =	ssyncset.done $0x0  }
0x3c: {  	[sflag:s28] =	ssyncadd.s32 $0xFFFFE000  }
0x3d: {  	_ =	swait.ge [sflag:s28], $0x2000  }
0x3e: {  	s5 =	sshllo.u32 s26, $0x1;
	[sflag:s28] =	ssyncset.done $0x0  }
0x3f: {  	s6 =	sshll.u32 s5, $0x5;
	s5 =	smul.u32 $0xA00, s5;
	[sflag:s28] =	ssyncadd.s32 $0xFFFFE000  }
0x40: {  	[tilespmem:s29], [sflag:$0x2] =	stream.indirect.gather [hbm4b:s3+s14], $0x40, s6, s14, $0xb8;
	[tilespmem:$0x1CC00] =	vst v63  }
0x41: {  	s5 =	sshra.s32 s5, $0x2;
	s6 =	sadd.s32 $0x200, s6  }
0x42: {  	[tilespmem:s30], [sflag:$0x2] =	stream.indirect.gather [hbm4b:s4+s14], $0x40, s6, s14, $0xb8;
	[tilespmem:$0x1CC00] =	vst v63  }
0x43: {  	s13 =	sadd.s32 $0x400, s5  }
0x44: {  	[tilespmem:s31], [sflag:$0x2] =	stream.indirect.gather [hbm4b:s4+s17], $0x40, s13, s17, $0xb8;
	[tilespmem:$0x1CC00] =	vst v63  }
0x45: {  	s19 =	sadd.s32 $0x480, s5  }
0x46: {  	[tilespmem:s1], [sflag:$0x2] =	stream.indirect.gather [hbm4b:s4+s17], $0x40, s19, s17, $0xb8;
	[tilespmem:$0x1CC00] =	vst v63  }
0x47: {  	s20 =	sadd.s32 $0x500, s5  }
0x48: {  	[tilespmem:s0], [sflag:$0x2] =	stream.indirect.gather [hbm4b:s4+s17], $0x40, s20, s17, $0xb8;
	[tilespmem:$0x1CC00] =	vst v63  }
0x49: {  	s7 =	sadd.s32 $0x580, s5  }
0x4a: {  	[tilespmem:s15], [sflag:$0x2] =	stream.indirect.gather [hbm4b:s4+s17], $0x40, s7, s17, $0xb8;
	[tilespmem:$0x1CC00] =	vst v63  }
0x4b: {  	s12 =	simm.s32 $0x3420;
	s5 =	sadd.s32 $0x600, s5  }
0x4c: {  	[tilespmem:s16], [sflag:$0x2] =	stream.indirect.gather [hbm4b:s4+s17], $0x40, s5, s17, $0xb8;
	[tilespmem:$0x1CC00] =	vst v63  }
0x4d: {  	v2 =	vld [tilespmem:s12+$0x10]  }
0x4e: {  	s13 =	simm.s32 $0x3E80;
	v1 =	vld [tilespmem:s12+$0x0]  }
0x4f: {  	v0 =	vld [tilespmem:s13+$0x230]  }
0x50: {  	v3 =	vld [tilespmem:s12+$0xFFFFFFE0]  }
0x51: {  	v4 =	vld [tilespmem:s12+$0xFFFFFFF0]  }
0x52: {  	v5 =	vld [tilespmem:s13+$0x240]  }
0x53: {  	v6 =	vld [tilespmem:s13+$0x250]  }
0x54: {  	v7 =	vld [tilespmem:s13+$0x220]  }
0x55: {  	v8 =	vld [tilespmem:s13+$0x200]  }
0x56: {  	v9 =	vld [tilespmem:s13+$0x1E0]  }
0x57: {  	v10 =	vld [tilespmem:s13+$0x1C0]  }
0x58: {  	v11 =	vld [tilespmem:s13+$0x1A0]  }
0x59: {  	v12 =	vld [tilespmem:s13+$0x180]  }
0x5a: {  	v13 =	vld [tilespmem:s13+$0x160]  }
0x5b: {  	v14 =	vld [tilespmem:s13+$0x140]  }
0x5c: {  	v15 =	vld [tilespmem:s13+$0x120]  }
0x5d: {  	v16 =	vld [tilespmem:s13+$0x100]  }
0x5e: {  	v17 =	vld [tilespmem:s13+$0xE0]  }
0x5f: {  	v18 =	vld [tilespmem:s13+$0xC0]  }
0x60: {  	v19 =	vld [tilespmem:s13+$0xA0]  }
0x61: {  	v20 =	vld [tilespmem:s13+$0x80]  }
0x62: {  	v21 =	vld [tilespmem:s13+$0x60]  }
0x63: {  	v22 =	vld [tilespmem:s13+$0x40]  }
0x64: {  	v23 =	vld [tilespmem:s13+$0x20]  }
0x65: {  	v24 =	vld [tilespmem:s13+$0x0]  }
0x66: {  	v25 =	vld [tilespmem:s13+$0xFFFFFFE0]  }
0x67: {  	v26 =	vld [tilespmem:s13+$0xFFFFFFC0]  }
0x68: {  	v27 =	vld [tilespmem:s13+$0xFFFFFFA0]  }
0x69: {  	v28 =	vld [tilespmem:s13+$0xFFFFFF80]  }
0x6a: {  	v29 =	vld [tilespmem:s13+$0xFFFFFF60]  }
0x6b: {  	v30 =	vld [tilespmem:s13+$0xFFFFFF40]  }
0x6c: {  	v31 =	vld [tilespmem:s13+$0xFFFFFF20]  }
0x6d: {  	v32 =	vld [tilespmem:s13+$0xFFFFFF00]  }
0x6e: {  	v33 =	vld [tilespmem:s13+$0xFFFFFEE0]  }
0x6f: {  	v34 =	vld [tilespmem:s13+$0xFFFFFEC0]  }
0x70: {  	v35 =	vld [tilespmem:s13+$0xFFFFFEA0]  }
0x71: {  	v36 =	vld [tilespmem:s13+$0xFFFFFE80]  }
0x72: {  	v37 =	vld [tilespmem:s13+$0xFFFFFE60]  }
0x73: {  	v38 =	vld [tilespmem:s13+$0xFFFFFE40]  }
0x74: {  	v39 =	vld [tilespmem:s13+$0xFFFFFE20]  }
0x75: {  	v40 =	vld [tilespmem:s13+$0xFFFFFDF0]  }
0x76: {  	v41 =	vld [tilespmem:s13+$0xFFFFFE00]  }
0x77: {  	v42 =	vld [tilespmem:s13+$0xFFFFFDE0]  }
0x78: {  	v43 =	vld [tilespmem:s13+$0xFFFFFDC0]  }
0x79: {  	v44 =	vld [tilespmem:s13+$0xFFFFFD80]  }
0x7a: {  	v45 =	vld [tilespmem:s13+$0xFFFFFDD0]  }
0x7b: {  	v46 =	vld [tilespmem:s13+$0xFFFFFD90]  }
0x7c: {  	v47 =	vld [tilespmem:s13+$0xFFFFFDA0]  }
0x7d: {  	v48 =	vld [tilespmem:s13+$0xFFFFFE10]  }
0x7e: {  	v49 =	vld [tilespmem:s13+$0xFFFFFDB0]  }
0x7f: {  	v50 =	vld [tilespmem:s13+$0xFFFFFE50]  }
0x80: {  	v56 =	vld [tilespmem:s13+$0xFFFFFE30];
	v43 =	vadd.f32 v43, v44;
	v55 =	vadd.f32 v45, v46  }
0x81: {  	v57 =	vld [tilespmem:s13+$0xFFFFFE90];
	v42 =	vadd.f32 v42, v47  }
0x82: {  	v59 =	vld [tilespmem:s13+$0xFFFFFE70];
	v41 =	vadd.f32 v41, v43;
	v58 =	vadd.f32 v48, v55  }
0x83: {  	v60 =	vld [tilespmem:s13+$0xFFFFFED0];
	v40 =	vadd.f32 v40, v49;
	v39 =	vadd.f32 v39, v42  }
0x84: {  	v62 =	vld [tilespmem:s13+$0xFFFFFEB0];
	v38 =	vadd.f32 v38, v41;
	v61 =	vadd.f32 v50, v58  }
0x85: {  	v63 =	vld [tilespmem:s13+$0xFFFFFF10];
	v45 =	vadd.f32 v56, v40;
	v37 =	vadd.f32 v37, v39  }
0x86: {  	v48 =	vld [tilespmem:s13+$0xFFFFFEF0];
	v36 =	vadd.f32 v36, v38;
	v46 =	vadd.f32 v57, v61  }
0x87: {  	v49 =	vld [tilespmem:s13+$0xFFFFFF50];
	v50 =	vadd.f32 v59, v45;
	v35 =	vadd.f32 v35, v37  }
0x88: {  	v52 =	vld [tilespmem:s13+$0xFFFFFF30];
	v34 =	vadd.f32 v34, v36;
	v51 =	vadd.f32 v60, v46  }
0x89: {  	v53 =	vld [tilespmem:s13+$0xFFFFFF90];
	v54 =	vadd.f32 v62, v50;
	v33 =	vadd.f32 v33, v35  }
0x8a: {  	v56 =	vld [tilespmem:s13+$0xFFFFFF70];
	v32 =	vadd.f32 v32, v34;
	v55 =	vadd.f32 v63, v51  }
0x8b: {  	v57 =	vld [tilespmem:s13+$0xFFFFFFD0];
	v58 =	vadd.f32 v48, v54;
	v31 =	vadd.f32 v31, v33  }
0x8c: {  	v60 =	vld [tilespmem:s13+$0xFFFFFFB0];
	v30 =	vadd.f32 v30, v32;
	v59 =	vadd.f32 v49, v55  }
0x8d: {  	v61 =	vld [tilespmem:s13+$0x10];
	v29 =	vadd.f32 v29, v31;
	v31 =	vadd.f32 v52, v58  }
0x8e: {  	v62 =	vld [tilespmem:s13+$0xFFFFFFF0];
	v28 =	vadd.f32 v28, v30;
	v30 =	vadd.f32 v53, v59  }
0x8f: {  	v63 =	vld [tilespmem:s13+$0x50];
	v27 =	vadd.f32 v27, v29;
	v29 =	vadd.f32 v56, v31  }
0x90: {  	v26 =	vadd.f32 v26, v28;
	v28 =	vadd.f32 v57, v30;
	v30 =	vld [tilespmem:s13+$0x30]  }
0x91: {  	v31 =	vld [tilespmem:s13+$0x90];
	v25 =	vadd.f32 v25, v27;
	v27 =	vadd.f32 v60, v29  }
0x92: {  	v24 =	vadd.f32 v24, v26;
	v26 =	vadd.f32 v61, v28;
	v28 =	vld [tilespmem:s13+$0x70]  }
0x93: {  	v29 =	vld [tilespmem:s13+$0xD0];
	v23 =	vadd.f32 v23, v25;
	v25 =	vadd.f32 v62, v27  }
0x94: {  	v22 =	vadd.f32 v22, v24;
	v24 =	vadd.f32 v63, v26;
	v26 =	vld [tilespmem:s13+$0xB0]  }
0x95: {  	v27 =	vld [tilespmem:s13+$0x110];
	v21 =	vadd.f32 v21, v23;
	v23 =	vadd.f32 v30, v25  }
0x96: {  	v20 =	vadd.f32 v20, v22;
	v22 =	vadd.f32 v31, v24;
	v24 =	vld [tilespmem:s13+$0xF0]  }
0x97: {  	v25 =	vld [tilespmem:s13+$0x150];
	v19 =	vadd.f32 v19, v21;
	v21 =	vadd.f32 v28, v23  }
0x98: {  	v18 =	vadd.f32 v18, v20;
	v20 =	vadd.f32 v29, v22;
	v22 =	vld [tilespmem:s13+$0x130]  }
0x99: {  	v23 =	vld [tilespmem:s13+$0x190];
	v17 =	vadd.f32 v17, v19;
	v19 =	vadd.f32 v26, v21  }
0x9a: {  	v16 =	vadd.f32 v16, v18;
	v18 =	vadd.f32 v27, v20;
	v20 =	vld [tilespmem:s13+$0x170]  }
0x9b: {  	v21 =	vld [tilespmem:s13+$0x1D0];
	v15 =	vadd.f32 v15, v17;
	v17 =	vadd.f32 v24, v19  }
0x9c: {  	v14 =	vadd.f32 v14, v16;
	v16 =	vadd.f32 v25, v18;
	v18 =	vld [tilespmem:s13+$0x1B0]  }
0x9d: {  	v19 =	vld [tilespmem:s13+$0x210];
	v13 =	vadd.f32 v13, v15;
	v15 =	vadd.f32 v22, v17  }
0x9e: {  	s19 =	simm.s32 $0x2C20;
	v12 =	vadd.f32 v12, v14;
	v14 =	vadd.f32 v23, v16;
	v16 =	vld [tilespmem:s13+$0x1F0]  }
0x9f: {  	v17 =	vld [tilespmem:s19+$0xFFFFFFE0];
	v11 =	vadd.f32 v11, v13;
	v13 =	vadd.f32 v20, v15  }
0xa0: {  	v10 =	vadd.f32 v10, v12;
	v12 =	vld [tilespmem:s19+$0xFFFFFFF0];
	v14 =	vadd.f32 v21, v14  }
0xa1: {  	v9 =	vadd.f32 v9, v11;
	v11 =	vld [tilespmem:s13+$0x260];
	v13 =	vadd.f32 v18, v13  }
0xa2: {  	v8 =	vadd.f32 v8, v10;
	v10 =	vadd.f32 v19, v14;
	v14 =	vld [tilespmem:s19+$0x0]  }
0xa3: {  	v7 =	vadd.f32 v7, v9;
	v9 =	vadd.f32 v16, v13;
	v13 =	vld [tilespmem:s13+$0x270]  }
0xa4: {  	v5 =	vadd.f32 v5, v8;
	v6 =	vadd.f32 v6, v10;
	v8 =	vld [tilespmem:s19+$0x10]  }
0xa5: {  	v3 =	vmul.f32 v3, v17;
	v4 =	vmul.f32 v4, v12;
	v9 =	vadd.f32 v0, v9  }
0xa6: {  	v7 =	vadd.f32 v11, v7;
	v5 =	vmul.f32 v5, v17;
	v6 =	vmul.f32 v6, v12  }
0xa7: {  	v0 =	vmov s24;
	v3 =	vadd.f32 v4, v3;
	v4 =	vmul.f32 v1, v14  }
0xa8: {  	v5 =	vadd.f32 v6, v5;
	v6 =	vmul.f32 v7, v14;
	v7 =	vadd.f32 v13, v9  }
0xa9: {  	v1 =	vmov s25;
	v3 =	vadd.f32 v4, v3;
	v2 =	vmul.f32 v2, v8  }
0xaa: {  	v4 =	vadd.f32 v6, v5;
	v5 =	vmul.f32 v7, v8  }
0xab: {  	v2 =	vadd.f32 v2, v3  }
0xac: {  	s20 =	simm.s32 $0x0;
	v3 =	vadd.f32 v5, v4  }
0xad: {  	[tilespmem:v0+s20+$0x0 ss:$0x1] =	vst.idx.msk $0xffff, v2  }
0xae: {  	s5 =	simm.s32 $0x3460;
	[tilespmem:v1+s20+$0x0 ss:$0x1] =	vst.idx.msk $0xffff, v3  }
0xaf: {  	v2 =	vld [tilespmem:s5+$0x10]  }
0xb0: {  	s12 =	simm.s32 $0x4380;
	v3 =	vld [tilespmem:s5+$0x0]  }
0xb1: {  	v4 =	vld [tilespmem:s12+$0x230]  }
0xb2: {  	v5 =	vld [tilespmem:s5+$0xFFFFFFE0]  }
0xb3: {  	v6 =	vld [tilespmem:s5+$0xFFFFFFF0]  }
0xb4: {  	v7 =	vld [tilespmem:s12+$0x240]  }
0xb5: {  	v8 =	vld [tilespmem:s12+$0x250]  }
0xb6: {  	v9 =	vld [tilespmem:s12+$0x220]  }
0xb7: {  	v10 =	vld [tilespmem:s12+$0x200]  }
0xb8: {  	v11 =	vld [tilespmem:s12+$0x1E0]  }
0xb9: {  	v12 =	vld [tilespmem:s12+$0x1C0]  }
0xba: {  	v13 =	vld [tilespmem:s12+$0x1A0]  }
0xbb: {  	v14 =	vld [tilespmem:s12+$0x180]  }
0xbc: {  	v15 =	vld [tilespmem:s12+$0x160]  }
0xbd: {  	v16 =	vld [tilespmem:s12+$0x140]  }
0xbe: {  	v17 =	vld [tilespmem:s12+$0x120]  }
0xbf: {  	v18 =	vld [tilespmem:s12+$0x100]  }
0xc0: {  	v19 =	vld [tilespmem:s12+$0xE0]  }
0xc1: {  	v20 =	vld [tilespmem:s12+$0xC0]  }
0xc2: {  	v21 =	vld [tilespmem:s12+$0xA0]  }
0xc3: {  	v22 =	vld [tilespmem:s12+$0x80]  }
0xc4: {  	v23 =	vld [tilespmem:s12+$0x60]  }
0xc5: {  	v24 =	vld [tilespmem:s12+$0x40]  }
0xc6: {  	v25 =	vld [tilespmem:s12+$0x20]  }
0xc7: {  	v26 =	vld [tilespmem:s12+$0x0]  }
0xc8: {  	v27 =	vld [tilespmem:s12+$0xFFFFFFE0]  }
0xc9: {  	v28 =	vld [tilespmem:s12+$0xFFFFFFC0]  }
0xca: {  	v29 =	vld [tilespmem:s12+$0xFFFFFFA0]  }
0xcb: {  	v30 =	vld [tilespmem:s12+$0xFFFFFF80]  }
0xcc: {  	v31 =	vld [tilespmem:s12+$0xFFFFFF60]  }
0xcd: {  	v32 =	vld [tilespmem:s12+$0xFFFFFF40]  }
0xce: {  	v33 =	vld [tilespmem:s12+$0xFFFFFF20]  }
0xcf: {  	v34 =	vld [tilespmem:s12+$0xFFFFFF00]  }
0xd0: {  	v35 =	vld [tilespmem:s12+$0xFFFFFEE0]  }
0xd1: {  	v36 =	vld [tilespmem:s12+$0xFFFFFEC0]  }
0xd2: {  	v37 =	vld [tilespmem:s12+$0xFFFFFEA0]  }
0xd3: {  	v38 =	vld [tilespmem:s12+$0xFFFFFE80]  }
0xd4: {  	v39 =	vld [tilespmem:s12+$0xFFFFFE60]  }
0xd5: {  	v40 =	vld [tilespmem:s12+$0xFFFFFE40]  }
0xd6: {  	v41 =	vld [tilespmem:s12+$0xFFFFFE20]  }
0xd7: {  	v42 =	vld [tilespmem:s12+$0xFFFFFDF0]  }
0xd8: {  	v43 =	vld [tilespmem:s12+$0xFFFFFE00]  }
0xd9: {  	v44 =	vld [tilespmem:s12+$0xFFFFFDE0]  }
0xda: {  	v45 =	vld [tilespmem:s12+$0xFFFFFDC0]  }
0xdb: {  	v46 =	vld [tilespmem:s12+$0xFFFFFD80]  }
0xdc: {  	v47 =	vld [tilespmem:s12+$0xFFFFFDD0]  }
0xdd: {  	s6 =	simm.s32 $0x80;
	s13 =	simm.s32 $0x40;
	s20 =	sshll.u32 s26, $0x1;
	v48 =	vld [tilespmem:s12+$0xFFFFFD90]  }
.LBB2_3:
0xde: {  	p0 =	sne.s32 s6, $0x7C0;
	v49 =	vld [tilespmem:s12+$0xFFFFFDA0]  }
0xdf: {  	v50 =	vld [tilespmem:s12+$0xFFFFFE10]  }
0xe0: {  	v51 =	vld [tilespmem:s12+$0xFFFFFDB0]  }
0xe1: {  	v52 =	vld [tilespmem:s12+$0xFFFFFE50]  }
0xe2: {  	v45 =	vadd.f32 v45, v46;
	v46 =	vadd.f32 v47, v48;
	v47 =	vld [tilespmem:s12+$0xFFFFFE30]  }
0xe3: {  	v48 =	vld [tilespmem:s12+$0xFFFFFE90];
	v44 =	vadd.f32 v44, v49  }
0xe4: {  	v43 =	vadd.f32 v43, v45;
	v45 =	vadd.f32 v50, v46;
	v46 =	vld [tilespmem:s12+$0xFFFFFE70]  }
0xe5: {  	v49 =	vld [tilespmem:s12+$0xFFFFFED0];
	v41 =	vadd.f32 v41, v44;
	v42 =	vadd.f32 v42, v51  }
0xe6: {  	v40 =	vadd.f32 v40, v43;
	v43 =	vadd.f32 v52, v45;
	v44 =	vld [tilespmem:s12+$0xFFFFFEB0]  }
0xe7: {  	v45 =	vld [tilespmem:s12+$0xFFFFFF10];
	v39 =	vadd.f32 v39, v41;
	v41 =	vadd.f32 v47, v42  }
0xe8: {  	v38 =	vadd.f32 v38, v40;
	v40 =	vadd.f32 v48, v43;
	v42 =	vld [tilespmem:s12+$0xFFFFFEF0]  }
0xe9: {  	v43 =	vld [tilespmem:s12+$0xFFFFFF50];
	v37 =	vadd.f32 v37, v39;
	v39 =	vadd.f32 v46, v41  }
0xea: {  	v36 =	vadd.f32 v36, v38;
	v38 =	vadd.f32 v49, v40;
	v40 =	vld [tilespmem:s12+$0xFFFFFF30]  }
0xeb: {  	v41 =	vld [tilespmem:s12+$0xFFFFFF90];
	v35 =	vadd.f32 v35, v37;
	v37 =	vadd.f32 v44, v39  }
0xec: {  	v34 =	vadd.f32 v34, v36;
	v36 =	vadd.f32 v45, v38;
	v38 =	vld [tilespmem:s12+$0xFFFFFF70]  }
0xed: {  	v39 =	vld [tilespmem:s12+$0xFFFFFFD0];
	v33 =	vadd.f32 v33, v35;
	v35 =	vadd.f32 v42, v37  }
0xee: {  	v32 =	vadd.f32 v32, v34;
	v34 =	vadd.f32 v43, v36;
	v36 =	vld [tilespmem:s12+$0xFFFFFFB0]  }
0xef: {  	v37 =	vld [tilespmem:s12+$0x10];
	v31 =	vadd.f32 v31, v33;
	v33 =	vadd.f32 v40, v35  }
0xf0: {  	v30 =	vadd.f32 v30, v32;
	v32 =	vadd.f32 v41, v34;
	v34 =	vld [tilespmem:s12+$0xFFFFFFF0]  }
0xf1: {  	v35 =	vld [tilespmem:s12+$0x50];
	v29 =	vadd.f32 v29, v31;
	v31 =	vadd.f32 v38, v33  }
0xf2: {  	v28 =	vadd.f32 v28, v30;
	v30 =	vadd.f32 v39, v32;
	v32 =	vld [tilespmem:s12+$0x30]  }
0xf3: {  	v33 =	vld [tilespmem:s12+$0x90];
	v27 =	vadd.f32 v27, v29;
	v29 =	vadd.f32 v36, v31  }
0xf4: {  	v26 =	vadd.f32 v26, v28;
	v28 =	vadd.f32 v37, v30;
	v30 =	vld [tilespmem:s12+$0x70]  }
0xf5: {  	v31 =	vld [tilespmem:s12+$0xD0];
	v25 =	vadd.f32 v25, v27;
	v27 =	vadd.f32 v34, v29  }
0xf6: {  	v24 =	vadd.f32 v24, v26;
	v26 =	vadd.f32 v35, v28;
	v28 =	vld [tilespmem:s12+$0xB0]  }
0xf7: {  	v29 =	vld [tilespmem:s12+$0x110];
	v23 =	vadd.f32 v23, v25;
	v25 =	vadd.f32 v32, v27  }
0xf8: {  	v22 =	vadd.f32 v22, v24;
	v24 =	vadd.f32 v33, v26;
	v26 =	vld [tilespmem:s12+$0xF0]  }
0xf9: {  	v27 =	vld [tilespmem:s12+$0x150];
	v21 =	vadd.f32 v21, v23;
	v23 =	vadd.f32 v30, v25  }
0xfa: {  	v20 =	vadd.f32 v20, v22;
	v22 =	vadd.f32 v31, v24;
	v24 =	vld [tilespmem:s12+$0x130]  }
0xfb: {  	v25 =	vld [tilespmem:s12+$0x190];
	v19 =	vadd.f32 v19, v21;
	v21 =	vadd.f32 v28, v23  }
0xfc: {  	v18 =	vadd.f32 v18, v20;
	v20 =	vadd.f32 v29, v22;
	v22 =	vld [tilespmem:s12+$0x170]  }
0xfd: {  	v23 =	vld [tilespmem:s12+$0x1D0];
	v17 =	vadd.f32 v17, v19;
	v19 =	vadd.f32 v26, v21  }
0xfe: {  	v16 =	vadd.f32 v16, v18;
	v18 =	vadd.f32 v27, v20;
	v20 =	vld [tilespmem:s12+$0x1B0]  }
0xff: {  	v21 =	vld [tilespmem:s12+$0x210];
	v15 =	vadd.f32 v15, v17;
	v17 =	vadd.f32 v24, v19  }
0x100: {  	s19 =	sadd.s32 $0x40, s19;
	v14 =	vadd.f32 v14, v16;
	v16 =	vadd.f32 v25, v18;
	v18 =	vld [tilespmem:s12+$0x1F0]  }
0x101: {  	v19 =	vld [tilespmem:s19+$0xFFFFFFE0];
	v13 =	vadd.f32 v13, v15;
	v15 =	vadd.f32 v22, v17  }
0x102: {  	v12 =	vadd.f32 v12, v14;
	v14 =	vld [tilespmem:s19+$0xFFFFFFF0];
	v16 =	vadd.f32 v23, v16  }
0x103: {  	v11 =	vadd.f32 v11, v13;
	v13 =	vld [tilespmem:s12+$0x260];
	v15 =	vadd.f32 v20, v15  }
0x104: {  	v10 =	vadd.f32 v10, v12;
	v12 =	vadd.f32 v21, v16;
	v16 =	vld [tilespmem:s19+$0x0]  }
0x105: {  	v9 =	vadd.f32 v9, v11;
	v11 =	vadd.f32 v18, v15;
	v15 =	vld [tilespmem:s12+$0x270]  }
0x106: {  	v7 =	vadd.f32 v7, v10;
	v8 =	vadd.f32 v8, v12;
	v10 =	vld [tilespmem:s19+$0x10]  }
0x107: {  	v5 =	vmul.f32 v5, v19;
	v6 =	vmul.f32 v6, v14;
	v4 =	vadd.f32 v4, v11  }
0x108: {  	v7 =	vmul.f32 v7, v19;
	v8 =	vmul.f32 v8, v14;
	v9 =	vadd.f32 v13, v9  }
0x109: {  	v5 =	vadd.f32 v6, v5;
	v3 =	vmul.f32 v3, v16  }
0x10a: {  	v6 =	vadd.f32 v8, v7;
	v7 =	vmul.f32 v9, v16;
	v4 =	vadd.f32 v15, v4  }
0x10b: {  	v3 =	vadd.f32 v3, v5;
	v2 =	vmul.f32 v2, v10  }
0x10c: {  	v5 =	vadd.f32 v7, v6;
	v4 =	vmul.f32 v4, v10  }
0x10d: {  	v2 =	vadd.f32 v2, v3  }
0x10e: {  	s7 =	sshra.s32 s13, $0x2;
	s13 =	smov.u32 s6;
	v3 =	vadd.f32 v4, v5  }
0x10f: {  	[tilespmem:v0+s7+$0x0 ss:$0x1] =	vst.idx.msk $0xffff, v2  }
0x110: {  	s5 =	sadd.s32 $0x40, s5;
	[tilespmem:v1+s7+$0x0 ss:$0x1] =	vst.idx.msk $0xffff, v3  }
0x111: {  	v2 =	vld [tilespmem:s5+$0x10]  }
0x112: {  	s12 =	sadd.s32 $0x500, s12;
	v3 =	vld [tilespmem:s5+$0x0]  }
0x113: {  	v4 =	vld [tilespmem:s12+$0x230]  }
0x114: {  	v5 =	vld [tilespmem:s5+$0xFFFFFFE0]  }
0x115: {  	v6 =	vld [tilespmem:s5+$0xFFFFFFF0]  }
0x116: {  	v7 =	vld [tilespmem:s12+$0x240]  }
0x117: {  	v8 =	vld [tilespmem:s12+$0x250]  }
0x118: {  	v9 =	vld [tilespmem:s12+$0x220]  }
0x119: {  	v10 =	vld [tilespmem:s12+$0x200]  }
0x11a: {  	v11 =	vld [tilespmem:s12+$0x1E0]  }
0x11b: {  	v12 =	vld [tilespmem:s12+$0x1C0]  }
0x11c: {  	v13 =	vld [tilespmem:s12+$0x1A0]  }
0x11d: {  	v14 =	vld [tilespmem:s12+$0x180]  }
0x11e: {  	v15 =	vld [tilespmem:s12+$0x160]  }
0x11f: {  	v16 =	vld [tilespmem:s12+$0x140]  }
0x120: {  	v17 =	vld [tilespmem:s12+$0x120]  }
0x121: {  	v18 =	vld [tilespmem:s12+$0x100]  }
0x122: {  	v19 =	vld [tilespmem:s12+$0xE0]  }
0x123: {  	v20 =	vld [tilespmem:s12+$0xC0]  }
0x124: {  	v21 =	vld [tilespmem:s12+$0xA0]  }
0x125: {  	v22 =	vld [tilespmem:s12+$0x80]  }
0x126: {  	v23 =	vld [tilespmem:s12+$0x60]  }
0x127: {  	v24 =	vld [tilespmem:s12+$0x40]  }
0x128: {  	v25 =	vld [tilespmem:s12+$0x20]  }
0x129: {  	v26 =	vld [tilespmem:s12+$0x0]  }
0x12a: {  	v27 =	vld [tilespmem:s12+$0xFFFFFFE0]  }
0x12b: {  	v28 =	vld [tilespmem:s12+$0xFFFFFFC0]  }
0x12c: {  	v29 =	vld [tilespmem:s12+$0xFFFFFFA0]  }
0x12d: {  	v30 =	vld [tilespmem:s12+$0xFFFFFF80]  }
0x12e: {  	v31 =	vld [tilespmem:s12+$0xFFFFFF60]  }
0x12f: {  	v32 =	vld [tilespmem:s12+$0xFFFFFF40]  }
0x130: {  	v33 =	vld [tilespmem:s12+$0xFFFFFF20]  }
0x131: {  	v34 =	vld [tilespmem:s12+$0xFFFFFF00]  }
0x132: {  	v35 =	vld [tilespmem:s12+$0xFFFFFEE0]  }
0x133: {  	v36 =	vld [tilespmem:s12+$0xFFFFFEC0]  }
0x134: {  	v37 =	vld [tilespmem:s12+$0xFFFFFEA0]  }
0x135: {  	v38 =	vld [tilespmem:s12+$0xFFFFFE80]  }
0x136: {  	v39 =	vld [tilespmem:s12+$0xFFFFFE60]  }
0x137: {  	v40 =	vld [tilespmem:s12+$0xFFFFFE40]  }
0x138: {  	v41 =	vld [tilespmem:s12+$0xFFFFFE20]  }
0x139: {  	v42 =	vld [tilespmem:s12+$0xFFFFFDF0]  }
0x13a: {  	v43 =	vld [tilespmem:s12+$0xFFFFFE00]  }
.Ltmp0:
0x13b: {  	v44 =	vld [tilespmem:s12+$0xFFFFFDE0];
	(pc) =	sbr.rel @p0 .LBB2_3-.Ltmp0, $4  }
0x13c: {  	v45 =	vld [tilespmem:s12+$0xFFFFFDC0]  }
0x13d: {  	v46 =	vld [tilespmem:s12+$0xFFFFFD80]  }
0x13e: {  	v47 =	vld [tilespmem:s12+$0xFFFFFDD0]  }
0x13f: {  	s6 =	sadd.s32 $0x40, s6;
	v48 =	vld [tilespmem:s12+$0xFFFFFD90]  }
0x140: {  	v49 =	vld [tilespmem:s12+$0xFFFFFDA0]  }
0x141: {  	v50 =	vld [tilespmem:s12+$0xFFFFFE10]  }
0x142: {  	v51 =	vld [tilespmem:s12+$0xFFFFFDB0];
	v45 =	vadd.f32 v45, v46  }
0x143: {  	v52 =	vld [tilespmem:s12+$0xFFFFFE50]  }
0x144: {  	v59 =	vld [tilespmem:s12+$0xFFFFFE30];
	v58 =	vadd.f32 v47, v48;
	v43 =	vadd.f32 v43, v45  }
0x145: {  	v60 =	vld [tilespmem:s12+$0xFFFFFE90];
	v44 =	vadd.f32 v44, v49  }
0x146: {  	v62 =	vld [tilespmem:s12+$0xFFFFFE70];
	v61 =	vadd.f32 v50, v58;
	v40 =	vadd.f32 v40, v43  }
0x147: {  	v63 =	vld [tilespmem:s12+$0xFFFFFED0];
	v42 =	vadd.f32 v42, v51;
	v41 =	vadd.f32 v41, v44  }
0x148: {  	v54 =	vld [tilespmem:s12+$0xFFFFFEB0];
	v53 =	vadd.f32 v52, v61;
	v38 =	vadd.f32 v38, v40  }
0x149: {  	v55 =	vld [tilespmem:s12+$0xFFFFFF10];
	v56 =	vadd.f32 v59, v42;
	v39 =	vadd.f32 v39, v41  }
0x14a: {  	v58 =	vld [tilespmem:s12+$0xFFFFFEF0];
	v57 =	vadd.f32 v60, v53;
	v36 =	vadd.f32 v36, v38  }
0x14b: {  	v59 =	vld [tilespmem:s12+$0xFFFFFF50];
	v60 =	vadd.f32 v62, v56;
	v37 =	vadd.f32 v37, v39  }
0x14c: {  	v62 =	vld [tilespmem:s12+$0xFFFFFF30];
	v61 =	vadd.f32 v63, v57;
	v34 =	vadd.f32 v34, v36  }
0x14d: {  	v63 =	vld [tilespmem:s12+$0xFFFFFF90];
	v44 =	vadd.f32 v54, v60;
	v35 =	vadd.f32 v35, v37  }
0x14e: {  	v46 =	vld [tilespmem:s12+$0xFFFFFF70];
	v45 =	vadd.f32 v55, v61;
	v32 =	vadd.f32 v32, v34  }
0x14f: {  	v47 =	vld [tilespmem:s12+$0xFFFFFFD0];
	v48 =	vadd.f32 v58, v44;
	v33 =	vadd.f32 v33, v35  }
0x150: {  	v50 =	vld [tilespmem:s12+$0xFFFFFFB0];
	v49 =	vadd.f32 v59, v45;
	v30 =	vadd.f32 v30, v32  }
0x151: {  	v51 =	vld [tilespmem:s12+$0x10];
	v52 =	vadd.f32 v62, v48;
	v31 =	vadd.f32 v31, v33  }
0x152: {  	v54 =	vld [tilespmem:s12+$0xFFFFFFF0];
	v53 =	vadd.f32 v63, v49;
	v28 =	vadd.f32 v28, v30  }
0x153: {  	v55 =	vld [tilespmem:s12+$0x50];
	v29 =	vadd.f32 v29, v31;
	v31 =	vadd.f32 v46, v52  }
0x154: {  	v56 =	vld [tilespmem:s12+$0x30];
	v30 =	vadd.f32 v47, v53;
	v26 =	vadd.f32 v26, v28  }
0x155: {  	v57 =	vld [tilespmem:s12+$0x90];
	v27 =	vadd.f32 v27, v29;
	v29 =	vadd.f32 v50, v31  }
0x156: {  	v28 =	vadd.f32 v51, v30;
	v30 =	vld [tilespmem:s12+$0x70];
	v24 =	vadd.f32 v24, v26  }
0x157: {  	v31 =	vld [tilespmem:s12+$0xD0];
	v25 =	vadd.f32 v25, v27;
	v27 =	vadd.f32 v54, v29  }
0x158: {  	v26 =	vadd.f32 v55, v28;
	v28 =	vld [tilespmem:s12+$0xB0];
	v22 =	vadd.f32 v22, v24  }
0x159: {  	v29 =	vld [tilespmem:s12+$0x110];
	v23 =	vadd.f32 v23, v25;
	v25 =	vadd.f32 v56, v27  }
0x15a: {  	v24 =	vadd.f32 v57, v26;
	v26 =	vld [tilespmem:s12+$0xF0];
	v20 =	vadd.f32 v20, v22  }
0x15b: {  	v27 =	vld [tilespmem:s12+$0x150];
	v21 =	vadd.f32 v21, v23;
	v23 =	vadd.f32 v30, v25  }
0x15c: {  	v22 =	vadd.f32 v31, v24;
	v24 =	vld [tilespmem:s12+$0x130];
	v18 =	vadd.f32 v18, v20  }
0x15d: {  	v25 =	vld [tilespmem:s12+$0x190];
	v19 =	vadd.f32 v19, v21;
	v21 =	vadd.f32 v28, v23  }
0x15e: {  	v20 =	vadd.f32 v29, v22;
	v22 =	vld [tilespmem:s12+$0x170];
	v16 =	vadd.f32 v16, v18  }
0x15f: {  	v23 =	vld [tilespmem:s12+$0x1D0];
	v17 =	vadd.f32 v17, v19;
	v19 =	vadd.f32 v26, v21  }
0x160: {  	v18 =	vadd.f32 v27, v20;
	v20 =	vld [tilespmem:s12+$0x1B0];
	v14 =	vadd.f32 v14, v16  }
0x161: {  	v21 =	vld [tilespmem:s12+$0x210];
	v15 =	vadd.f32 v15, v17;
	v17 =	vadd.f32 v24, v19  }
0x162: {  	s5 =	sadd.s32 $0x40, s19;
	v16 =	vadd.f32 v25, v18;
	v18 =	vld [tilespmem:s12+$0x1F0];
	v12 =	vadd.f32 v12, v14  }
0x163: {  	v19 =	vld [tilespmem:s5+$0xFFFFFFE0];
	v13 =	vadd.f32 v13, v15;
	v15 =	vadd.f32 v22, v17  }
0x164: {  	v14 =	vld [tilespmem:s5+$0xFFFFFFF0];
	v16 =	vadd.f32 v23, v16;
	v10 =	vadd.f32 v10, v12  }
0x165: {  	v11 =	vadd.f32 v11, v13;
	v13 =	vld [tilespmem:s12+$0x260];
	v15 =	vadd.f32 v20, v15  }
0x166: {  	v12 =	vadd.f32 v21, v16;
	v16 =	vld [tilespmem:s5+$0x0];
	v7 =	vadd.f32 v7, v10  }
0x167: {  	v9 =	vadd.f32 v9, v11;
	v11 =	vadd.f32 v18, v15;
	v15 =	vld [tilespmem:s12+$0x270]  }
0x168: {  	v10 =	vld [tilespmem:s5+$0x10];
	v5 =	vmul.f32 v5, v19;
	v8 =	vadd.f32 v8, v12  }
0x169: {  	v6 =	vmul.f32 v6, v14;
	v7 =	vmul.f32 v7, v19  }
0x16a: {  	v4 =	vadd.f32 v4, v11;
	v8 =	vmul.f32 v8, v14;
	v9 =	vadd.f32 v13, v9  }
0x16b: {  	v5 =	vadd.f32 v6, v5;
	v3 =	vmul.f32 v3, v16  }
0x16c: {  	v6 =	vadd.f32 v8, v7;
	v7 =	vmul.f32 v9, v16;
	v4 =	vadd.f32 v15, v4  }
0x16d: {  	v2 =	vmul.f32 v2, v10;
	v3 =	vadd.f32 v3, v5  }
0x16e: {  	v5 =	vadd.f32 v7, v6;
	v4 =	vmul.f32 v4, v10  }
0x16f: {  	v2 =	vadd.f32 v2, v3  }
0x170: {  	s7 =	sshra.s32 s13, $0x2;
	v3 =	vadd.f32 v4, v5  }
0x171: {  	[tilespmem:v0+s7+$0x0 ss:$0x1] =	vst.idx.msk $0xffff, v2  }
0x172: {  	[tilespmem:v1+s7+$0x0 ss:$0x1] =	vst.idx.msk $0xffff, v3  }
0x173: {  	_ =	swait.ge [sflag:s18], $0x800  }
0x174: {  	[sflag:s18] =	ssyncset.done $0x0  }
0x175: {  	[sflag:s18] =	ssyncadd.s32 $0xFFFFF800  }
0x176: {  	_ =	swait.ge [sflag:s18], $0x800  }
0x177: {  	[sflag:s18] =	ssyncset.done $0x0  }
0x178: {  	[sflag:s18] =	ssyncadd.s32 $0xFFFFF800  }
0x179: {  	_ =	swait.ge [sflag:s18], $0x2000  }
0x17a: {  	[sflag:s18] =	ssyncset.done $0x0  }
0x17b: {  	[sflag:s18] =	ssyncadd.s32 $0xFFFFE000  }
0x17c: {  	_ =	swait.ge [sflag:s18], $0x2000  }
0x17d: {  	[sflag:s18] =	ssyncset.done $0x0  }
0x17e: {  	[sflag:s18] =	ssyncadd.s32 $0xFFFFE000  }
0x17f: {  	_ =	swait.ge [sflag:s18], $0x2000  }
0x180: {  	[sflag:s18] =	ssyncset.done $0x0  }
0x181: {  	[sflag:s18] =	ssyncadd.s32 $0xFFFFE000  }
0x182: {  	_ =	swait.ge [sflag:s18], $0x2000  }
0x183: {  	[sflag:s18] =	ssyncset.done $0x0  }
0x184: {  	p0 =	seq.s32 s26, $0x7;
	[sflag:s18] =	ssyncadd.s32 $0xFFFFE000  }
0x185: {  	s5 =	sadd.s32 @!p0 $0x2, s20;
	_ =	swait.ge [sflag:s18], $0x2000  }
0x186: {  	s6 =	sshll.u32 @!p0 s5, $0x5;
	s12 =	simm.s32 @!p0 $0x2C00;
	[sflag:s18] =	ssyncset.done $0x0  }
0x187: {  	s5 =	smul.u32 @!p0 $0xA00, s5;
	s7 =	simm.s32 @!p0 $0x20;
	[sflag:s18] =	ssyncadd.s32 $0xFFFFE000  }
0x188: {  	[tilespmem:s12], [sflag:$0x1] =	stream.indirect.gather @!p0 [hbm4b:s3+s7], $0x40, s6, s7, $0xb8;
	[tilespmem:$0x1CC00] =	vst v63  }
0x189: {  	s5 =	sshra.s32 @!p0 s5, $0x2;
	s6 =	sadd.s32 @!p0 $0x200, s6;
	s12 =	simm.s32 @!p0 $0x3400  }
0x18a: {  	[tilespmem:s12], [sflag:$0x1] =	stream.indirect.gather @!p0 [hbm4b:s4+s7], $0x40, s6, s7, $0xb8;
	[tilespmem:$0x1CC00] =	vst v63  }
0x18b: {  	s6 =	sadd.s32 @!p0 $0x400, s5;
	s7 =	simm.s32 @!p0 $0x80;
	s12 =	simm.s32 @!p0 $0x3C00  }
0x18c: {  	[tilespmem:s12], [sflag:$0x1] =	stream.indirect.gather @!p0 [hbm4b:s4+s7], $0x40, s6, s7, $0xb8;
	[tilespmem:$0x1CC00] =	vst v63  }
0x18d: {  	s6 =	sadd.s32 @!p0 $0x480, s5;
	s12 =	simm.s32 @!p0 $0x5C00  }
0x18e: {  	[tilespmem:s12], [sflag:$0x1] =	stream.indirect.gather @!p0 [hbm4b:s4+s7], $0x40, s6, s7, $0xb8;
	[tilespmem:$0x1CC00] =	vst v63  }
0x18f: {  	s6 =	sadd.s32 @!p0 $0x500, s5;
	s12 =	simm.s32 @!p0 $0x7C00  }
0x190: {  	[tilespmem:s12], [sflag:$0x1] =	stream.indirect.gather @!p0 [hbm4b:s4+s7], $0x40, s6, s7, $0xb8;
	[tilespmem:$0x1CC00] =	vst v63  }
0x191: {  	s6 =	sadd.s32 @!p0 $0x580, s5;
	s12 =	simm.s32 @!p0 $0x9C00  }
0x192: {  	[tilespmem:s12], [sflag:$0x1] =	stream.indirect.gather @!p0 [hbm4b:s4+s7], $0x40, s6, s7, $0xb8;
	[tilespmem:$0x1CC00] =	vst v63  }
0x193: {  	s5 =	sadd.s32 @!p0 $0x600, s5;
	s6 =	simm.s32 @!p0 $0xBC00;
	s12 =	simm.s32 $0xE420  }
0x194: {  	[tilespmem:s6], [sflag:$0x1] =	stream.indirect.gather @!p0 [hbm4b:s4+s7], $0x40, s5, s7, $0xb8;
	[tilespmem:$0x1CC00] =	vst v63  }
0x195: {  	v2 =	vld [tilespmem:s12+$0x10]  }
0x196: {  	s13 =	simm.s32 $0xEE80;
	v1 =	vld [tilespmem:s12+$0x0]  }
0x197: {  	v0 =	vld [tilespmem:s13+$0x230]  }
0x198: {  	v3 =	vld [tilespmem:s12+$0xFFFFFFE0]  }
0x199: {  	v4 =	vld [tilespmem:s12+$0xFFFFFFF0]  }
0x19a: {  	v5 =	vld [tilespmem:s13+$0x240]  }
0x19b: {  	v6 =	vld [tilespmem:s13+$0x250]  }
0x19c: {  	v7 =	vld [tilespmem:s13+$0x220]  }
0x19d: {  	v8 =	vld [tilespmem:s13+$0x200]  }
0x19e: {  	v9 =	vld [tilespmem:s13+$0x1E0]  }
0x19f: {  	v10 =	vld [tilespmem:s13+$0x1C0]  }
0x1a0: {  	v11 =	vld [tilespmem:s13+$0x1A0]  }
0x1a1: {  	v12 =	vld [tilespmem:s13+$0x180]  }
0x1a2: {  	v13 =	vld [tilespmem:s13+$0x160]  }
0x1a3: {  	v14 =	vld [tilespmem:s13+$0x140]  }
0x1a4: {  	v15 =	vld [tilespmem:s13+$0x120]  }
0x1a5: {  	v16 =	vld [tilespmem:s13+$0x100]  }
0x1a6: {  	v17 =	vld [tilespmem:s13+$0xE0]  }
0x1a7: {  	v18 =	vld [tilespmem:s13+$0xC0]  }
0x1a8: {  	v19 =	vld [tilespmem:s13+$0xA0]  }
0x1a9: {  	v20 =	vld [tilespmem:s13+$0x80]  }
0x1aa: {  	v21 =	vld [tilespmem:s13+$0x60]  }
0x1ab: {  	v22 =	vld [tilespmem:s13+$0x40]  }
0x1ac: {  	v23 =	vld [tilespmem:s13+$0x20]  }
0x1ad: {  	v24 =	vld [tilespmem:s13+$0x0]  }
0x1ae: {  	v25 =	vld [tilespmem:s13+$0xFFFFFFE0]  }
0x1af: {  	v26 =	vld [tilespmem:s13+$0xFFFFFFC0]  }
0x1b0: {  	v27 =	vld [tilespmem:s13+$0xFFFFFFA0]  }
0x1b1: {  	v28 =	vld [tilespmem:s13+$0xFFFFFF80]  }
0x1b2: {  	v29 =	vld [tilespmem:s13+$0xFFFFFF60]  }
0x1b3: {  	v30 =	vld [tilespmem:s13+$0xFFFFFF40]  }
0x1b4: {  	v31 =	vld [tilespmem:s13+$0xFFFFFF20]  }
0x1b5: {  	v32 =	vld [tilespmem:s13+$0xFFFFFF00]  }
0x1b6: {  	v33 =	vld [tilespmem:s13+$0xFFFFFEE0]  }
0x1b7: {  	v34 =	vld [tilespmem:s13+$0xFFFFFEC0]  }
0x1b8: {  	v35 =	vld [tilespmem:s13+$0xFFFFFEA0]  }
0x1b9: {  	v36 =	vld [tilespmem:s13+$0xFFFFFE80]  }
0x1ba: {  	v37 =	vld [tilespmem:s13+$0xFFFFFE60]  }
0x1bb: {  	v38 =	vld [tilespmem:s13+$0xFFFFFE40]  }
0x1bc: {  	v39 =	vld [tilespmem:s13+$0xFFFFFE20]  }
0x1bd: {  	v40 =	vld [tilespmem:s13+$0xFFFFFDF0]  }
0x1be: {  	v41 =	vld [tilespmem:s13+$0xFFFFFE00]  }
0x1bf: {  	v58 =	vld [tilespmem:s13+$0xFFFFFDE0]  }
0x1c0: {  	v59 =	vld [tilespmem:s13+$0xFFFFFDC0]  }
0x1c1: {  	v60 =	vld [tilespmem:s13+$0xFFFFFD80]  }
0x1c2: {  	v61 =	vld [tilespmem:s13+$0xFFFFFDD0]  }
0x1c3: {  	v62 =	vld [tilespmem:s13+$0xFFFFFD90]  }
0x1c4: {  	v63 =	vld [tilespmem:s13+$0xFFFFFDA0]  }
0x1c5: {  	v52 =	vld [tilespmem:s13+$0xFFFFFE10]  }
0x1c6: {  	v53 =	vld [tilespmem:s13+$0xFFFFFDB0]  }
0x1c7: {  	v54 =	vld [tilespmem:s13+$0xFFFFFE50]  }
0x1c8: {  	v56 =	vld [tilespmem:s13+$0xFFFFFE30];
	v43 =	vadd.f32 v59, v60;
	v55 =	vadd.f32 v61, v62  }
0x1c9: {  	v57 =	vld [tilespmem:s13+$0xFFFFFE90];
	v42 =	vadd.f32 v58, v63  }
0x1ca: {  	v59 =	vld [tilespmem:s13+$0xFFFFFE70];
	v41 =	vadd.f32 v41, v43;
	v58 =	vadd.f32 v52, v55  }
0x1cb: {  	v60 =	vld [tilespmem:s13+$0xFFFFFED0];
	v40 =	vadd.f32 v40, v53;
	v39 =	vadd.f32 v39, v42  }
0x1cc: {  	v62 =	vld [tilespmem:s13+$0xFFFFFEB0];
	v38 =	vadd.f32 v38, v41;
	v61 =	vadd.f32 v54, v58  }
0x1cd: {  	v63 =	vld [tilespmem:s13+$0xFFFFFF10];
	v45 =	vadd.f32 v56, v40;
	v37 =	vadd.f32 v37, v39  }
0x1ce: {  	v48 =	vld [tilespmem:s13+$0xFFFFFEF0];
	v36 =	vadd.f32 v36, v38;
	v46 =	vadd.f32 v57, v61  }
0x1cf: {  	v49 =	vld [tilespmem:s13+$0xFFFFFF50];
	v50 =	vadd.f32 v59, v45;
	v35 =	vadd.f32 v35, v37  }
0x1d0: {  	v52 =	vld [tilespmem:s13+$0xFFFFFF30];
	v34 =	vadd.f32 v34, v36;
	v51 =	vadd.f32 v60, v46  }
0x1d1: {  	v53 =	vld [tilespmem:s13+$0xFFFFFF90];
	v54 =	vadd.f32 v62, v50;
	v33 =	vadd.f32 v33, v35  }
0x1d2: {  	v56 =	vld [tilespmem:s13+$0xFFFFFF70];
	v32 =	vadd.f32 v32, v34;
	v55 =	vadd.f32 v63, v51  }
0x1d3: {  	v57 =	vld [tilespmem:s13+$0xFFFFFFD0];
	v58 =	vadd.f32 v48, v54;
	v31 =	vadd.f32 v31, v33  }
0x1d4: {  	v60 =	vld [tilespmem:s13+$0xFFFFFFB0];
	v30 =	vadd.f32 v30, v32;
	v59 =	vadd.f32 v49, v55  }
0x1d5: {  	v61 =	vld [tilespmem:s13+$0x10];
	v29 =	vadd.f32 v29, v31;
	v31 =	vadd.f32 v52, v58  }
0x1d6: {  	v62 =	vld [tilespmem:s13+$0xFFFFFFF0];
	v28 =	vadd.f32 v28, v30;
	v30 =	vadd.f32 v53, v59  }
0x1d7: {  	v63 =	vld [tilespmem:s13+$0x50];
	v27 =	vadd.f32 v27, v29;
	v29 =	vadd.f32 v56, v31  }
0x1d8: {  	v26 =	vadd.f32 v26, v28;
	v28 =	vadd.f32 v57, v30;
	v30 =	vld [tilespmem:s13+$0x30]  }
0x1d9: {  	v31 =	vld [tilespmem:s13+$0x90];
	v25 =	vadd.f32 v25, v27;
	v27 =	vadd.f32 v60, v29  }
0x1da: {  	v24 =	vadd.f32 v24, v26;
	v26 =	vadd.f32 v61, v28;
	v28 =	vld [tilespmem:s13+$0x70]  }
0x1db: {  	v29 =	vld [tilespmem:s13+$0xD0];
	v23 =	vadd.f32 v23, v25;
	v25 =	vadd.f32 v62, v27  }
0x1dc: {  	v22 =	vadd.f32 v22, v24;
	v24 =	vadd.f32 v63, v26;
	v26 =	vld [tilespmem:s13+$0xB0]  }
0x1dd: {  	v27 =	vld [tilespmem:s13+$0x110];
	v21 =	vadd.f32 v21, v23;
	v23 =	vadd.f32 v30, v25  }
0x1de: {  	v20 =	vadd.f32 v20, v22;
	v22 =	vadd.f32 v31, v24;
	v24 =	vld [tilespmem:s13+$0xF0]  }
0x1df: {  	v25 =	vld [tilespmem:s13+$0x150];
	v19 =	vadd.f32 v19, v21;
	v21 =	vadd.f32 v28, v23  }
0x1e0: {  	v18 =	vadd.f32 v18, v20;
	v20 =	vadd.f32 v29, v22;
	v22 =	vld [tilespmem:s13+$0x130]  }
0x1e1: {  	v23 =	vld [tilespmem:s13+$0x190];
	v17 =	vadd.f32 v17, v19;
	v19 =	vadd.f32 v26, v21  }
0x1e2: {  	v16 =	vadd.f32 v16, v18;
	v18 =	vadd.f32 v27, v20;
	v20 =	vld [tilespmem:s13+$0x170]  }
0x1e3: {  	v21 =	vld [tilespmem:s13+$0x1D0];
	v15 =	vadd.f32 v15, v17;
	v17 =	vadd.f32 v24, v19  }
0x1e4: {  	v14 =	vadd.f32 v14, v16;
	v16 =	vadd.f32 v25, v18;
	v18 =	vld [tilespmem:s13+$0x1B0]  }
0x1e5: {  	v19 =	vld [tilespmem:s13+$0x210];
	v13 =	vadd.f32 v13, v15;
	v15 =	vadd.f32 v22, v17  }
0x1e6: {  	s19 =	simm.s32 $0xDC20;
	v12 =	vadd.f32 v12, v14;
	v14 =	vadd.f32 v23, v16;
	v16 =	vld [tilespmem:s13+$0x1F0]  }
0x1e7: {  	v17 =	vld [tilespmem:s19+$0xFFFFFFE0];
	v11 =	vadd.f32 v11, v13;
	v13 =	vadd.f32 v20, v15  }
0x1e8: {  	v10 =	vadd.f32 v10, v12;
	v12 =	vld [tilespmem:s19+$0xFFFFFFF0];
	v14 =	vadd.f32 v21, v14  }
0x1e9: {  	v9 =	vadd.f32 v9, v11;
	v11 =	vld [tilespmem:s13+$0x260];
	v13 =	vadd.f32 v18, v13  }
0x1ea: {  	v8 =	vadd.f32 v8, v10;
	v10 =	vadd.f32 v19, v14;
	v14 =	vld [tilespmem:s19+$0x0]  }
0x1eb: {  	v7 =	vadd.f32 v7, v9;
	v9 =	vadd.f32 v16, v13;
	v13 =	vld [tilespmem:s13+$0x270]  }
0x1ec: {  	v5 =	vadd.f32 v5, v8;
	v6 =	vadd.f32 v6, v10;
	v8 =	vld [tilespmem:s19+$0x10]  }
0x1ed: {  	v3 =	vmul.f32 v3, v17;
	v4 =	vmul.f32 v4, v12;
	v9 =	vadd.f32 v0, v9  }
0x1ee: {  	v7 =	vadd.f32 v11, v7;
	v5 =	vmul.f32 v5, v17;
	v6 =	vmul.f32 v6, v12  }
0x1ef: {  	v0 =	vmov s23;
	v3 =	vadd.f32 v4, v3;
	v4 =	vmul.f32 v1, v14  }
0x1f0: {  	v5 =	vadd.f32 v6, v5;
	v6 =	vmul.f32 v7, v14;
	v7 =	vadd.f32 v13, v9  }
0x1f1: {  	v1 =	vmov s22;
	v3 =	vadd.f32 v4, v3;
	v2 =	vmul.f32 v2, v8  }
0x1f2: {  	v4 =	vadd.f32 v6, v5;
	v5 =	vmul.f32 v7, v8  }
0x1f3: {  	v2 =	vadd.f32 v2, v3  }
0x1f4: {  	s20 =	simm.s32 $0x0;
	v3 =	vadd.f32 v5, v4  }
0x1f5: {  	[tilespmem:v0+s20+$0x0 ss:$0x1] =	vst.idx.msk $0xffff, v2  }
0x1f6: {  	s5 =	simm.s32 $0xE460;
	[tilespmem:v1+s20+$0x0 ss:$0x1] =	vst.idx.msk $0xffff, v3  }
0x1f7: {  	v2 =	vld [tilespmem:s5+$0x10]  }
0x1f8: {  	s12 =	simm.s32 $0xF380;
	v3 =	vld [tilespmem:s5+$0x0]  }
0x1f9: {  	v4 =	vld [tilespmem:s12+$0x230]  }
0x1fa: {  	v5 =	vld [tilespmem:s5+$0xFFFFFFE0]  }
0x1fb: {  	v6 =	vld [tilespmem:s5+$0xFFFFFFF0]  }
0x1fc: {  	v7 =	vld [tilespmem:s12+$0x240]  }
0x1fd: {  	v8 =	vld [tilespmem:s12+$0x250]  }
0x1fe: {  	v9 =	vld [tilespmem:s12+$0x220]  }
0x1ff: {  	v10 =	vld [tilespmem:s12+$0x200]  }
0x200: {  	v11 =	vld [tilespmem:s12+$0x1E0]  }
0x201: {  	v12 =	vld [tilespmem:s12+$0x1C0]  }
0x202: {  	v13 =	vld [tilespmem:s12+$0x1A0]  }
0x203: {  	v14 =	vld [tilespmem:s12+$0x180]  }
0x204: {  	v15 =	vld [tilespmem:s12+$0x160]  }
0x205: {  	v16 =	vld [tilespmem:s12+$0x140]  }
0x206: {  	v17 =	vld [tilespmem:s12+$0x120]  }
0x207: {  	v18 =	vld [tilespmem:s12+$0x100]  }
0x208: {  	v19 =	vld [tilespmem:s12+$0xE0]  }
0x209: {  	v20 =	vld [tilespmem:s12+$0xC0]  }
0x20a: {  	v21 =	vld [tilespmem:s12+$0xA0]  }
0x20b: {  	v22 =	vld [tilespmem:s12+$0x80]  }
0x20c: {  	v23 =	vld [tilespmem:s12+$0x60]  }
0x20d: {  	v24 =	vld [tilespmem:s12+$0x40]  }
0x20e: {  	v25 =	vld [tilespmem:s12+$0x20]  }
0x20f: {  	v26 =	vld [tilespmem:s12+$0x0]  }
0x210: {  	v27 =	vld [tilespmem:s12+$0xFFFFFFE0]  }
0x211: {  	v28 =	vld [tilespmem:s12+$0xFFFFFFC0]  }
0x212: {  	v29 =	vld [tilespmem:s12+$0xFFFFFFA0]  }
0x213: {  	v30 =	vld [tilespmem:s12+$0xFFFFFF80]  }
0x214: {  	v31 =	vld [tilespmem:s12+$0xFFFFFF60]  }
0x215: {  	v32 =	vld [tilespmem:s12+$0xFFFFFF40]  }
0x216: {  	v33 =	vld [tilespmem:s12+$0xFFFFFF20]  }
0x217: {  	v34 =	vld [tilespmem:s12+$0xFFFFFF00]  }
0x218: {  	v35 =	vld [tilespmem:s12+$0xFFFFFEE0]  }
0x219: {  	v36 =	vld [tilespmem:s12+$0xFFFFFEC0]  }
0x21a: {  	v37 =	vld [tilespmem:s12+$0xFFFFFEA0]  }
0x21b: {  	v38 =	vld [tilespmem:s12+$0xFFFFFE80]  }
0x21c: {  	v39 =	vld [tilespmem:s12+$0xFFFFFE60]  }
0x21d: {  	v40 =	vld [tilespmem:s12+$0xFFFFFE40]  }
0x21e: {  	v41 =	vld [tilespmem:s12+$0xFFFFFE20]  }
0x21f: {  	v42 =	vld [tilespmem:s12+$0xFFFFFDF0]  }
0x220: {  	v43 =	vld [tilespmem:s12+$0xFFFFFE00]  }
0x221: {  	v44 =	vld [tilespmem:s12+$0xFFFFFDE0]  }
0x222: {  	v45 =	vld [tilespmem:s12+$0xFFFFFDC0]  }
0x223: {  	v46 =	vld [tilespmem:s12+$0xFFFFFD80]  }
0x224: {  	v47 =	vld [tilespmem:s12+$0xFFFFFDD0]  }
0x225: {  	s6 =	simm.s32 $0x80;
	s13 =	simm.s32 $0x40;
	v48 =	vld [tilespmem:s12+$0xFFFFFD90]  }
.LBB2_5:
0x226: {  	p0 =	sne.s32 s6, $0x7C0;
	v49 =	vld [tilespmem:s12+$0xFFFFFDA0]  }
0x227: {  	v50 =	vld [tilespmem:s12+$0xFFFFFE10]  }
0x228: {  	v51 =	vld [tilespmem:s12+$0xFFFFFDB0]  }
0x229: {  	v52 =	vld [tilespmem:s12+$0xFFFFFE50]  }
0x22a: {  	v45 =	vadd.f32 v45, v46;
	v46 =	vadd.f32 v47, v48;
	v47 =	vld [tilespmem:s12+$0xFFFFFE30]  }
0x22b: {  	v48 =	vld [tilespmem:s12+$0xFFFFFE90];
	v44 =	vadd.f32 v44, v49  }
0x22c: {  	v43 =	vadd.f32 v43, v45;
	v45 =	vadd.f32 v50, v46;
	v46 =	vld [tilespmem:s12+$0xFFFFFE70]  }
0x22d: {  	v49 =	vld [tilespmem:s12+$0xFFFFFED0];
	v41 =	vadd.f32 v41, v44;
	v42 =	vadd.f32 v42, v51  }
0x22e: {  	v40 =	vadd.f32 v40, v43;
	v43 =	vadd.f32 v52, v45;
	v44 =	vld [tilespmem:s12+$0xFFFFFEB0]  }
0x22f: {  	v45 =	vld [tilespmem:s12+$0xFFFFFF10];
	v39 =	vadd.f32 v39, v41;
	v41 =	vadd.f32 v47, v42  }
0x230: {  	v38 =	vadd.f32 v38, v40;
	v40 =	vadd.f32 v48, v43;
	v42 =	vld [tilespmem:s12+$0xFFFFFEF0]  }
0x231: {  	v43 =	vld [tilespmem:s12+$0xFFFFFF50];
	v37 =	vadd.f32 v37, v39;
	v39 =	vadd.f32 v46, v41  }
0x232: {  	v36 =	vadd.f32 v36, v38;
	v38 =	vadd.f32 v49, v40;
	v40 =	vld [tilespmem:s12+$0xFFFFFF30]  }
0x233: {  	v41 =	vld [tilespmem:s12+$0xFFFFFF90];
	v35 =	vadd.f32 v35, v37;
	v37 =	vadd.f32 v44, v39  }
0x234: {  	v34 =	vadd.f32 v34, v36;
	v36 =	vadd.f32 v45, v38;
	v38 =	vld [tilespmem:s12+$0xFFFFFF70]  }
0x235: {  	v39 =	vld [tilespmem:s12+$0xFFFFFFD0];
	v33 =	vadd.f32 v33, v35;
	v35 =	vadd.f32 v42, v37  }
0x236: {  	v32 =	vadd.f32 v32, v34;
	v34 =	vadd.f32 v43, v36;
	v36 =	vld [tilespmem:s12+$0xFFFFFFB0]  }
0x237: {  	v37 =	vld [tilespmem:s12+$0x10];
	v31 =	vadd.f32 v31, v33;
	v33 =	vadd.f32 v40, v35  }
0x238: {  	v30 =	vadd.f32 v30, v32;
	v32 =	vadd.f32 v41, v34;
	v34 =	vld [tilespmem:s12+$0xFFFFFFF0]  }
0x239: {  	v35 =	vld [tilespmem:s12+$0x50];
	v29 =	vadd.f32 v29, v31;
	v31 =	vadd.f32 v38, v33  }
0x23a: {  	v28 =	vadd.f32 v28, v30;
	v30 =	vadd.f32 v39, v32;
	v32 =	vld [tilespmem:s12+$0x30]  }
0x23b: {  	v33 =	vld [tilespmem:s12+$0x90];
	v27 =	vadd.f32 v27, v29;
	v29 =	vadd.f32 v36, v31  }
0x23c: {  	v26 =	vadd.f32 v26, v28;
	v28 =	vadd.f32 v37, v30;
	v30 =	vld [tilespmem:s12+$0x70]  }
0x23d: {  	v31 =	vld [tilespmem:s12+$0xD0];
	v25 =	vadd.f32 v25, v27;
	v27 =	vadd.f32 v34, v29  }
0x23e: {  	v24 =	vadd.f32 v24, v26;
	v26 =	vadd.f32 v35, v28;
	v28 =	vld [tilespmem:s12+$0xB0]  }
0x23f: {  	v29 =	vld [tilespmem:s12+$0x110];
	v23 =	vadd.f32 v23, v25;
	v25 =	vadd.f32 v32, v27  }
0x240: {  	v22 =	vadd.f32 v22, v24;
	v24 =	vadd.f32 v33, v26;
	v26 =	vld [tilespmem:s12+$0xF0]  }
0x241: {  	v27 =	vld [tilespmem:s12+$0x150];
	v21 =	vadd.f32 v21, v23;
	v23 =	vadd.f32 v30, v25  }
0x242: {  	v20 =	vadd.f32 v20, v22;
	v22 =	vadd.f32 v31, v24;
	v24 =	vld [tilespmem:s12+$0x130]  }
0x243: {  	v25 =	vld [tilespmem:s12+$0x190];
	v19 =	vadd.f32 v19, v21;
	v21 =	vadd.f32 v28, v23  }
0x244: {  	v18 =	vadd.f32 v18, v20;
	v20 =	vadd.f32 v29, v22;
	v22 =	vld [tilespmem:s12+$0x170]  }
0x245: {  	v23 =	vld [tilespmem:s12+$0x1D0];
	v17 =	vadd.f32 v17, v19;
	v19 =	vadd.f32 v26, v21  }
0x246: {  	v16 =	vadd.f32 v16, v18;
	v18 =	vadd.f32 v27, v20;
	v20 =	vld [tilespmem:s12+$0x1B0]  }
0x247: {  	v21 =	vld [tilespmem:s12+$0x210];
	v15 =	vadd.f32 v15, v17;
	v17 =	vadd.f32 v24, v19  }
0x248: {  	s19 =	sadd.s32 $0x40, s19;
	v14 =	vadd.f32 v14, v16;
	v16 =	vadd.f32 v25, v18;
	v18 =	vld [tilespmem:s12+$0x1F0]  }
0x249: {  	v19 =	vld [tilespmem:s19+$0xFFFFFFE0];
	v13 =	vadd.f32 v13, v15;
	v15 =	vadd.f32 v22, v17  }
0x24a: {  	v12 =	vadd.f32 v12, v14;
	v14 =	vld [tilespmem:s19+$0xFFFFFFF0];
	v16 =	vadd.f32 v23, v16  }
0x24b: {  	v11 =	vadd.f32 v11, v13;
	v13 =	vld [tilespmem:s12+$0x260];
	v15 =	vadd.f32 v20, v15  }
0x24c: {  	v10 =	vadd.f32 v10, v12;
	v12 =	vadd.f32 v21, v16;
	v16 =	vld [tilespmem:s19+$0x0]  }
0x24d: {  	v9 =	vadd.f32 v9, v11;
	v11 =	vadd.f32 v18, v15;
	v15 =	vld [tilespmem:s12+$0x270]  }
0x24e: {  	v7 =	vadd.f32 v7, v10;
	v8 =	vadd.f32 v8, v12;
	v10 =	vld [tilespmem:s19+$0x10]  }
0x24f: {  	v5 =	vmul.f32 v5, v19;
	v6 =	vmul.f32 v6, v14;
	v4 =	vadd.f32 v4, v11  }
0x250: {  	v7 =	vmul.f32 v7, v19;
	v8 =	vmul.f32 v8, v14;
	v9 =	vadd.f32 v13, v9  }
0x251: {  	v5 =	vadd.f32 v6, v5;
	v3 =	vmul.f32 v3, v16  }
0x252: {  	v6 =	vadd.f32 v8, v7;
	v7 =	vmul.f32 v9, v16;
	v4 =	vadd.f32 v15, v4  }
0x253: {  	v3 =	vadd.f32 v3, v5;
	v2 =	vmul.f32 v2, v10  }
0x254: {  	v5 =	vadd.f32 v7, v6;
	v4 =	vmul.f32 v4, v10  }
0x255: {  	v2 =	vadd.f32 v2, v3  }
0x256: {  	s7 =	sshra.s32 s13, $0x2;
	s13 =	smov.u32 s6;
	v3 =	vadd.f32 v4, v5  }
0x257: {  	[tilespmem:v0+s7+$0x0 ss:$0x1] =	vst.idx.msk $0xffff, v2  }
0x258: {  	s5 =	sadd.s32 $0x40, s5;
	[tilespmem:v1+s7+$0x0 ss:$0x1] =	vst.idx.msk $0xffff, v3  }
0x259: {  	v2 =	vld [tilespmem:s5+$0x10]  }
0x25a: {  	s12 =	sadd.s32 $0x500, s12;
	v3 =	vld [tilespmem:s5+$0x0]  }
0x25b: {  	v4 =	vld [tilespmem:s12+$0x230]  }
0x25c: {  	v5 =	vld [tilespmem:s5+$0xFFFFFFE0]  }
0x25d: {  	v6 =	vld [tilespmem:s5+$0xFFFFFFF0]  }
0x25e: {  	v7 =	vld [tilespmem:s12+$0x240]  }
0x25f: {  	v8 =	vld [tilespmem:s12+$0x250]  }
0x260: {  	v9 =	vld [tilespmem:s12+$0x220]  }
0x261: {  	v10 =	vld [tilespmem:s12+$0x200]  }
0x262: {  	v11 =	vld [tilespmem:s12+$0x1E0]  }
0x263: {  	v12 =	vld [tilespmem:s12+$0x1C0]  }
0x264: {  	v13 =	vld [tilespmem:s12+$0x1A0]  }
0x265: {  	v14 =	vld [tilespmem:s12+$0x180]  }
0x266: {  	v15 =	vld [tilespmem:s12+$0x160]  }
0x267: {  	v16 =	vld [tilespmem:s12+$0x140]  }
0x268: {  	v17 =	vld [tilespmem:s12+$0x120]  }
0x269: {  	v18 =	vld [tilespmem:s12+$0x100]  }
0x26a: {  	v19 =	vld [tilespmem:s12+$0xE0]  }
0x26b: {  	v20 =	vld [tilespmem:s12+$0xC0]  }
0x26c: {  	v21 =	vld [tilespmem:s12+$0xA0]  }
0x26d: {  	v22 =	vld [tilespmem:s12+$0x80]  }
0x26e: {  	v23 =	vld [tilespmem:s12+$0x60]  }
0x26f: {  	v24 =	vld [tilespmem:s12+$0x40]  }
0x270: {  	v25 =	vld [tilespmem:s12+$0x20]  }
0x271: {  	v26 =	vld [tilespmem:s12+$0x0]  }
0x272: {  	v27 =	vld [tilespmem:s12+$0xFFFFFFE0]  }
0x273: {  	v28 =	vld [tilespmem:s12+$0xFFFFFFC0]  }
0x274: {  	v29 =	vld [tilespmem:s12+$0xFFFFFFA0]  }
0x275: {  	v30 =	vld [tilespmem:s12+$0xFFFFFF80]  }
0x276: {  	v31 =	vld [tilespmem:s12+$0xFFFFFF60]  }
0x277: {  	v32 =	vld [tilespmem:s12+$0xFFFFFF40]  }
0x278: {  	v33 =	vld [tilespmem:s12+$0xFFFFFF20]  }
0x279: {  	v34 =	vld [tilespmem:s12+$0xFFFFFF00]  }
0x27a: {  	v35 =	vld [tilespmem:s12+$0xFFFFFEE0]  }
0x27b: {  	v36 =	vld [tilespmem:s12+$0xFFFFFEC0]  }
0x27c: {  	v37 =	vld [tilespmem:s12+$0xFFFFFEA0]  }
0x27d: {  	v38 =	vld [tilespmem:s12+$0xFFFFFE80]  }
0x27e: {  	v39 =	vld [tilespmem:s12+$0xFFFFFE60]  }
0x27f: {  	v40 =	vld [tilespmem:s12+$0xFFFFFE40]  }
0x280: {  	v41 =	vld [tilespmem:s12+$0xFFFFFE20]  }
0x281: {  	v42 =	vld [tilespmem:s12+$0xFFFFFDF0]  }
0x282: {  	v43 =	vld [tilespmem:s12+$0xFFFFFE00]  }
.Ltmp1:
0x283: {  	v44 =	vld [tilespmem:s12+$0xFFFFFDE0];
	(pc) =	sbr.rel @p0 .LBB2_5-.Ltmp1, $4  }
0x284: {  	v45 =	vld [tilespmem:s12+$0xFFFFFDC0]  }
0x285: {  	v46 =	vld [tilespmem:s12+$0xFFFFFD80]  }
0x286: {  	v47 =	vld [tilespmem:s12+$0xFFFFFDD0]  }
0x287: {  	s6 =	sadd.s32 $0x40, s6;
	v48 =	vld [tilespmem:s12+$0xFFFFFD90]  }
0x288: {  	v49 =	vld [tilespmem:s12+$0xFFFFFDA0]  }
0x289: {  	v50 =	vld [tilespmem:s12+$0xFFFFFE10]  }
0x28a: {  	v51 =	vld [tilespmem:s12+$0xFFFFFDB0]  }
0x28b: {  	v52 =	vld [tilespmem:s12+$0xFFFFFE50];
	v45 =	vadd.f32 v45, v46  }
0x28c: {  	v58 =	vld [tilespmem:s12+$0xFFFFFE30];
	v57 =	vadd.f32 v47, v48  }
0x28d: {  	v59 =	vld [tilespmem:s12+$0xFFFFFE90];
	v43 =	vadd.f32 v43, v45  }
0x28e: {  	v61 =	vld [tilespmem:s12+$0xFFFFFE70];
	v44 =	vadd.f32 v44, v49;
	v60 =	vadd.f32 v50, v57  }
0x28f: {  	v62 =	vld [tilespmem:s12+$0xFFFFFED0];
	v42 =	vadd.f32 v42, v51;
	v40 =	vadd.f32 v40, v43  }
0x290: {  	v50 =	vld [tilespmem:s12+$0xFFFFFEB0];
	v41 =	vadd.f32 v41, v44;
	v63 =	vadd.f32 v52, v60  }
0x291: {  	v51 =	vld [tilespmem:s12+$0xFFFFFF10];
	v52 =	vadd.f32 v58, v42;
	v38 =	vadd.f32 v38, v40  }
0x292: {  	v54 =	vld [tilespmem:s12+$0xFFFFFEF0];
	v39 =	vadd.f32 v39, v41;
	v53 =	vadd.f32 v59, v63  }
0x293: {  	v55 =	vld [tilespmem:s12+$0xFFFFFF50];
	v56 =	vadd.f32 v61, v52;
	v36 =	vadd.f32 v36, v38  }
0x294: {  	v58 =	vld [tilespmem:s12+$0xFFFFFF30];
	v37 =	vadd.f32 v37, v39;
	v57 =	vadd.f32 v62, v53  }
0x295: {  	v59 =	vld [tilespmem:s12+$0xFFFFFF90];
	v60 =	vadd.f32 v50, v56;
	v34 =	vadd.f32 v34, v36  }
0x296: {  	v62 =	vld [tilespmem:s12+$0xFFFFFF70];
	v35 =	vadd.f32 v35, v37;
	v61 =	vadd.f32 v51, v57  }
0x297: {  	v63 =	vld [tilespmem:s12+$0xFFFFFFD0];
	v44 =	vadd.f32 v54, v60;
	v32 =	vadd.f32 v32, v34  }
0x298: {  	v46 =	vld [tilespmem:s12+$0xFFFFFFB0];
	v33 =	vadd.f32 v33, v35;
	v45 =	vadd.f32 v55, v61  }
0x299: {  	v47 =	vld [tilespmem:s12+$0x10];
	v48 =	vadd.f32 v58, v44;
	v30 =	vadd.f32 v30, v32  }
0x29a: {  	v50 =	vld [tilespmem:s12+$0xFFFFFFF0];
	v31 =	vadd.f32 v31, v33;
	v49 =	vadd.f32 v59, v45  }
0x29b: {  	v51 =	vld [tilespmem:s12+$0x50];
	v52 =	vadd.f32 v62, v48;
	v28 =	vadd.f32 v28, v30  }
0x29c: {  	v54 =	vld [tilespmem:s12+$0x30];
	v29 =	vadd.f32 v29, v31;
	v53 =	vadd.f32 v63, v49  }
0x29d: {  	v55 =	vld [tilespmem:s12+$0x90];
	v56 =	vadd.f32 v46, v52;
	v26 =	vadd.f32 v26, v28  }
0x29e: {  	v58 =	vld [tilespmem:s12+$0x70];
	v27 =	vadd.f32 v27, v29;
	v57 =	vadd.f32 v47, v53  }
0x29f: {  	v59 =	vld [tilespmem:s12+$0xD0];
	v60 =	vadd.f32 v50, v56;
	v24 =	vadd.f32 v24, v26  }
0x2a0: {  	v62 =	vld [tilespmem:s12+$0xB0];
	v25 =	vadd.f32 v25, v27;
	v61 =	vadd.f32 v51, v57  }
0x2a1: {  	v63 =	vld [tilespmem:s12+$0x110];
	v32 =	vadd.f32 v54, v60;
	v22 =	vadd.f32 v22, v24  }
0x2a2: {  	v34 =	vld [tilespmem:s12+$0xF0];
	v23 =	vadd.f32 v23, v25;
	v33 =	vadd.f32 v55, v61  }
0x2a3: {  	v35 =	vld [tilespmem:s12+$0x150];
	v36 =	vadd.f32 v58, v32;
	v20 =	vadd.f32 v20, v22  }
0x2a4: {  	v38 =	vld [tilespmem:s12+$0x130];
	v21 =	vadd.f32 v21, v23;
	v37 =	vadd.f32 v59, v33  }
0x2a5: {  	v39 =	vld [tilespmem:s12+$0x190];
	v40 =	vadd.f32 v62, v36;
	v18 =	vadd.f32 v18, v20  }
0x2a6: {  	v42 =	vld [tilespmem:s12+$0x170];
	v19 =	vadd.f32 v19, v21;
	v41 =	vadd.f32 v63, v37  }
0x2a7: {  	v43 =	vld [tilespmem:s12+$0x1D0];
	v44 =	vadd.f32 v34, v40;
	v16 =	vadd.f32 v16, v18  }
0x2a8: {  	v46 =	vld [tilespmem:s12+$0x1B0];
	v17 =	vadd.f32 v17, v19;
	v45 =	vadd.f32 v35, v41  }
0x2a9: {  	v47 =	vld [tilespmem:s12+$0x210];
	v48 =	vadd.f32 v38, v44;
	v14 =	vadd.f32 v14, v16  }
0x2aa: {  	s5 =	sadd.s32 $0x40, s19;
	v50 =	vld [tilespmem:s12+$0x1F0];
	v15 =	vadd.f32 v15, v17;
	v49 =	vadd.f32 v39, v45  }
0x2ab: {  	v53 =	vld [tilespmem:s5+$0xFFFFFFF0];
	v52 =	vadd.f32 v42, v48;
	v12 =	vadd.f32 v12, v14  }
0x2ac: {  	v51 =	vld [tilespmem:s5+$0xFFFFFFE0];
	v13 =	vadd.f32 v13, v15;
	v16 =	vadd.f32 v43, v49  }
0x2ad: {  	v54 =	vld [tilespmem:s12+$0x260];
	v15 =	vadd.f32 v46, v52;
	v10 =	vadd.f32 v10, v12  }
0x2ae: {  	v56 =	vld [tilespmem:s5+$0x0];
	v11 =	vadd.f32 v11, v13;
	v55 =	vadd.f32 v47, v16  }
0x2af: {  	v58 =	vld [tilespmem:s12+$0x270];
	v57 =	vadd.f32 v50, v15;
	v7 =	vadd.f32 v7, v10  }
0x2b0: {  	v59 =	vld [tilespmem:s5+$0x10];
	v9 =	vadd.f32 v9, v11;
	v8 =	vadd.f32 v8, v55  }
0x2b1: {  	v6 =	vmul.f32 v6, v53;
	v5 =	vmul.f32 v5, v51;
	v4 =	vadd.f32 v4, v57  }
0x2b2: {  	v7 =	vmul.f32 v7, v51;
	v9 =	vadd.f32 v54, v9;
	v8 =	vmul.f32 v8, v53  }
0x2b3: {  	v3 =	vmul.f32 v3, v56;
	v5 =	vadd.f32 v6, v5  }
0x2b4: {  	s26 =	sadd.s32 $0x1, s26;
	v4 =	vadd.f32 v58, v4;
	v61 =	vmul.f32 v9, v56;
	v60 =	vadd.f32 v8, v7  }
0x2b5: {  	p0 =	sne.s32 s26, $0x8;
	v3 =	vadd.f32 v3, v5;
	v2 =	vmul.f32 v2, v59  }
.Ltmp2:
0x2b6: {  	v4 =	vmul.f32 v4, v59;
	v62 =	vadd.f32 v61, v60;
	(pc) =	sbr.rel @p0 .LBB2_2-.Ltmp2, $4  }
0x2b7: {  	v2 =	vadd.f32 v2, v3  }
0x2b8: {  	s20 =	sshra.s32 s13, $0x2;
	v63 =	vadd.f32 v4, v62  }
0x2b9: {  	s25 =	sadd.s32 $0x400, s25;
	[tilespmem:v0+s20+$0x0 ss:$0x1] =	vst.idx.msk $0xffff, v2  }
0x2ba: {  	s24 =	sadd.s32 $0x400, s24;
	s22 =	sadd.s32 $0x400, s22;
	s23 =	sadd.s32 $0x400, s23;
	[tilespmem:v1+s20+$0x0 ss:$0x1] =	vst.idx.msk $0xffff, v63  }
0x2bb: {  	s5 =	simm.s32 $0x18C00  }
0x2bc: {  	[hbm4b:s8+s2] =	stream.linear.scatter [tilespmem:s5], [sflag:$0x3], $0x2000, $0x38;
	[tilespmem:$0x1CC00] =	vst v63  }
0x2bd: {  	s21 =	sadd.s32 $0x1, s21;
	_ =	swait.ge [sflag:s11], $0x2000  }
0x2be: {  	p0 =	sne.s32 s21, s10;
	[sflag:s11] =	ssyncset.done $0x0  }
.Ltmp3:
0x2bf: {  	s26 =	simm.s32 $0x1AC00;
	[sflag:s11] =	ssyncadd.s32 $0xFFFFE000;
	(pc) =	sbr.rel @p0 .LBB2_1-.Ltmp3, $4  }
0x2c0: {  	[hbm4b:s9+s2] =	stream.linear.scatter [tilespmem:s26], [sflag:$0x3], $0x2000, $0x38;
	[tilespmem:$0x1CC00] =	vst v63  }
0x2c1: {  	_ =	swait.ge [sflag:s11], $0x2000  }
0x2c2: {  	[sflag:s11] =	ssyncset.done $0x0  }
0x2c3: {  	[sflag:s11] =	ssyncadd.s32 $0xFFFFE000  }
0x2c4: {  	_ =	sfence.sel $0x180000  }
0x2c5: {  	[bflag:$0x0] =	sbarrier.arrive $0xFFFF  }
0x2c6: {  	_ =	strace $0x90000047  }
0x2c7: {  	s0 =	stileid.u32;
	[bflag:$0x2] =	sbarrier.arrive $0xFFFF  }
0x2c8: {  	p0 =	sne.s32 s0, $0x0;
	s0 =	rddreg [dreg:$0x3]  }
0x2c9: {  	s0 =	sadd.s32 @!p0 $0x100000, s0  }
0x2ca: {  	[sflag:s0] =	ssyncadd.tile.s32 @!p0 $0x1;
	_ =	shalt  }
.Lfunc_end2:
_tile_overlayer_lowered:
.L_overlay_start_2:
0x2cb: {  	(tag) =	ssettag $0x2  }
0x2cc: {  	s0 =	rddreg [dreg:$0x0];
	s2 =	stileid.u32  }
0x2cd: {  	s1 =	rddreg [dreg:$0x1];
	p0 =	sne.s32 s2, $0x0  }
0x2ce: {  	s3 =	rddreg [dreg:$0x2];
	[bflag:$0x3] =	sbarrier.arrive $0xFFFF;
	s2 =	simm.s32 @!p0 $0x1C03  }
0x2cf: {  	[timem:s3], [sflag:s2] =	dma.local @!p0 [hbm:s0], s1  }
0x2d0: {  	s0 =	simm.s32 @!p0 $0x3  }
0x2d1: {  	_ =	swait.ge @!p0 [sflag:s0], s1  }
0x2d2: {  	s1 =	ssub.s32 @!p0 $0x0, s1;
	[sflag:s0] =	ssyncset.done @!p0 $0x0  }
0x2d3: {  	[sflag:s0] =	ssyncadd.s32 @!p0 s1  }
0x2d4: {  	[bflag:$0x3] =	sbarrier.arrive $0xFFFF  }
0x2d5: {  	_ =	shalt  }

</sc_bundles>
